<compile_context>
chip_gen: v7x
topology: tpu7x:2x2x1
jax: 0.10.2.dev20260603
libtpu: 0.0.44.dev20260713+nightly
codegen_flags: <defaults>
</compile_context>

<pallas_src>
import functools

import jax
import jax.numpy as jnp
from jax import lax
from jax.experimental import pallas as pl
from jax.experimental.pallas import tpu as pltpu
from jax.experimental.pallas import tpu_sc as plsc

_N = 10000
_E = 320000
_DIN = 128
_H = 64
_G = 64

_CH = 80
_NC, _NS = 1, 16
_NW = _NC * _NS
_CPW = 250

_RPT = 640
_RLAST = _N - 15 * _RPT

_DEGW = 16


def _rowslice_copy(s, src, dst):
    @pl.when(s < _NS - 1)
    def _():
        pltpu.sync_copy(src.at[pl.ds(s * _RPT, _RPT)],
                        dst.at[pl.ds(s * _RPT, _RPT)])

    @pl.when(s == _NS - 1)
    def _():
        pltpu.sync_copy(src.at[pl.ds(15 * _RPT, _RLAST)],
                        dst.at[pl.ds(15 * _RPT, _RLAST)])

_mesh = plsc.VectorSubcoreMesh(
    core_axis_name="c", subcore_axis_name="s", num_cores=1, num_subcores=_NS)


@functools.partial(
    pl.kernel,
    out_type=jax.ShapeDtypeStruct((_NC, _N, _DEGW), jnp.float32),
    mesh=_mesh,
    scratch_types=[
        pltpu.VMEM((_CPW, _CH), jnp.int32),
        pltpu.VMEM((_CH, _DEGW), jnp.float32),
        pltpu.VMEM_SHARED((_N, _DEGW), jnp.float32),
        pltpu.SemaphoreType.DMA,
    ],
    compiler_params=pltpu.CompilerParams(use_tc_tiling_on_sc=False),
)
def _sc_deg(col_hbm, ones_hbm, zeros_hbm, out_hbm, col_v, ones_v, dacc, sem):
    c = lax.axis_index("c")
    s = lax.axis_index("s")
    w = s * _NC + c
    _rowslice_copy(s, zeros_hbm, dacc)
    pltpu.sync_copy(ones_hbm, ones_v)
    pltpu.sync_copy(col_hbm.at[w], col_v)
    plsc.subcore_barrier()

    def fire(j, _):
        pltpu.async_copy(ones_v, dacc.at[col_v.at[j]], sem, add=True)
        return 0

    def wait1(j, _):
        pltpu.make_async_copy(ones_v, dacc.at[col_v.at[j]], sem).wait()
        return 0

    lax.fori_loop(0, 8, fire, 0)

    def pipe(j, _):
        wait1(j - 8, 0)
        fire(j, 0)
        return 0

    lax.fori_loop(8, _CPW, pipe, 0)
    lax.fori_loop(_CPW - 8, _CPW, wait1, 0)
    plsc.subcore_barrier()
    _rowslice_copy(s, dacc, out_hbm.at[c])


@functools.partial(
    pl.kernel,
    out_type=jax.ShapeDtypeStruct((_NC, _N, _H), jnp.float32),
    mesh=_mesh,
    scratch_types=[
        pltpu.VMEM((_CPW, _CH), jnp.int32),
        pltpu.VMEM((_CPW, _CH), jnp.int32),
        [pltpu.VMEM((_CH, _H), jnp.float32) for _ in range(5)],
        pltpu.VMEM_SHARED((_N, _H), jnp.float32),
        [pltpu.SemaphoreType.DMA for _ in range(5)],
        [pltpu.SemaphoreType.DMA for _ in range(5)],
    ],
    compiler_params=pltpu.CompilerParams(use_tc_tiling_on_sc=False),
)
def _sc_agg(pp_hbm, row_hbm, col_hbm, zeros_hbm, out_hbm,
            row_v, col_v, bufs, acc, gsems, ssems):
    c = lax.axis_index("c")
    s = lax.axis_index("s")
    w = s * _NC + c
    _rowslice_copy(s, zeros_hbm, acc)
    pltpu.sync_copy(row_hbm.at[w], row_v)
    pltpu.sync_copy(col_hbm.at[w], col_v)
    plsc.subcore_barrier()

    def wait_g(j, k):
        pltpu.make_async_copy(pp_hbm.at[row_v.at[j]], bufs[k], gsems[k]).wait()

    def wait_s(j, k):
        pltpu.make_async_copy(bufs[k], acc.at[col_v.at[j]], ssems[k]).wait()

    for k in range(5):
        pltpu.async_copy(pp_hbm.at[row_v.at[k]], bufs[k], gsems[k])

    def body(jj, _):
        base = jj * 5
        for k in range(5):
            wait_g(base + k, k)
            pltpu.async_copy(bufs[k], acc.at[col_v.at[base + k]],
                             ssems[k], add=True)
        for k in range(5):
            wait_s(base + k, k)
            pltpu.async_copy(pp_hbm.at[row_v.at[base + 5 + k]],
                             bufs[k], gsems[k])
        return 0

    lax.fori_loop(0, _CPW // 5 - 1, body, 0)
    for k in range(5):
        wait_g(_CPW - 5 + k, k)
        pltpu.async_copy(bufs[k], acc.at[col_v.at[_CPW - 5 + k]],
                         ssems[k], add=True)
    for k in range(5):
        wait_s(_CPW - 5 + k, k)

    plsc.subcore_barrier()
    _rowslice_copy(s, acc, out_hbm.at[c])


def _dinv_of(degT_ref):
    return lax.rsqrt(degT_ref[:, 0:1] + 1.0)


def _tca1_body(x_ref, w0_ref, b0_ref, w1_ref, out_ref):
    h0 = jnp.dot(x_ref[...], w0_ref[...],
                 preferred_element_type=jnp.float32) + b0_ref[...]
    out_ref[...] = jnp.dot(h0, w1_ref[...], preferred_element_type=jnp.float32)


_tca1 = pl.pallas_call(
    _tca1_body, out_shape=jax.ShapeDtypeStruct((_N, _H), jnp.float32))


def _tca2_body(q_ref, degT_ref, out_ref):
    out_ref[...] = q_ref[...] * _dinv_of(degT_ref)


_tca2 = pl.pallas_call(
    _tca2_body, out_shape=jax.ShapeDtypeStruct((_N, _H), jnp.float32))


def _tcb_body(agg_ref, pp_ref, degT_ref, b_ref, w_ref, out_ref):
    dinv = _dinv_of(degT_ref)
    ssum = agg_ref[...] + pp_ref[...]
    h = jnp.maximum(ssum * dinv + b_ref[...], 0.0)
    out_ref[...] = jnp.dot(h, w_ref[...],
                           preferred_element_type=jnp.float32) * dinv


_tcb = pl.pallas_call(
    _tcb_body, out_shape=jax.ShapeDtypeStruct((_N, _H), jnp.float32))


def _tcc_body(agg_ref, pp_ref, degT_ref, b3_ref, batch_ref,
              wh1_ref, bh1_ref, wh2_ref, bh2_ref, out_ref):
    dinv = _dinv_of(degT_ref)
    ssum = agg_ref[...] + pp_ref[...]
    h = jnp.maximum(ssum * dinv + b3_ref[...], 0.0)
    gids = lax.broadcasted_iota(jnp.int32, (_G, _N), 0)
    onehot = (gids == batch_ref[...]).astype(jnp.float32)
    gsum = jnp.dot(onehot, h, preferred_element_type=jnp.float32)
    cnt = jnp.sum(onehot, axis=1, keepdims=True)
    gmean = gsum / jnp.maximum(cnt, 1.0)
    pooled = jnp.concatenate([gsum, gmean], axis=1)
    z = jnp.maximum(
        jnp.dot(pooled, wh1_ref[...], preferred_element_type=jnp.float32)
        + bh1_ref[...], 0.0)
    out_ref[...] = jnp.dot(z, wh2_ref[...],
                           preferred_element_type=jnp.float32) + bh2_ref[...]


_tcc = pl.pallas_call(
    _tcc_body, out_shape=jax.ShapeDtypeStruct((_G, 1), jnp.float32))


def kernel(x, edge_index, edge_attr, batch,
           W0, b0, W1, b1, W2, b2, W3, b3, Wh1, bh1, Wh2, bh2):
    del edge_attr
    row2d = edge_index[0].reshape(_NW, _CPW, _CH)
    col2d = edge_index[1].reshape(_NW, _CPW, _CH)
    zeros_h = jnp.zeros((_N, _H), jnp.float32)
    zeros_d = jnp.zeros((_N, _DEGW), jnp.float32)
    ones_d = jnp.ones((_CH, _DEGW), jnp.float32)

    degp = _sc_deg(col2d, ones_d, zeros_d)
    degT = jnp.transpose(degp[:, :, 0])

    q1 = _tca1(x, W0, b0.reshape(1, _H), W1)
    pp1 = _tca2(q1, degT)
    agg1 = _sc_agg(pp1, row2d, col2d, zeros_h).reshape(_N, _H)
    pp2 = _tcb(agg1, pp1, degT, b1.reshape(1, _H), W2)
    agg2 = _sc_agg(pp2, row2d, col2d, zeros_h).reshape(_N, _H)
    pp3 = _tcb(agg2, pp2, degT, b2.reshape(1, _H), W3)
    agg3 = _sc_agg(pp3, row2d, col2d, zeros_h).reshape(_N, _H)
    out = _tcc(agg3, pp3, degT, b3.reshape(1, _H), batch.reshape(1, _N),
               Wh1, bh1.reshape(1, _H), Wh2, bh2.reshape(1, 1))
    return out

# --- scband reference (transcript-rebuilt; emitter-appended) ---
"""Pipeline reference for scband-gcn-58643483460244 (READ-ONLY COPY).

The authoritative reference and input builder live on the scoring server;
editing this copy changes nothing except your own understanding.
"""

import jax, jax.numpy as jnp
import numpy as np

N = 10000
E = 320000
D_IN = 128
H = 64
D_EDGE = 16
G = 64


def _lin(k, fi, fo):
    kw, kb = jax.random.split(k)
    W = jax.random.normal(kw, (fi, fo), dtype=jnp.float32) / np.sqrt(fi)
    b = jnp.zeros((fo,), dtype=jnp.float32)
    return W, b


def setup_inputs(seed: int = 0) -> dict:
    key = jax.random.key(seed)
    ks = jax.random.split(key, 12)
    x = jax.random.normal(ks[0], (N, D_IN), dtype=jnp.float32)
    edge_index = jax.random.randint(ks[1], (2, E), 0, N, dtype=jnp.int32)
    edge_attr = jax.random.normal(ks[2], (E, D_EDGE), dtype=jnp.float32)
    batch = jnp.sort(jax.random.randint(ks[3], (N,), 0, G, dtype=jnp.int32))
    W0, b0 = _lin(ks[4], D_IN, H)
    W1, b1 = _lin(ks[5], H, H)
    W2, b2 = _lin(ks[6], H, H)
    W3, b3 = _lin(ks[7], H, H)
    Wh1, bh1 = _lin(ks[8], 2 * H, H)
    Wh2, bh2 = _lin(ks[9], H, 1)
    return {"x": x, "edge_index": edge_index, "edge_attr": edge_attr, "batch": batch,
            "W0": W0, "b0": b0, "W1": W1, "b1": b1, "W2": W2, "b2": b2,
            "W3": W3, "b3": b3, "Wh1": Wh1, "bh1": bh1, "Wh2": Wh2, "bh2": bh2}


def _gcn_conv(h, row, col, norm, W, b):
    # h_v' = sum_u norm(u,v) * (W h_u) + b  (self-loops already in row/col)
    m = (h @ W)[row] * norm[:, None]
    agg = jax.ops.segment_sum(m, col, num_segments=N)
    return agg + b


def reference(x, edge_index, edge_attr, batch, W0, b0, W1, b1, W2, b2, W3, b3, Wh1, bh1, Wh2, bh2):
    # edge_attr is accepted by the original forward but unused by GCNConv
    loops = jnp.arange(N, dtype=edge_index.dtype)
    row = jnp.concatenate([edge_index[0], loops])
    col = jnp.concatenate([edge_index[1], loops])
    deg = jax.ops.segment_sum(jnp.ones_like(col, dtype=jnp.float32), col, num_segments=N)
    dinv = jnp.where(deg > 0, jax.lax.rsqrt(deg), 0.0)
    norm = dinv[row] * dinv[col]
    h = x @ W0 + b0
    for W, b in ((W1, b1), (W2, b2), (W3, b3)):
        h = jax.nn.relu(_gcn_conv(h, row, col, norm, W, b))
    ssum = jax.ops.segment_sum(h, batch, num_segments=G)
    cnt = jax.ops.segment_sum(jnp.ones((h.shape[0],), jnp.float32), batch, num_segments=G)
    smean = ssum / jnp.maximum(cnt, 1.0)[:, None]
    pooled = jnp.concatenate([ssum, smean], axis=-1)
    out = jax.nn.relu(pooled @ Wh1 + bh1) @ Wh2 + bh2
    return out

if __name__ == "__main__":
    import jax
    _d = setup_inputs()
    print(jax.jit(kernel)(*tuple(_d.values())))

</pallas_src>

<mosaic_0001>
#map = affine_map<(d0, d1) -> (0, 0)>
#map1 = affine_map<(d0, d1) -> (0, 0, 0)>
module attributes {stable_mosaic.version = 14 : i64} {
  func.func @_sc_agg(%arg0: i32, %arg1: i32, %arg2: memref<10000x64xf32, #tpu.memory_space<hbm>>, %arg3: memref<16x250x80xi32, #tpu.memory_space<hbm>>, %arg4: memref<16x250x80xi32, #tpu.memory_space<hbm>>, %arg5: memref<10000x64xf32, #tpu.memory_space<hbm>>, %arg6: memref<1x10000x64xf32, #tpu.memory_space<hbm>>, %arg7: memref<250x80xi32, #tpu.memory_space<vmem>>, %arg8: memref<250x80xi32, #tpu.memory_space<vmem>>, %arg9: memref<80x64xf32, #tpu.memory_space<vmem>>, %arg10: memref<80x64xf32, #tpu.memory_space<vmem>>, %arg11: memref<80x64xf32, #tpu.memory_space<vmem>>, %arg12: memref<80x64xf32, #tpu.memory_space<vmem>>, %arg13: memref<80x64xf32, #tpu.memory_space<vmem>>, %arg14: memref<10000x64xf32, #tpu.memory_space<vmem_shared>>, %arg15: memref<!tpu.dma_semaphore, #tpu.memory_space<semaphore_mem>>, %arg16: memref<!tpu.dma_semaphore, #tpu.memory_space<semaphore_mem>>, %arg17: memref<!tpu.dma_semaphore, #tpu.memory_space<semaphore_mem>>, %arg18: memref<!tpu.dma_semaphore, #tpu.memory_space<semaphore_mem>>, %arg19: memref<!tpu.dma_semaphore, #tpu.memory_space<semaphore_mem>>, %arg20: memref<!tpu.dma_semaphore, #tpu.memory_space<semaphore_mem>>, %arg21: memref<!tpu.dma_semaphore, #tpu.memory_space<semaphore_mem>>, %arg22: memref<!tpu.dma_semaphore, #tpu.memory_space<semaphore_mem>>, %arg23: memref<!tpu.dma_semaphore, #tpu.memory_space<semaphore_mem>>, %arg24: memref<!tpu.dma_semaphore, #tpu.memory_space<semaphore_mem>>) attributes {dimension_semantics = [#tpu.dimension_semantics<core_parallel>, #tpu.dimension_semantics<subcore_parallel>], iteration_bounds = array<i64: 1, 16>, scalar_prefetch = 0 : i64, scratch_operands = 18 : i64, tpu.core_type = #tpu.core_type<sc_vector_subcore>, window_params = [{transform_indices = #map}, {transform_indices = #map1}, {transform_indices = #map1}, {transform_indices = #map}, {transform_indices = #map1}]} {
    %mul3A = arith.constant 1 : i32
    %mul3A_0 = arith.muli %arg1, %mul3A : i32
    %add3A = arith.addi %mul3A_0, %arg0 : i32
    %lt3A = arith.constant 15 : i32
    %lt3A_1 = arith.cmpi slt, %arg1, %lt3A : i32
    %convert_element_type3A = arith.extui %lt3A_1 : i1 to i32
    %cond3A = arith.constant 0 : i32
    %cond3A_2 = arith.cmpi ne, %convert_element_type3A, %cond3A : i32
    scf.if %cond3A_2 {
      %mul3A_162 = arith.constant 640 : i32
      %mul3A_163 = arith.muli %arg1, %mul3A_162 : i32
      %mul3A_164 = arith.constant 640 : i32
      %mul3A_165 = arith.muli %arg1, %mul3A_164 : i32
      "tpu.region"() ({
        %run_scoped3A = tpu.sem_alloc : memref<!tpu.dma_semaphore, #tpu.memory_space<semaphore_mem>>
        %dma_start3A_166 = arith.constant 0 : i32
        %dma_start3A_167 = tpu.memref_slice %arg14[%mul3A_165, %dma_start3A_166] : memref<10000x64xf32, #tpu.memory_space<vmem_shared>> -> memref<640x64xf32, #tpu.memory_space<vmem_shared>>
        %dma_start3A_168 = arith.constant 0 : i32
        %dma_start3A_169 = tpu.memref_slice %arg5[%mul3A_163, %dma_start3A_168] : memref<10000x64xf32, #tpu.memory_space<hbm>> -> memref<640x64xf32, #tpu.memory_space<hbm>>
        tpu.enqueue_dma source(%dma_start3A_169 : memref<640x64xf32, #tpu.memory_space<hbm>>) target(%dma_start3A_167 : memref<640x64xf32, #tpu.memory_space<vmem_shared>>) target_semaphore(%run_scoped3A : memref<!tpu.dma_semaphore, #tpu.memory_space<semaphore_mem>>)
        %dma_wait3A_170 = arith.constant 0 : i32
        %dma_wait3A_171 = tpu.memref_slice %arg14[%mul3A_165, %dma_wait3A_170] : memref<10000x64xf32, #tpu.memory_space<vmem_shared>> -> memref<640x64xf32, #tpu.memory_space<vmem_shared>>
        %dma_wait3A_172 = arith.constant 0 : i32
        %dma_wait3A_173 = tpu.memref_slice %arg5[%mul3A_163, %dma_wait3A_172] : memref<10000x64xf32, #tpu.memory_space<hbm>> -> memref<640x64xf32, #tpu.memory_space<hbm>>
        tpu.wait_dma2 semaphore(%run_scoped3A : memref<!tpu.dma_semaphore, #tpu.memory_space<semaphore_mem>>) src(%dma_wait3A_173 : memref<640x64xf32, #tpu.memory_space<hbm>>) dst(%dma_wait3A_171 : memref<640x64xf32, #tpu.memory_space<vmem_shared>>)
        tpu.yield
      }) : () -> ()
    } else {
    }
    %eq3A = arith.constant 15 : i32
    %eq3A_3 = arith.cmpi eq, %arg1, %eq3A : i32
    %convert_element_type3A_4 = arith.extui %eq3A_3 : i1 to i32
    %cond3A_5 = arith.constant 0 : i32
    %cond3A_6 = arith.cmpi ne, %convert_element_type3A_4, %cond3A_5 : i32
    scf.if %cond3A_6 {
      "tpu.region"() ({
        %run_scoped3A = tpu.sem_alloc : memref<!tpu.dma_semaphore, #tpu.memory_space<semaphore_mem>>
        %dma_start3A_162 = arith.constant 9600 : i32
        %dma_start3A_163 = arith.constant 0 : i32
        %dma_start3A_164 = tpu.memref_slice %arg14[%dma_start3A_162, %dma_start3A_163] : memref<10000x64xf32, #tpu.memory_space<vmem_shared>> -> memref<400x64xf32, #tpu.memory_space<vmem_shared>>
        %dma_start3A_165 = arith.constant 9600 : i32
        %dma_start3A_166 = arith.constant 0 : i32
        %dma_start3A_167 = tpu.memref_slice %arg5[%dma_start3A_165, %dma_start3A_166] : memref<10000x64xf32, #tpu.memory_space<hbm>> -> memref<400x64xf32, #tpu.memory_space<hbm>>
        tpu.enqueue_dma source(%dma_start3A_167 : memref<400x64xf32, #tpu.memory_space<hbm>>) target(%dma_start3A_164 : memref<400x64xf32, #tpu.memory_space<vmem_shared>>) target_semaphore(%run_scoped3A : memref<!tpu.dma_semaphore, #tpu.memory_space<semaphore_mem>>)
        %dma_wait3A_168 = arith.constant 9600 : i32
        %dma_wait3A_169 = arith.constant 0 : i32
        %dma_wait3A_170 = tpu.memref_slice %arg14[%dma_wait3A_168, %dma_wait3A_169] : memref<10000x64xf32, #tpu.memory_space<vmem_shared>> -> memref<400x64xf32, #tpu.memory_space<vmem_shared>>
        %dma_wait3A_171 = arith.constant 9600 : i32
        %dma_wait3A_172 = arith.constant 0 : i32
        %dma_wait3A_173 = tpu.memref_slice %arg5[%dma_wait3A_171, %dma_wait3A_172] : memref<10000x64xf32, #tpu.memory_space<hbm>> -> memref<400x64xf32, #tpu.memory_space<hbm>>
        tpu.wait_dma2 semaphore(%run_scoped3A : memref<!tpu.dma_semaphore, #tpu.memory_space<semaphore_mem>>) src(%dma_wait3A_173 : memref<400x64xf32, #tpu.memory_space<hbm>>) dst(%dma_wait3A_170 : memref<400x64xf32, #tpu.memory_space<vmem_shared>>)
        tpu.yield
      }) : () -> ()
    } else {
    }
    "tpu.region"() ({
      %run_scoped3A = tpu.sem_alloc : memref<!tpu.dma_semaphore, #tpu.memory_space<semaphore_mem>>
      %dma_start3A_162 = arith.constant 0 : i32
      %dma_start3A_163 = arith.constant 0 : i32
      %dma_start3A_164 = tpu.memref_slice %arg3[%add3A, %dma_start3A_162, %dma_start3A_163] : memref<16x250x80xi32, #tpu.memory_space<hbm>> -> memref<1x250x80xi32, #tpu.memory_space<hbm>>
      %dma_start3A_165 = tpu.memref_squeeze %dma_start3A_164 : memref<1x250x80xi32, #tpu.memory_space<hbm>> -> memref<250x80xi32, #tpu.memory_space<hbm>>
      %dma_start3A_166 = arith.constant 0 : i32
      %dma_start3A_167 = arith.constant 0 : i32
      %dma_start3A_168 = tpu.memref_slice %arg3[%add3A, %dma_start3A_166, %dma_start3A_167] : memref<16x250x80xi32, #tpu.memory_space<hbm>> -> memref<1x250x80xi32, #tpu.memory_space<hbm>>
      %dma_start3A_169 = tpu.memref_squeeze %dma_start3A_168 : memref<1x250x80xi32, #tpu.memory_space<hbm>> -> memref<250x80xi32, #tpu.memory_space<hbm>>
      tpu.enqueue_dma source(%dma_start3A_169 : memref<250x80xi32, #tpu.memory_space<hbm>>) target(%arg7 : memref<250x80xi32, #tpu.memory_space<vmem>>) target_semaphore(%run_scoped3A : memref<!tpu.dma_semaphore, #tpu.memory_space<semaphore_mem>>)
      %dma_wait3A_170 = arith.constant 0 : i32
      %dma_wait3A_171 = arith.constant 0 : i32
      %dma_wait3A_172 = tpu.memref_slice %arg3[%add3A, %dma_wait3A_170, %dma_wait3A_171] : memref<16x250x80xi32, #tpu.memory_space<hbm>> -> memref<1x250x80xi32, #tpu.memory_space<hbm>>
      %dma_wait3A_173 = tpu.memref_squeeze %dma_wait3A_172 : memref<1x250x80xi32, #tpu.memory_space<hbm>> -> memref<250x80xi32, #tpu.memory_space<hbm>>
      %dma_wait3A_174 = arith.constant 0 : i32
      %dma_wait3A_175 = arith.constant 0 : i32
      %dma_wait3A_176 = tpu.memref_slice %arg3[%add3A, %dma_wait3A_174, %dma_wait3A_175] : memref<16x250x80xi32, #tpu.memory_space<hbm>> -> memref<1x250x80xi32, #tpu.memory_space<hbm>>
      %dma_wait3A_177 = tpu.memref_squeeze %dma_wait3A_176 : memref<1x250x80xi32, #tpu.memory_space<hbm>> -> memref<250x80xi32, #tpu.memory_space<hbm>>
      tpu.wait_dma2 semaphore(%run_scoped3A : memref<!tpu.dma_semaphore, #tpu.memory_space<semaphore_mem>>) src(%dma_wait3A_177 : memref<250x80xi32, #tpu.memory_space<hbm>>) dst(%arg7 : memref<250x80xi32, #tpu.memory_space<vmem>>)
      tpu.yield
    }) : () -> ()
    "tpu.region"() ({
      %run_scoped3A = tpu.sem_alloc : memref<!tpu.dma_semaphore, #tpu.memory_space<semaphore_mem>>
      %dma_start3A_162 = arith.constant 0 : i32
      %dma_start3A_163 = arith.constant 0 : i32
      %dma_start3A_164 = tpu.memref_slice %arg4[%add3A, %dma_start3A_162, %dma_start3A_163] : memref<16x250x80xi32, #tpu.memory_space<hbm>> -> memref<1x250x80xi32, #tpu.memory_space<hbm>>
      %dma_start3A_165 = tpu.memref_squeeze %dma_start3A_164 : memref<1x250x80xi32, #tpu.memory_space<hbm>> -> memref<250x80xi32, #tpu.memory_space<hbm>>
      %dma_start3A_166 = arith.constant 0 : i32
      %dma_start3A_167 = arith.constant 0 : i32
      %dma_start3A_168 = tpu.memref_slice %arg4[%add3A, %dma_start3A_166, %dma_start3A_167] : memref<16x250x80xi32, #tpu.memory_space<hbm>> -> memref<1x250x80xi32, #tpu.memory_space<hbm>>
      %dma_start3A_169 = tpu.memref_squeeze %dma_start3A_168 : memref<1x250x80xi32, #tpu.memory_space<hbm>> -> memref<250x80xi32, #tpu.memory_space<hbm>>
      tpu.enqueue_dma source(%dma_start3A_169 : memref<250x80xi32, #tpu.memory_space<hbm>>) target(%arg8 : memref<250x80xi32, #tpu.memory_space<vmem>>) target_semaphore(%run_scoped3A : memref<!tpu.dma_semaphore, #tpu.memory_space<semaphore_mem>>)
      %dma_wait3A_170 = arith.constant 0 : i32
      %dma_wait3A_171 = arith.constant 0 : i32
      %dma_wait3A_172 = tpu.memref_slice %arg4[%add3A, %dma_wait3A_170, %dma_wait3A_171] : memref<16x250x80xi32, #tpu.memory_space<hbm>> -> memref<1x250x80xi32, #tpu.memory_space<hbm>>
      %dma_wait3A_173 = tpu.memref_squeeze %dma_wait3A_172 : memref<1x250x80xi32, #tpu.memory_space<hbm>> -> memref<250x80xi32, #tpu.memory_space<hbm>>
      %dma_wait3A_174 = arith.constant 0 : i32
      %dma_wait3A_175 = arith.constant 0 : i32
      %dma_wait3A_176 = tpu.memref_slice %arg4[%add3A, %dma_wait3A_174, %dma_wait3A_175] : memref<16x250x80xi32, #tpu.memory_space<hbm>> -> memref<1x250x80xi32, #tpu.memory_space<hbm>>
      %dma_wait3A_177 = tpu.memref_squeeze %dma_wait3A_176 : memref<1x250x80xi32, #tpu.memory_space<hbm>> -> memref<250x80xi32, #tpu.memory_space<hbm>>
      tpu.wait_dma2 semaphore(%run_scoped3A : memref<!tpu.dma_semaphore, #tpu.memory_space<semaphore_mem>>) src(%dma_wait3A_177 : memref<250x80xi32, #tpu.memory_space<hbm>>) dst(%arg8 : memref<250x80xi32, #tpu.memory_space<vmem>>)
      tpu.yield
    }) : () -> ()
    %barrier3A = arith.constant 0 : index
    tpu.barrier barrier_id(%barrier3A)
    %dma_start3A = arith.constant 0 : i32
    %dma_start3A_7 = arith.constant 0 : i32
    %dma_start3A_8 = tpu.memref_slice %arg7[%dma_start3A, %dma_start3A_7] : memref<250x80xi32, #tpu.memory_space<vmem>> -> memref<1x80xi32, #tpu.memory_space<vmem>>
    %dma_start3A_9 = tpu.memref_squeeze %dma_start3A_8 : memref<1x80xi32, #tpu.memory_space<vmem>> -> memref<80xi32, #tpu.memory_space<vmem>>
    %dma_start3A_10 = arith.constant 0 : i32
    %dma_start3A_11 = arith.constant 0 : i32
    %dma_start3A_12 = tpu.memref_slice %arg2[%dma_start3A_10, %dma_start3A_11] : memref<10000x64xf32, #tpu.memory_space<hbm>> -> memref<10000x64xf32, #tpu.memory_space<hbm>>
    tpu.enqueue_indirect_dma source(%dma_start3A_12 : memref<10000x64xf32, #tpu.memory_space<hbm>>) target(%arg9 : memref<80x64xf32, #tpu.memory_space<vmem>>) offsets(%dma_start3A_9 : memref<80xi32, #tpu.memory_space<vmem>>) semaphore(%arg15 : memref<!tpu.dma_semaphore, #tpu.memory_space<semaphore_mem>>)
    %dma_start3A_13 = arith.constant 1 : i32
    %dma_start3A_14 = arith.constant 0 : i32
    %dma_start3A_15 = tpu.memref_slice %arg7[%dma_start3A_13, %dma_start3A_14] : memref<250x80xi32, #tpu.memory_space<vmem>> -> memref<1x80xi32, #tpu.memory_space<vmem>>
    %dma_start3A_16 = tpu.memref_squeeze %dma_start3A_15 : memref<1x80xi32, #tpu.memory_space<vmem>> -> memref<80xi32, #tpu.memory_space<vmem>>
    %dma_start3A_17 = arith.constant 0 : i32
    %dma_start3A_18 = arith.constant 0 : i32
    %dma_start3A_19 = tpu.memref_slice %arg2[%dma_start3A_17, %dma_start3A_18] : memref<10000x64xf32, #tpu.memory_space<hbm>> -> memref<10000x64xf32, #tpu.memory_space<hbm>>
    tpu.enqueue_indirect_dma source(%dma_start3A_19 : memref<10000x64xf32, #tpu.memory_space<hbm>>) target(%arg10 : memref<80x64xf32, #tpu.memory_space<vmem>>) offsets(%dma_start3A_16 : memref<80xi32, #tpu.memory_space<vmem>>) semaphore(%arg16 : memref<!tpu.dma_semaphore, #tpu.memory_space<semaphore_mem>>)
    %dma_start3A_20 = arith.constant 2 : i32
    %dma_start3A_21 = arith.constant 0 : i32
    %dma_start3A_22 = tpu.memref_slice %arg7[%dma_start3A_20, %dma_start3A_21] : memref<250x80xi32, #tpu.memory_space<vmem>> -> memref<1x80xi32, #tpu.memory_space<vmem>>
    %dma_start3A_23 = tpu.memref_squeeze %dma_start3A_22 : memref<1x80xi32, #tpu.memory_space<vmem>> -> memref<80xi32, #tpu.memory_space<vmem>>
    %dma_start3A_24 = arith.constant 0 : i32
    %dma_start3A_25 = arith.constant 0 : i32
    %dma_start3A_26 = tpu.memref_slice %arg2[%dma_start3A_24, %dma_start3A_25] : memref<10000x64xf32, #tpu.memory_space<hbm>> -> memref<10000x64xf32, #tpu.memory_space<hbm>>
    tpu.enqueue_indirect_dma source(%dma_start3A_26 : memref<10000x64xf32, #tpu.memory_space<hbm>>) target(%arg11 : memref<80x64xf32, #tpu.memory_space<vmem>>) offsets(%dma_start3A_23 : memref<80xi32, #tpu.memory_space<vmem>>) semaphore(%arg17 : memref<!tpu.dma_semaphore, #tpu.memory_space<semaphore_mem>>)
    %dma_start3A_27 = arith.constant 3 : i32
    %dma_start3A_28 = arith.constant 0 : i32
    %dma_start3A_29 = tpu.memref_slice %arg7[%dma_start3A_27, %dma_start3A_28] : memref<250x80xi32, #tpu.memory_space<vmem>> -> memref<1x80xi32, #tpu.memory_space<vmem>>
    %dma_start3A_30 = tpu.memref_squeeze %dma_start3A_29 : memref<1x80xi32, #tpu.memory_space<vmem>> -> memref<80xi32, #tpu.memory_space<vmem>>
    %dma_start3A_31 = arith.constant 0 : i32
    %dma_start3A_32 = arith.constant 0 : i32
    %dma_start3A_33 = tpu.memref_slice %arg2[%dma_start3A_31, %dma_start3A_32] : memref<10000x64xf32, #tpu.memory_space<hbm>> -> memref<10000x64xf32, #tpu.memory_space<hbm>>
    tpu.enqueue_indirect_dma source(%dma_start3A_33 : memref<10000x64xf32, #tpu.memory_space<hbm>>) target(%arg12 : memref<80x64xf32, #tpu.memory_space<vmem>>) offsets(%dma_start3A_30 : memref<80xi32, #tpu.memory_space<vmem>>) semaphore(%arg18 : memref<!tpu.dma_semaphore, #tpu.memory_space<semaphore_mem>>)
    %dma_start3A_34 = arith.constant 4 : i32
    %dma_start3A_35 = arith.constant 0 : i32
    %dma_start3A_36 = tpu.memref_slice %arg7[%dma_start3A_34, %dma_start3A_35] : memref<250x80xi32, #tpu.memory_space<vmem>> -> memref<1x80xi32, #tpu.memory_space<vmem>>
    %dma_start3A_37 = tpu.memref_squeeze %dma_start3A_36 : memref<1x80xi32, #tpu.memory_space<vmem>> -> memref<80xi32, #tpu.memory_space<vmem>>
    %dma_start3A_38 = arith.constant 0 : i32
    %dma_start3A_39 = arith.constant 0 : i32
    %dma_start3A_40 = tpu.memref_slice %arg2[%dma_start3A_38, %dma_start3A_39] : memref<10000x64xf32, #tpu.memory_space<hbm>> -> memref<10000x64xf32, #tpu.memory_space<hbm>>
    tpu.enqueue_indirect_dma source(%dma_start3A_40 : memref<10000x64xf32, #tpu.memory_space<hbm>>) target(%arg13 : memref<80x64xf32, #tpu.memory_space<vmem>>) offsets(%dma_start3A_37 : memref<80xi32, #tpu.memory_space<vmem>>) semaphore(%arg19 : memref<!tpu.dma_semaphore, #tpu.memory_space<semaphore_mem>>)
    %scan3A = arith.constant 0 : i32
    %scan3A_41 = arith.constant 0 : i32
    %scan3A_42 = arith.constant 49 : i32
    %scan3A_43 = arith.addi %scan3A_41, %scan3A_42 : i32
    %scan3A_44 = arith.constant 1 : i32
    %scan3A_45 = scf.for %scan3A_162 = %scan3A_41 to %scan3A_43 step %scan3A_44 iter_args(%scan3A_163 = %scan3A) -> (i32)  : i32 {
      %mul3A_164 = arith.constant 5 : i32
      %mul3A_165 = arith.muli %scan3A_162, %mul3A_164 : i32
      %add3A_166 = arith.constant 0 : i32
      %add3A_167 = arith.addi %mul3A_165, %add3A_166 : i32
      %dma_wait3A_168 = arith.constant 0 : i32
      %dma_wait3A_169 = tpu.memref_slice %arg7[%add3A_167, %dma_wait3A_168] : memref<250x80xi32, #tpu.memory_space<vmem>> -> memref<1x80xi32, #tpu.memory_space<vmem>>
      %dma_wait3A_170 = tpu.memref_squeeze %dma_wait3A_169 : memref<1x80xi32, #tpu.memory_space<vmem>> -> memref<80xi32, #tpu.memory_space<vmem>>
      %dma_wait3A_171 = arith.constant 0 : i32
      %dma_wait3A_172 = arith.constant 0 : i32
      %dma_wait3A_173 = tpu.memref_slice %arg2[%dma_wait3A_171, %dma_wait3A_172] : memref<10000x64xf32, #tpu.memory_space<hbm>> -> memref<10000x64xf32, #tpu.memory_space<hbm>>
      tpu.wait_indirect_dma semaphore(%arg15 : memref<!tpu.dma_semaphore, #tpu.memory_space<semaphore_mem>>) src(%dma_wait3A_173 : memref<10000x64xf32, #tpu.memory_space<hbm>>) dst(%arg9 : memref<80x64xf32, #tpu.memory_space<vmem>>)
      %add3A_174 = arith.constant 0 : i32
      %add3A_175 = arith.addi %mul3A_165, %add3A_174 : i32
      %dma_start3A_176 = arith.constant 0 : i32
      %dma_start3A_177 = tpu.memref_slice %arg8[%add3A_175, %dma_start3A_176] : memref<250x80xi32, #tpu.memory_space<vmem>> -> memref<1x80xi32, #tpu.memory_space<vmem>>
      %dma_start3A_178 = tpu.memref_squeeze %dma_start3A_177 : memref<1x80xi32, #tpu.memory_space<vmem>> -> memref<80xi32, #tpu.memory_space<vmem>>
      %dma_start3A_179 = arith.constant 0 : i32
      %dma_start3A_180 = arith.constant 0 : i32
      %dma_start3A_181 = tpu.memref_slice %arg14[%dma_start3A_179, %dma_start3A_180] : memref<10000x64xf32, #tpu.memory_space<vmem_shared>> -> memref<10000x64xf32, #tpu.memory_space<vmem_shared>>
      tpu.enqueue_indirect_dma source(%arg9 : memref<80x64xf32, #tpu.memory_space<vmem>>) target(%dma_start3A_181 : memref<10000x64xf32, #tpu.memory_space<vmem_shared>>) offsets(%dma_start3A_178 : memref<80xi32, #tpu.memory_space<vmem>>) semaphore(%arg20 : memref<!tpu.dma_semaphore, #tpu.memory_space<semaphore_mem>>) {add = true}
      %add3A_182 = arith.constant 1 : i32
      %add3A_183 = arith.addi %mul3A_165, %add3A_182 : i32
      %dma_wait3A_184 = arith.constant 0 : i32
      %dma_wait3A_185 = tpu.memref_slice %arg7[%add3A_183, %dma_wait3A_184] : memref<250x80xi32, #tpu.memory_space<vmem>> -> memref<1x80xi32, #tpu.memory_space<vmem>>
      %dma_wait3A_186 = tpu.memref_squeeze %dma_wait3A_185 : memref<1x80xi32, #tpu.memory_space<vmem>> -> memref<80xi32, #tpu.memory_space<vmem>>
      %dma_wait3A_187 = arith.constant 0 : i32
      %dma_wait3A_188 = arith.constant 0 : i32
      %dma_wait3A_189 = tpu.memref_slice %arg2[%dma_wait3A_187, %dma_wait3A_188] : memref<10000x64xf32, #tpu.memory_space<hbm>> -> memref<10000x64xf32, #tpu.memory_space<hbm>>
      tpu.wait_indirect_dma semaphore(%arg16 : memref<!tpu.dma_semaphore, #tpu.memory_space<semaphore_mem>>) src(%dma_wait3A_189 : memref<10000x64xf32, #tpu.memory_space<hbm>>) dst(%arg10 : memref<80x64xf32, #tpu.memory_space<vmem>>)
      %add3A_190 = arith.constant 1 : i32
      %add3A_191 = arith.addi %mul3A_165, %add3A_190 : i32
      %dma_start3A_192 = arith.constant 0 : i32
      %dma_start3A_193 = tpu.memref_slice %arg8[%add3A_191, %dma_start3A_192] : memref<250x80xi32, #tpu.memory_space<vmem>> -> memref<1x80xi32, #tpu.memory_space<vmem>>
      %dma_start3A_194 = tpu.memref_squeeze %dma_start3A_193 : memref<1x80xi32, #tpu.memory_space<vmem>> -> memref<80xi32, #tpu.memory_space<vmem>>
      %dma_start3A_195 = arith.constant 0 : i32
      %dma_start3A_196 = arith.constant 0 : i32
      %dma_start3A_197 = tpu.memref_slice %arg14[%dma_start3A_195, %dma_start3A_196] : memref<10000x64xf32, #tpu.memory_space<vmem_shared>> -> memref<10000x64xf32, #tpu.memory_space<vmem_shared>>
      tpu.enqueue_indirect_dma source(%arg10 : memref<80x64xf32, #tpu.memory_space<vmem>>) target(%dma_start3A_197 : memref<10000x64xf32, #tpu.memory_space<vmem_shared>>) offsets(%dma_start3A_194 : memref<80xi32, #tpu.memory_space<vmem>>) semaphore(%arg21 : memref<!tpu.dma_semaphore, #tpu.memory_space<semaphore_mem>>) {add = true}
      %add3A_198 = arith.constant 2 : i32
      %add3A_199 = arith.addi %mul3A_165, %add3A_198 : i32
      %dma_wait3A_200 = arith.constant 0 : i32
      %dma_wait3A_201 = tpu.memref_slice %arg7[%add3A_199, %dma_wait3A_200] : memref<250x80xi32, #tpu.memory_space<vmem>> -> memref<1x80xi32, #tpu.memory_space<vmem>>
      %dma_wait3A_202 = tpu.memref_squeeze %dma_wait3A_201 : memref<1x80xi32, #tpu.memory_space<vmem>> -> memref<80xi32, #tpu.memory_space<vmem>>
      %dma_wait3A_203 = arith.constant 0 : i32
      %dma_wait3A_204 = arith.constant 0 : i32
      %dma_wait3A_205 = tpu.memref_slice %arg2[%dma_wait3A_203, %dma_wait3A_204] : memref<10000x64xf32, #tpu.memory_space<hbm>> -> memref<10000x64xf32, #tpu.memory_space<hbm>>
      tpu.wait_indirect_dma semaphore(%arg17 : memref<!tpu.dma_semaphore, #tpu.memory_space<semaphore_mem>>) src(%dma_wait3A_205 : memref<10000x64xf32, #tpu.memory_space<hbm>>) dst(%arg11 : memref<80x64xf32, #tpu.memory_space<vmem>>)
      %add3A_206 = arith.constant 2 : i32
      %add3A_207 = arith.addi %mul3A_165, %add3A_206 : i32
      %dma_start3A_208 = arith.constant 0 : i32
      %dma_start3A_209 = tpu.memref_slice %arg8[%add3A_207, %dma_start3A_208] : memref<250x80xi32, #tpu.memory_space<vmem>> -> memref<1x80xi32, #tpu.memory_space<vmem>>
      %dma_start3A_210 = tpu.memref_squeeze %dma_start3A_209 : memref<1x80xi32, #tpu.memory_space<vmem>> -> memref<80xi32, #tpu.memory_space<vmem>>
      %dma_start3A_211 = arith.constant 0 : i32
      %dma_start3A_212 = arith.constant 0 : i32
      %dma_start3A_213 = tpu.memref_slice %arg14[%dma_start3A_211, %dma_start3A_212] : memref<10000x64xf32, #tpu.memory_space<vmem_shared>> -> memref<10000x64xf32, #tpu.memory_space<vmem_shared>>
      tpu.enqueue_indirect_dma source(%arg11 : memref<80x64xf32, #tpu.memory_space<vmem>>) target(%dma_start3A_213 : memref<10000x64xf32, #tpu.memory_space<vmem_shared>>) offsets(%dma_start3A_210 : memref<80xi32, #tpu.memory_space<vmem>>) semaphore(%arg22 : memref<!tpu.dma_semaphore, #tpu.memory_space<semaphore_mem>>) {add = true}
      %add3A_214 = arith.constant 3 : i32
      %add3A_215 = arith.addi %mul3A_165, %add3A_214 : i32
      %dma_wait3A_216 = arith.constant 0 : i32
      %dma_wait3A_217 = tpu.memref_slice %arg7[%add3A_215, %dma_wait3A_216] : memref<250x80xi32, #tpu.memory_space<vmem>> -> memref<1x80xi32, #tpu.memory_space<vmem>>
      %dma_wait3A_218 = tpu.memref_squeeze %dma_wait3A_217 : memref<1x80xi32, #tpu.memory_space<vmem>> -> memref<80xi32, #tpu.memory_space<vmem>>
      %dma_wait3A_219 = arith.constant 0 : i32
      %dma_wait3A_220 = arith.constant 0 : i32
      %dma_wait3A_221 = tpu.memref_slice %arg2[%dma_wait3A_219, %dma_wait3A_220] : memref<10000x64xf32, #tpu.memory_space<hbm>> -> memref<10000x64xf32, #tpu.memory_space<hbm>>
      tpu.wait_indirect_dma semaphore(%arg18 : memref<!tpu.dma_semaphore, #tpu.memory_space<semaphore_mem>>) src(%dma_wait3A_221 : memref<10000x64xf32, #tpu.memory_space<hbm>>) dst(%arg12 : memref<80x64xf32, #tpu.memory_space<vmem>>)
      %add3A_222 = arith.constant 3 : i32
      %add3A_223 = arith.addi %mul3A_165, %add3A_222 : i32
      %dma_start3A_224 = arith.constant 0 : i32
      %dma_start3A_225 = tpu.memref_slice %arg8[%add3A_223, %dma_start3A_224] : memref<250x80xi32, #tpu.memory_space<vmem>> -> memref<1x80xi32, #tpu.memory_space<vmem>>
      %dma_start3A_226 = tpu.memref_squeeze %dma_start3A_225 : memref<1x80xi32, #tpu.memory_space<vmem>> -> memref<80xi32, #tpu.memory_space<vmem>>
      %dma_start3A_227 = arith.constant 0 : i32
      %dma_start3A_228 = arith.constant 0 : i32
      %dma_start3A_229 = tpu.memref_slice %arg14[%dma_start3A_227, %dma_start3A_228] : memref<10000x64xf32, #tpu.memory_space<vmem_shared>> -> memref<10000x64xf32, #tpu.memory_space<vmem_shared>>
      tpu.enqueue_indirect_dma source(%arg12 : memref<80x64xf32, #tpu.memory_space<vmem>>) target(%dma_start3A_229 : memref<10000x64xf32, #tpu.memory_space<vmem_shared>>) offsets(%dma_start3A_226 : memref<80xi32, #tpu.memory_space<vmem>>) semaphore(%arg23 : memref<!tpu.dma_semaphore, #tpu.memory_space<semaphore_mem>>) {add = true}
      %add3A_230 = arith.constant 4 : i32
      %add3A_231 = arith.addi %mul3A_165, %add3A_230 : i32
      %dma_wait3A_232 = arith.constant 0 : i32
      %dma_wait3A_233 = tpu.memref_slice %arg7[%add3A_231, %dma_wait3A_232] : memref<250x80xi32, #tpu.memory_space<vmem>> -> memref<1x80xi32, #tpu.memory_space<vmem>>
      %dma_wait3A_234 = tpu.memref_squeeze %dma_wait3A_233 : memref<1x80xi32, #tpu.memory_space<vmem>> -> memref<80xi32, #tpu.memory_space<vmem>>
      %dma_wait3A_235 = arith.constant 0 : i32
      %dma_wait3A_236 = arith.constant 0 : i32
      %dma_wait3A_237 = tpu.memref_slice %arg2[%dma_wait3A_235, %dma_wait3A_236] : memref<10000x64xf32, #tpu.memory_space<hbm>> -> memref<10000x64xf32, #tpu.memory_space<hbm>>
      tpu.wait_indirect_dma semaphore(%arg19 : memref<!tpu.dma_semaphore, #tpu.memory_space<semaphore_mem>>) src(%dma_wait3A_237 : memref<10000x64xf32, #tpu.memory_space<hbm>>) dst(%arg13 : memref<80x64xf32, #tpu.memory_space<vmem>>)
      %add3A_238 = arith.constant 4 : i32
      %add3A_239 = arith.addi %mul3A_165, %add3A_238 : i32
      %dma_start3A_240 = arith.constant 0 : i32
      %dma_start3A_241 = tpu.memref_slice %arg8[%add3A_239, %dma_start3A_240] : memref<250x80xi32, #tpu.memory_space<vmem>> -> memref<1x80xi32, #tpu.memory_space<vmem>>
      %dma_start3A_242 = tpu.memref_squeeze %dma_start3A_241 : memref<1x80xi32, #tpu.memory_space<vmem>> -> memref<80xi32, #tpu.memory_space<vmem>>
      %dma_start3A_243 = arith.constant 0 : i32
      %dma_start3A_244 = arith.constant 0 : i32
      %dma_start3A_245 = tpu.memref_slice %arg14[%dma_start3A_243, %dma_start3A_244] : memref<10000x64xf32, #tpu.memory_space<vmem_shared>> -> memref<10000x64xf32, #tpu.memory_space<vmem_shared>>
      tpu.enqueue_indirect_dma source(%arg13 : memref<80x64xf32, #tpu.memory_space<vmem>>) target(%dma_start3A_245 : memref<10000x64xf32, #tpu.memory_space<vmem_shared>>) offsets(%dma_start3A_242 : memref<80xi32, #tpu.memory_space<vmem>>) semaphore(%arg24 : memref<!tpu.dma_semaphore, #tpu.memory_space<semaphore_mem>>) {add = true}
      %add3A_246 = arith.constant 0 : i32
      %add3A_247 = arith.addi %mul3A_165, %add3A_246 : i32
      %dma_wait3A_248 = arith.constant 0 : i32
      %dma_wait3A_249 = tpu.memref_slice %arg8[%add3A_247, %dma_wait3A_248] : memref<250x80xi32, #tpu.memory_space<vmem>> -> memref<1x80xi32, #tpu.memory_space<vmem>>
      %dma_wait3A_250 = tpu.memref_squeeze %dma_wait3A_249 : memref<1x80xi32, #tpu.memory_space<vmem>> -> memref<80xi32, #tpu.memory_space<vmem>>
      %dma_wait3A_251 = arith.constant 0 : i32
      %dma_wait3A_252 = arith.constant 0 : i32
      %dma_wait3A_253 = tpu.memref_slice %arg14[%dma_wait3A_251, %dma_wait3A_252] : memref<10000x64xf32, #tpu.memory_space<vmem_shared>> -> memref<10000x64xf32, #tpu.memory_space<vmem_shared>>
      tpu.wait_indirect_dma semaphore(%arg20 : memref<!tpu.dma_semaphore, #tpu.memory_space<semaphore_mem>>) src(%arg9 : memref<80x64xf32, #tpu.memory_space<vmem>>) dst(%dma_wait3A_253 : memref<10000x64xf32, #tpu.memory_space<vmem_shared>>)
      %add3A_254 = arith.constant 5 : i32
      %add3A_255 = arith.addi %mul3A_165, %add3A_254 : i32
      %add3A_256 = arith.constant 0 : i32
      %add3A_257 = arith.addi %add3A_255, %add3A_256 : i32
      %dma_start3A_258 = arith.constant 0 : i32
      %dma_start3A_259 = tpu.memref_slice %arg7[%add3A_257, %dma_start3A_258] : memref<250x80xi32, #tpu.memory_space<vmem>> -> memref<1x80xi32, #tpu.memory_space<vmem>>
      %dma_start3A_260 = tpu.memref_squeeze %dma_start3A_259 : memref<1x80xi32, #tpu.memory_space<vmem>> -> memref<80xi32, #tpu.memory_space<vmem>>
      %dma_start3A_261 = arith.constant 0 : i32
      %dma_start3A_262 = arith.constant 0 : i32
      %dma_start3A_263 = tpu.memref_slice %arg2[%dma_start3A_261, %dma_start3A_262] : memref<10000x64xf32, #tpu.memory_space<hbm>> -> memref<10000x64xf32, #tpu.memory_space<hbm>>
      tpu.enqueue_indirect_dma source(%dma_start3A_263 : memref<10000x64xf32, #tpu.memory_space<hbm>>) target(%arg9 : memref<80x64xf32, #tpu.memory_space<vmem>>) offsets(%dma_start3A_260 : memref<80xi32, #tpu.memory_space<vmem>>) semaphore(%arg15 : memref<!tpu.dma_semaphore, #tpu.memory_space<semaphore_mem>>)
      %add3A_264 = arith.constant 1 : i32
      %add3A_265 = arith.addi %mul3A_165, %add3A_264 : i32
      %dma_wait3A_266 = arith.constant 0 : i32
      %dma_wait3A_267 = tpu.memref_slice %arg8[%add3A_265, %dma_wait3A_266] : memref<250x80xi32, #tpu.memory_space<vmem>> -> memref<1x80xi32, #tpu.memory_space<vmem>>
      %dma_wait3A_268 = tpu.memref_squeeze %dma_wait3A_267 : memref<1x80xi32, #tpu.memory_space<vmem>> -> memref<80xi32, #tpu.memory_space<vmem>>
      %dma_wait3A_269 = arith.constant 0 : i32
      %dma_wait3A_270 = arith.constant 0 : i32
      %dma_wait3A_271 = tpu.memref_slice %arg14[%dma_wait3A_269, %dma_wait3A_270] : memref<10000x64xf32, #tpu.memory_space<vmem_shared>> -> memref<10000x64xf32, #tpu.memory_space<vmem_shared>>
      tpu.wait_indirect_dma semaphore(%arg21 : memref<!tpu.dma_semaphore, #tpu.memory_space<semaphore_mem>>) src(%arg10 : memref<80x64xf32, #tpu.memory_space<vmem>>) dst(%dma_wait3A_271 : memref<10000x64xf32, #tpu.memory_space<vmem_shared>>)
      %add3A_272 = arith.constant 5 : i32
      %add3A_273 = arith.addi %mul3A_165, %add3A_272 : i32
      %add3A_274 = arith.constant 1 : i32
      %add3A_275 = arith.addi %add3A_273, %add3A_274 : i32
      %dma_start3A_276 = arith.constant 0 : i32
      %dma_start3A_277 = tpu.memref_slice %arg7[%add3A_275, %dma_start3A_276] : memref<250x80xi32, #tpu.memory_space<vmem>> -> memref<1x80xi32, #tpu.memory_space<vmem>>
      %dma_start3A_278 = tpu.memref_squeeze %dma_start3A_277 : memref<1x80xi32, #tpu.memory_space<vmem>> -> memref<80xi32, #tpu.memory_space<vmem>>
      %dma_start3A_279 = arith.constant 0 : i32
      %dma_start3A_280 = arith.constant 0 : i32
      %dma_start3A_281 = tpu.memref_slice %arg2[%dma_start3A_279, %dma_start3A_280] : memref<10000x64xf32, #tpu.memory_space<hbm>> -> memref<10000x64xf32, #tpu.memory_space<hbm>>
      tpu.enqueue_indirect_dma source(%dma_start3A_281 : memref<10000x64xf32, #tpu.memory_space<hbm>>) target(%arg10 : memref<80x64xf32, #tpu.memory_space<vmem>>) offsets(%dma_start3A_278 : memref<80xi32, #tpu.memory_space<vmem>>) semaphore(%arg16 : memref<!tpu.dma_semaphore, #tpu.memory_space<semaphore_mem>>)
      %add3A_282 = arith.constant 2 : i32
      %add3A_283 = arith.addi %mul3A_165, %add3A_282 : i32
      %dma_wait3A_284 = arith.constant 0 : i32
      %dma_wait3A_285 = tpu.memref_slice %arg8[%add3A_283, %dma_wait3A_284] : memref<250x80xi32, #tpu.memory_space<vmem>> -> memref<1x80xi32, #tpu.memory_space<vmem>>
      %dma_wait3A_286 = tpu.memref_squeeze %dma_wait3A_285 : memref<1x80xi32, #tpu.memory_space<vmem>> -> memref<80xi32, #tpu.memory_space<vmem>>
      %dma_wait3A_287 = arith.constant 0 : i32
      %dma_wait3A_288 = arith.constant 0 : i32
      %dma_wait3A_289 = tpu.memref_slice %arg14[%dma_wait3A_287, %dma_wait3A_288] : memref<10000x64xf32, #tpu.memory_space<vmem_shared>> -> memref<10000x64xf32, #tpu.memory_space<vmem_shared>>
      tpu.wait_indirect_dma semaphore(%arg22 : memref<!tpu.dma_semaphore, #tpu.memory_space<semaphore_mem>>) src(%arg11 : memref<80x64xf32, #tpu.memory_space<vmem>>) dst(%dma_wait3A_289 : memref<10000x64xf32, #tpu.memory_space<vmem_shared>>)
      %add3A_290 = arith.constant 5 : i32
      %add3A_291 = arith.addi %mul3A_165, %add3A_290 : i32
      %add3A_292 = arith.constant 2 : i32
      %add3A_293 = arith.addi %add3A_291, %add3A_292 : i32
      %dma_start3A_294 = arith.constant 0 : i32
      %dma_start3A_295 = tpu.memref_slice %arg7[%add3A_293, %dma_start3A_294] : memref<250x80xi32, #tpu.memory_space<vmem>> -> memref<1x80xi32, #tpu.memory_space<vmem>>
      %dma_start3A_296 = tpu.memref_squeeze %dma_start3A_295 : memref<1x80xi32, #tpu.memory_space<vmem>> -> memref<80xi32, #tpu.memory_space<vmem>>
      %dma_start3A_297 = arith.constant 0 : i32
      %dma_start3A_298 = arith.constant 0 : i32
      %dma_start3A_299 = tpu.memref_slice %arg2[%dma_start3A_297, %dma_start3A_298] : memref<10000x64xf32, #tpu.memory_space<hbm>> -> memref<10000x64xf32, #tpu.memory_space<hbm>>
      tpu.enqueue_indirect_dma source(%dma_start3A_299 : memref<10000x64xf32, #tpu.memory_space<hbm>>) target(%arg11 : memref<80x64xf32, #tpu.memory_space<vmem>>) offsets(%dma_start3A_296 : memref<80xi32, #tpu.memory_space<vmem>>) semaphore(%arg17 : memref<!tpu.dma_semaphore, #tpu.memory_space<semaphore_mem>>)
      %add3A_300 = arith.constant 3 : i32
      %add3A_301 = arith.addi %mul3A_165, %add3A_300 : i32
      %dma_wait3A_302 = arith.constant 0 : i32
      %dma_wait3A_303 = tpu.memref_slice %arg8[%add3A_301, %dma_wait3A_302] : memref<250x80xi32, #tpu.memory_space<vmem>> -> memref<1x80xi32, #tpu.memory_space<vmem>>
      %dma_wait3A_304 = tpu.memref_squeeze %dma_wait3A_303 : memref<1x80xi32, #tpu.memory_space<vmem>> -> memref<80xi32, #tpu.memory_space<vmem>>
      %dma_wait3A_305 = arith.constant 0 : i32
      %dma_wait3A_306 = arith.constant 0 : i32
      %dma_wait3A_307 = tpu.memref_slice %arg14[%dma_wait3A_305, %dma_wait3A_306] : memref<10000x64xf32, #tpu.memory_space<vmem_shared>> -> memref<10000x64xf32, #tpu.memory_space<vmem_shared>>
      tpu.wait_indirect_dma semaphore(%arg23 : memref<!tpu.dma_semaphore, #tpu.memory_space<semaphore_mem>>) src(%arg12 : memref<80x64xf32, #tpu.memory_space<vmem>>) dst(%dma_wait3A_307 : memref<10000x64xf32, #tpu.memory_space<vmem_shared>>)
      %add3A_308 = arith.constant 5 : i32
      %add3A_309 = arith.addi %mul3A_165, %add3A_308 : i32
      %add3A_310 = arith.constant 3 : i32
      %add3A_311 = arith.addi %add3A_309, %add3A_310 : i32
      %dma_start3A_312 = arith.constant 0 : i32
      %dma_start3A_313 = tpu.memref_slice %arg7[%add3A_311, %dma_start3A_312] : memref<250x80xi32, #tpu.memory_space<vmem>> -> memref<1x80xi32, #tpu.memory_space<vmem>>
      %dma_start3A_314 = tpu.memref_squeeze %dma_start3A_313 : memref<1x80xi32, #tpu.memory_space<vmem>> -> memref<80xi32, #tpu.memory_space<vmem>>
      %dma_start3A_315 = arith.constant 0 : i32
      %dma_start3A_316 = arith.constant 0 : i32
      %dma_start3A_317 = tpu.memref_slice %arg2[%dma_start3A_315, %dma_start3A_316] : memref<10000x64xf32, #tpu.memory_space<hbm>> -> memref<10000x64xf32, #tpu.memory_space<hbm>>
      tpu.enqueue_indirect_dma source(%dma_start3A_317 : memref<10000x64xf32, #tpu.memory_space<hbm>>) target(%arg12 : memref<80x64xf32, #tpu.memory_space<vmem>>) offsets(%dma_start3A_314 : memref<80xi32, #tpu.memory_space<vmem>>) semaphore(%arg18 : memref<!tpu.dma_semaphore, #tpu.memory_space<semaphore_mem>>)
      %add3A_318 = arith.constant 4 : i32
      %add3A_319 = arith.addi %mul3A_165, %add3A_318 : i32
      %dma_wait3A_320 = arith.constant 0 : i32
      %dma_wait3A_321 = tpu.memref_slice %arg8[%add3A_319, %dma_wait3A_320] : memref<250x80xi32, #tpu.memory_space<vmem>> -> memref<1x80xi32, #tpu.memory_space<vmem>>
      %dma_wait3A_322 = tpu.memref_squeeze %dma_wait3A_321 : memref<1x80xi32, #tpu.memory_space<vmem>> -> memref<80xi32, #tpu.memory_space<vmem>>
      %dma_wait3A_323 = arith.constant 0 : i32
      %dma_wait3A_324 = arith.constant 0 : i32
      %dma_wait3A_325 = tpu.memref_slice %arg14[%dma_wait3A_323, %dma_wait3A_324] : memref<10000x64xf32, #tpu.memory_space<vmem_shared>> -> memref<10000x64xf32, #tpu.memory_space<vmem_shared>>
      tpu.wait_indirect_dma semaphore(%arg24 : memref<!tpu.dma_semaphore, #tpu.memory_space<semaphore_mem>>) src(%arg13 : memref<80x64xf32, #tpu.memory_space<vmem>>) dst(%dma_wait3A_325 : memref<10000x64xf32, #tpu.memory_space<vmem_shared>>)
      %add3A_326 = arith.constant 5 : i32
      %add3A_327 = arith.addi %mul3A_165, %add3A_326 : i32
      %add3A_328 = arith.constant 4 : i32
      %add3A_329 = arith.addi %add3A_327, %add3A_328 : i32
      %dma_start3A_330 = arith.constant 0 : i32
      %dma_start3A_331 = tpu.memref_slice %arg7[%add3A_329, %dma_start3A_330] : memref<250x80xi32, #tpu.memory_space<vmem>> -> memref<1x80xi32, #tpu.memory_space<vmem>>
      %dma_start3A_332 = tpu.memref_squeeze %dma_start3A_331 : memref<1x80xi32, #tpu.memory_space<vmem>> -> memref<80xi32, #tpu.memory_space<vmem>>
      %dma_start3A_333 = arith.constant 0 : i32
      %dma_start3A_334 = arith.constant 0 : i32
      %dma_start3A_335 = tpu.memref_slice %arg2[%dma_start3A_333, %dma_start3A_334] : memref<10000x64xf32, #tpu.memory_space<hbm>> -> memref<10000x64xf32, #tpu.memory_space<hbm>>
      tpu.enqueue_indirect_dma source(%dma_start3A_335 : memref<10000x64xf32, #tpu.memory_space<hbm>>) target(%arg13 : memref<80x64xf32, #tpu.memory_space<vmem>>) offsets(%dma_start3A_332 : memref<80xi32, #tpu.memory_space<vmem>>) semaphore(%arg19 : memref<!tpu.dma_semaphore, #tpu.memory_space<semaphore_mem>>)
      %scan3A_336 = arith.constant 0 : i32
      scf.yield %scan3A_336 : i32
    }
    %scan3A_46 = arith.constant 49 : i32
    %dma_wait3A = arith.constant 245 : i32
    %dma_wait3A_47 = arith.constant 0 : i32
    %dma_wait3A_48 = tpu.memref_slice %arg7[%dma_wait3A, %dma_wait3A_47] : memref<250x80xi32, #tpu.memory_space<vmem>> -> memref<1x80xi32, #tpu.memory_space<vmem>>
    %dma_wait3A_49 = tpu.memref_squeeze %dma_wait3A_48 : memref<1x80xi32, #tpu.memory_space<vmem>> -> memref<80xi32, #tpu.memory_space<vmem>>
    %dma_wait3A_50 = arith.constant 0 : i32
    %dma_wait3A_51 = arith.constant 0 : i32
    %dma_wait3A_52 = tpu.memref_slice %arg2[%dma_wait3A_50, %dma_wait3A_51] : memref<10000x64xf32, #tpu.memory_space<hbm>> -> memref<10000x64xf32, #tpu.memory_space<hbm>>
    tpu.wait_indirect_dma semaphore(%arg15 : memref<!tpu.dma_semaphore, #tpu.memory_space<semaphore_mem>>) src(%dma_wait3A_52 : memref<10000x64xf32, #tpu.memory_space<hbm>>) dst(%arg9 : memref<80x64xf32, #tpu.memory_space<vmem>>)
    %dma_start3A_53 = arith.constant 245 : i32
    %dma_start3A_54 = arith.constant 0 : i32
    %dma_start3A_55 = tpu.memref_slice %arg8[%dma_start3A_53, %dma_start3A_54] : memref<250x80xi32, #tpu.memory_space<vmem>> -> memref<1x80xi32, #tpu.memory_space<vmem>>
    %dma_start3A_56 = tpu.memref_squeeze %dma_start3A_55 : memref<1x80xi32, #tpu.memory_space<vmem>> -> memref<80xi32, #tpu.memory_space<vmem>>
    %dma_start3A_57 = arith.constant 0 : i32
    %dma_start3A_58 = arith.constant 0 : i32
    %dma_start3A_59 = tpu.memref_slice %arg14[%dma_start3A_57, %dma_start3A_58] : memref<10000x64xf32, #tpu.memory_space<vmem_shared>> -> memref<10000x64xf32, #tpu.memory_space<vmem_shared>>
    tpu.enqueue_indirect_dma source(%arg9 : memref<80x64xf32, #tpu.memory_space<vmem>>) target(%dma_start3A_59 : memref<10000x64xf32, #tpu.memory_space<vmem_shared>>) offsets(%dma_start3A_56 : memref<80xi32, #tpu.memory_space<vmem>>) semaphore(%arg20 : memref<!tpu.dma_semaphore, #tpu.memory_space<semaphore_mem>>) {add = true}
    %dma_wait3A_60 = arith.constant 246 : i32
    %dma_wait3A_61 = arith.constant 0 : i32
    %dma_wait3A_62 = tpu.memref_slice %arg7[%dma_wait3A_60, %dma_wait3A_61] : memref<250x80xi32, #tpu.memory_space<vmem>> -> memref<1x80xi32, #tpu.memory_space<vmem>>
    %dma_wait3A_63 = tpu.memref_squeeze %dma_wait3A_62 : memref<1x80xi32, #tpu.memory_space<vmem>> -> memref<80xi32, #tpu.memory_space<vmem>>
    %dma_wait3A_64 = arith.constant 0 : i32
    %dma_wait3A_65 = arith.constant 0 : i32
    %dma_wait3A_66 = tpu.memref_slice %arg2[%dma_wait3A_64, %dma_wait3A_65] : memref<10000x64xf32, #tpu.memory_space<hbm>> -> memref<10000x64xf32, #tpu.memory_space<hbm>>
    tpu.wait_indirect_dma semaphore(%arg16 : memref<!tpu.dma_semaphore, #tpu.memory_space<semaphore_mem>>) src(%dma_wait3A_66 : memref<10000x64xf32, #tpu.memory_space<hbm>>) dst(%arg10 : memref<80x64xf32, #tpu.memory_space<vmem>>)
    %dma_start3A_67 = arith.constant 246 : i32
    %dma_start3A_68 = arith.constant 0 : i32
    %dma_start3A_69 = tpu.memref_slice %arg8[%dma_start3A_67, %dma_start3A_68] : memref<250x80xi32, #tpu.memory_space<vmem>> -> memref<1x80xi32, #tpu.memory_space<vmem>>
    %dma_start3A_70 = tpu.memref_squeeze %dma_start3A_69 : memref<1x80xi32, #tpu.memory_space<vmem>> -> memref<80xi32, #tpu.memory_space<vmem>>
    %dma_start3A_71 = arith.constant 0 : i32
    %dma_start3A_72 = arith.constant 0 : i32
    %dma_start3A_73 = tpu.memref_slice %arg14[%dma_start3A_71, %dma_start3A_72] : memref<10000x64xf32, #tpu.memory_space<vmem_shared>> -> memref<10000x64xf32, #tpu.memory_space<vmem_shared>>
    tpu.enqueue_indirect_dma source(%arg10 : memref<80x64xf32, #tpu.memory_space<vmem>>) target(%dma_start3A_73 : memref<10000x64xf32, #tpu.memory_space<vmem_shared>>) offsets(%dma_start3A_70 : memref<80xi32, #tpu.memory_space<vmem>>) semaphore(%arg21 : memref<!tpu.dma_semaphore, #tpu.memory_space<semaphore_mem>>) {add = true}
    %dma_wait3A_74 = arith.constant 247 : i32
    %dma_wait3A_75 = arith.constant 0 : i32
    %dma_wait3A_76 = tpu.memref_slice %arg7[%dma_wait3A_74, %dma_wait3A_75] : memref<250x80xi32, #tpu.memory_space<vmem>> -> memref<1x80xi32, #tpu.memory_space<vmem>>
    %dma_wait3A_77 = tpu.memref_squeeze %dma_wait3A_76 : memref<1x80xi32, #tpu.memory_space<vmem>> -> memref<80xi32, #tpu.memory_space<vmem>>
    %dma_wait3A_78 = arith.constant 0 : i32
    %dma_wait3A_79 = arith.constant 0 : i32
    %dma_wait3A_80 = tpu.memref_slice %arg2[%dma_wait3A_78, %dma_wait3A_79] : memref<10000x64xf32, #tpu.memory_space<hbm>> -> memref<10000x64xf32, #tpu.memory_space<hbm>>
    tpu.wait_indirect_dma semaphore(%arg17 : memref<!tpu.dma_semaphore, #tpu.memory_space<semaphore_mem>>) src(%dma_wait3A_80 : memref<10000x64xf32, #tpu.memory_space<hbm>>) dst(%arg11 : memref<80x64xf32, #tpu.memory_space<vmem>>)
    %dma_start3A_81 = arith.constant 247 : i32
    %dma_start3A_82 = arith.constant 0 : i32
    %dma_start3A_83 = tpu.memref_slice %arg8[%dma_start3A_81, %dma_start3A_82] : memref<250x80xi32, #tpu.memory_space<vmem>> -> memref<1x80xi32, #tpu.memory_space<vmem>>
    %dma_start3A_84 = tpu.memref_squeeze %dma_start3A_83 : memref<1x80xi32, #tpu.memory_space<vmem>> -> memref<80xi32, #tpu.memory_space<vmem>>
    %dma_start3A_85 = arith.constant 0 : i32
    %dma_start3A_86 = arith.constant 0 : i32
    %dma_start3A_87 = tpu.memref_slice %arg14[%dma_start3A_85, %dma_start3A_86] : memref<10000x64xf32, #tpu.memory_space<vmem_shared>> -> memref<10000x64xf32, #tpu.memory_space<vmem_shared>>
    tpu.enqueue_indirect_dma source(%arg11 : memref<80x64xf32, #tpu.memory_space<vmem>>) target(%dma_start3A_87 : memref<10000x64xf32, #tpu.memory_space<vmem_shared>>) offsets(%dma_start3A_84 : memref<80xi32, #tpu.memory_space<vmem>>) semaphore(%arg22 : memref<!tpu.dma_semaphore, #tpu.memory_space<semaphore_mem>>) {add = true}
    %dma_wait3A_88 = arith.constant 248 : i32
    %dma_wait3A_89 = arith.constant 0 : i32
    %dma_wait3A_90 = tpu.memref_slice %arg7[%dma_wait3A_88, %dma_wait3A_89] : memref<250x80xi32, #tpu.memory_space<vmem>> -> memref<1x80xi32, #tpu.memory_space<vmem>>
    %dma_wait3A_91 = tpu.memref_squeeze %dma_wait3A_90 : memref<1x80xi32, #tpu.memory_space<vmem>> -> memref<80xi32, #tpu.memory_space<vmem>>
    %dma_wait3A_92 = arith.constant 0 : i32
    %dma_wait3A_93 = arith.constant 0 : i32
    %dma_wait3A_94 = tpu.memref_slice %arg2[%dma_wait3A_92, %dma_wait3A_93] : memref<10000x64xf32, #tpu.memory_space<hbm>> -> memref<10000x64xf32, #tpu.memory_space<hbm>>
    tpu.wait_indirect_dma semaphore(%arg18 : memref<!tpu.dma_semaphore, #tpu.memory_space<semaphore_mem>>) src(%dma_wait3A_94 : memref<10000x64xf32, #tpu.memory_space<hbm>>) dst(%arg12 : memref<80x64xf32, #tpu.memory_space<vmem>>)
    %dma_start3A_95 = arith.constant 248 : i32
    %dma_start3A_96 = arith.constant 0 : i32
    %dma_start3A_97 = tpu.memref_slice %arg8[%dma_start3A_95, %dma_start3A_96] : memref<250x80xi32, #tpu.memory_space<vmem>> -> memref<1x80xi32, #tpu.memory_space<vmem>>
    %dma_start3A_98 = tpu.memref_squeeze %dma_start3A_97 : memref<1x80xi32, #tpu.memory_space<vmem>> -> memref<80xi32, #tpu.memory_space<vmem>>
    %dma_start3A_99 = arith.constant 0 : i32
    %dma_start3A_100 = arith.constant 0 : i32
    %dma_start3A_101 = tpu.memref_slice %arg14[%dma_start3A_99, %dma_start3A_100] : memref<10000x64xf32, #tpu.memory_space<vmem_shared>> -> memref<10000x64xf32, #tpu.memory_space<vmem_shared>>
    tpu.enqueue_indirect_dma source(%arg12 : memref<80x64xf32, #tpu.memory_space<vmem>>) target(%dma_start3A_101 : memref<10000x64xf32, #tpu.memory_space<vmem_shared>>) offsets(%dma_start3A_98 : memref<80xi32, #tpu.memory_space<vmem>>) semaphore(%arg23 : memref<!tpu.dma_semaphore, #tpu.memory_space<semaphore_mem>>) {add = true}
    %dma_wait3A_102 = arith.constant 249 : i32
    %dma_wait3A_103 = arith.constant 0 : i32
    %dma_wait3A_104 = tpu.memref_slice %arg7[%dma_wait3A_102, %dma_wait3A_103] : memref<250x80xi32, #tpu.memory_space<vmem>> -> memref<1x80xi32, #tpu.memory_space<vmem>>
    %dma_wait3A_105 = tpu.memref_squeeze %dma_wait3A_104 : memref<1x80xi32, #tpu.memory_space<vmem>> -> memref<80xi32, #tpu.memory_space<vmem>>
    %dma_wait3A_106 = arith.constant 0 : i32
    %dma_wait3A_107 = arith.constant 0 : i32
    %dma_wait3A_108 = tpu.memref_slice %arg2[%dma_wait3A_106, %dma_wait3A_107] : memref<10000x64xf32, #tpu.memory_space<hbm>> -> memref<10000x64xf32, #tpu.memory_space<hbm>>
    tpu.wait_indirect_dma semaphore(%arg19 : memref<!tpu.dma_semaphore, #tpu.memory_space<semaphore_mem>>) src(%dma_wait3A_108 : memref<10000x64xf32, #tpu.memory_space<hbm>>) dst(%arg13 : memref<80x64xf32, #tpu.memory_space<vmem>>)
    %dma_start3A_109 = arith.constant 249 : i32
    %dma_start3A_110 = arith.constant 0 : i32
    %dma_start3A_111 = tpu.memref_slice %arg8[%dma_start3A_109, %dma_start3A_110] : memref<250x80xi32, #tpu.memory_space<vmem>> -> memref<1x80xi32, #tpu.memory_space<vmem>>
    %dma_start3A_112 = tpu.memref_squeeze %dma_start3A_111 : memref<1x80xi32, #tpu.memory_space<vmem>> -> memref<80xi32, #tpu.memory_space<vmem>>
    %dma_start3A_113 = arith.constant 0 : i32
    %dma_start3A_114 = arith.constant 0 : i32
    %dma_start3A_115 = tpu.memref_slice %arg14[%dma_start3A_113, %dma_start3A_114] : memref<10000x64xf32, #tpu.memory_space<vmem_shared>> -> memref<10000x64xf32, #tpu.memory_space<vmem_shared>>
    tpu.enqueue_indirect_dma source(%arg13 : memref<80x64xf32, #tpu.memory_space<vmem>>) target(%dma_start3A_115 : memref<10000x64xf32, #tpu.memory_space<vmem_shared>>) offsets(%dma_start3A_112 : memref<80xi32, #tpu.memory_space<vmem>>) semaphore(%arg24 : memref<!tpu.dma_semaphore, #tpu.memory_space<semaphore_mem>>) {add = true}
    %dma_wait3A_116 = arith.constant 245 : i32
    %dma_wait3A_117 = arith.constant 0 : i32
    %dma_wait3A_118 = tpu.memref_slice %arg8[%dma_wait3A_116, %dma_wait3A_117] : memref<250x80xi32, #tpu.memory_space<vmem>> -> memref<1x80xi32, #tpu.memory_space<vmem>>
    %dma_wait3A_119 = tpu.memref_squeeze %dma_wait3A_118 : memref<1x80xi32, #tpu.memory_space<vmem>> -> memref<80xi32, #tpu.memory_space<vmem>>
    %dma_wait3A_120 = arith.constant 0 : i32
    %dma_wait3A_121 = arith.constant 0 : i32
    %dma_wait3A_122 = tpu.memref_slice %arg14[%dma_wait3A_120, %dma_wait3A_121] : memref<10000x64xf32, #tpu.memory_space<vmem_shared>> -> memref<10000x64xf32, #tpu.memory_space<vmem_shared>>
    tpu.wait_indirect_dma semaphore(%arg20 : memref<!tpu.dma_semaphore, #tpu.memory_space<semaphore_mem>>) src(%arg9 : memref<80x64xf32, #tpu.memory_space<vmem>>) dst(%dma_wait3A_122 : memref<10000x64xf32, #tpu.memory_space<vmem_shared>>)
    %dma_wait3A_123 = arith.constant 246 : i32
    %dma_wait3A_124 = arith.constant 0 : i32
    %dma_wait3A_125 = tpu.memref_slice %arg8[%dma_wait3A_123, %dma_wait3A_124] : memref<250x80xi32, #tpu.memory_space<vmem>> -> memref<1x80xi32, #tpu.memory_space<vmem>>
    %dma_wait3A_126 = tpu.memref_squeeze %dma_wait3A_125 : memref<1x80xi32, #tpu.memory_space<vmem>> -> memref<80xi32, #tpu.memory_space<vmem>>
    %dma_wait3A_127 = arith.constant 0 : i32
    %dma_wait3A_128 = arith.constant 0 : i32
    %dma_wait3A_129 = tpu.memref_slice %arg14[%dma_wait3A_127, %dma_wait3A_128] : memref<10000x64xf32, #tpu.memory_space<vmem_shared>> -> memref<10000x64xf32, #tpu.memory_space<vmem_shared>>
    tpu.wait_indirect_dma semaphore(%arg21 : memref<!tpu.dma_semaphore, #tpu.memory_space<semaphore_mem>>) src(%arg10 : memref<80x64xf32, #tpu.memory_space<vmem>>) dst(%dma_wait3A_129 : memref<10000x64xf32, #tpu.memory_space<vmem_shared>>)
    %dma_wait3A_130 = arith.constant 247 : i32
    %dma_wait3A_131 = arith.constant 0 : i32
    %dma_wait3A_132 = tpu.memref_slice %arg8[%dma_wait3A_130, %dma_wait3A_131] : memref<250x80xi32, #tpu.memory_space<vmem>> -> memref<1x80xi32, #tpu.memory_space<vmem>>
    %dma_wait3A_133 = tpu.memref_squeeze %dma_wait3A_132 : memref<1x80xi32, #tpu.memory_space<vmem>> -> memref<80xi32, #tpu.memory_space<vmem>>
    %dma_wait3A_134 = arith.constant 0 : i32
    %dma_wait3A_135 = arith.constant 0 : i32
    %dma_wait3A_136 = tpu.memref_slice %arg14[%dma_wait3A_134, %dma_wait3A_135] : memref<10000x64xf32, #tpu.memory_space<vmem_shared>> -> memref<10000x64xf32, #tpu.memory_space<vmem_shared>>
    tpu.wait_indirect_dma semaphore(%arg22 : memref<!tpu.dma_semaphore, #tpu.memory_space<semaphore_mem>>) src(%arg11 : memref<80x64xf32, #tpu.memory_space<vmem>>) dst(%dma_wait3A_136 : memref<10000x64xf32, #tpu.memory_space<vmem_shared>>)
    %dma_wait3A_137 = arith.constant 248 : i32
    %dma_wait3A_138 = arith.constant 0 : i32
    %dma_wait3A_139 = tpu.memref_slice %arg8[%dma_wait3A_137, %dma_wait3A_138] : memref<250x80xi32, #tpu.memory_space<vmem>> -> memref<1x80xi32, #tpu.memory_space<vmem>>
    %dma_wait3A_140 = tpu.memref_squeeze %dma_wait3A_139 : memref<1x80xi32, #tpu.memory_space<vmem>> -> memref<80xi32, #tpu.memory_space<vmem>>
    %dma_wait3A_141 = arith.constant 0 : i32
    %dma_wait3A_142 = arith.constant 0 : i32
    %dma_wait3A_143 = tpu.memref_slice %arg14[%dma_wait3A_141, %dma_wait3A_142] : memref<10000x64xf32, #tpu.memory_space<vmem_shared>> -> memref<10000x64xf32, #tpu.memory_space<vmem_shared>>
    tpu.wait_indirect_dma semaphore(%arg23 : memref<!tpu.dma_semaphore, #tpu.memory_space<semaphore_mem>>) src(%arg12 : memref<80x64xf32, #tpu.memory_space<vmem>>) dst(%dma_wait3A_143 : memref<10000x64xf32, #tpu.memory_space<vmem_shared>>)
    %dma_wait3A_144 = arith.constant 249 : i32
    %dma_wait3A_145 = arith.constant 0 : i32
    %dma_wait3A_146 = tpu.memref_slice %arg8[%dma_wait3A_144, %dma_wait3A_145] : memref<250x80xi32, #tpu.memory_space<vmem>> -> memref<1x80xi32, #tpu.memory_space<vmem>>
    %dma_wait3A_147 = tpu.memref_squeeze %dma_wait3A_146 : memref<1x80xi32, #tpu.memory_space<vmem>> -> memref<80xi32, #tpu.memory_space<vmem>>
    %dma_wait3A_148 = arith.constant 0 : i32
    %dma_wait3A_149 = arith.constant 0 : i32
    %dma_wait3A_150 = tpu.memref_slice %arg14[%dma_wait3A_148, %dma_wait3A_149] : memref<10000x64xf32, #tpu.memory_space<vmem_shared>> -> memref<10000x64xf32, #tpu.memory_space<vmem_shared>>
    tpu.wait_indirect_dma semaphore(%arg24 : memref<!tpu.dma_semaphore, #tpu.memory_space<semaphore_mem>>) src(%arg13 : memref<80x64xf32, #tpu.memory_space<vmem>>) dst(%dma_wait3A_150 : memref<10000x64xf32, #tpu.memory_space<vmem_shared>>)
    %barrier3A_151 = arith.constant 0 : index
    tpu.barrier barrier_id(%barrier3A_151)
    %lt3A_152 = arith.constant 15 : i32
    %lt3A_153 = arith.cmpi slt, %arg1, %lt3A_152 : i32
    %convert_element_type3A_154 = arith.extui %lt3A_153 : i1 to i32
    %cond3A_155 = arith.constant 0 : i32
    %cond3A_156 = arith.cmpi ne, %convert_element_type3A_154, %cond3A_155 : i32
    scf.if %cond3A_156 {
      %mul3A_162 = arith.constant 640 : i32
      %mul3A_163 = arith.muli %arg1, %mul3A_162 : i32
      %mul3A_164 = arith.constant 640 : i32
      %mul3A_165 = arith.muli %arg1, %mul3A_164 : i32
      "tpu.region"() ({
        %run_scoped3A = tpu.sem_alloc : memref<!tpu.dma_semaphore, #tpu.memory_space<semaphore_mem>>
        %dma_start3A_166 = arith.constant 0 : i32
        %dma_start3A_167 = arith.constant 0 : i32
        %dma_start3A_168 = tpu.memref_slice %arg6[%arg0, %dma_start3A_166, %dma_start3A_167] : memref<1x10000x64xf32, #tpu.memory_space<hbm>> -> memref<1x10000x64xf32, #tpu.memory_space<hbm>>
        %dma_start3A_169 = tpu.memref_squeeze %dma_start3A_168 : memref<1x10000x64xf32, #tpu.memory_space<hbm>> -> memref<10000x64xf32, #tpu.memory_space<hbm>>
        %dma_start3A_170 = arith.constant 0 : i32
        %dma_start3A_171 = tpu.memref_slice %dma_start3A_169[%mul3A_165, %dma_start3A_170] : memref<10000x64xf32, #tpu.memory_space<hbm>> -> memref<640x64xf32, #tpu.memory_space<hbm>>
        %dma_start3A_172 = arith.constant 0 : i32
        %dma_start3A_173 = tpu.memref_slice %arg14[%mul3A_163, %dma_start3A_172] : memref<10000x64xf32, #tpu.memory_space<vmem_shared>> -> memref<640x64xf32, #tpu.memory_space<vmem_shared>>
        tpu.enqueue_dma source(%dma_start3A_173 : memref<640x64xf32, #tpu.memory_space<vmem_shared>>) target(%dma_start3A_171 : memref<640x64xf32, #tpu.memory_space<hbm>>) target_semaphore(%run_scoped3A : memref<!tpu.dma_semaphore, #tpu.memory_space<semaphore_mem>>)
        %dma_wait3A_174 = arith.constant 0 : i32
        %dma_wait3A_175 = arith.constant 0 : i32
        %dma_wait3A_176 = tpu.memref_slice %arg6[%arg0, %dma_wait3A_174, %dma_wait3A_175] : memref<1x10000x64xf32, #tpu.memory_space<hbm>> -> memref<1x10000x64xf32, #tpu.memory_space<hbm>>
        %dma_wait3A_177 = tpu.memref_squeeze %dma_wait3A_176 : memref<1x10000x64xf32, #tpu.memory_space<hbm>> -> memref<10000x64xf32, #tpu.memory_space<hbm>>
        %dma_wait3A_178 = arith.constant 0 : i32
        %dma_wait3A_179 = tpu.memref_slice %dma_wait3A_177[%mul3A_165, %dma_wait3A_178] : memref<10000x64xf32, #tpu.memory_space<hbm>> -> memref<640x64xf32, #tpu.memory_space<hbm>>
        %dma_wait3A_180 = arith.constant 0 : i32
        %dma_wait3A_181 = tpu.memref_slice %arg14[%mul3A_163, %dma_wait3A_180] : memref<10000x64xf32, #tpu.memory_space<vmem_shared>> -> memref<640x64xf32, #tpu.memory_space<vmem_shared>>
        tpu.wait_dma2 semaphore(%run_scoped3A : memref<!tpu.dma_semaphore, #tpu.memory_space<semaphore_mem>>) src(%dma_wait3A_181 : memref<640x64xf32, #tpu.memory_space<vmem_shared>>) dst(%dma_wait3A_179 : memref<640x64xf32, #tpu.memory_space<hbm>>)
        tpu.yield
      }) : () -> ()
    } else {
    }
    %eq3A_157 = arith.constant 15 : i32
    %eq3A_158 = arith.cmpi eq, %arg1, %eq3A_157 : i32
    %convert_element_type3A_159 = arith.extui %eq3A_158 : i1 to i32
    %cond3A_160 = arith.constant 0 : i32
    %cond3A_161 = arith.cmpi ne, %convert_element_type3A_159, %cond3A_160 : i32
    scf.if %cond3A_161 {
      "tpu.region"() ({
        %run_scoped3A = tpu.sem_alloc : memref<!tpu.dma_semaphore, #tpu.memory_space<semaphore_mem>>
        %dma_start3A_162 = arith.constant 0 : i32
        %dma_start3A_163 = arith.constant 0 : i32
        %dma_start3A_164 = tpu.memref_slice %arg6[%arg0, %dma_start3A_162, %dma_start3A_163] : memref<1x10000x64xf32, #tpu.memory_space<hbm>> -> memref<1x10000x64xf32, #tpu.memory_space<hbm>>
        %dma_start3A_165 = tpu.memref_squeeze %dma_start3A_164 : memref<1x10000x64xf32, #tpu.memory_space<hbm>> -> memref<10000x64xf32, #tpu.memory_space<hbm>>
        %dma_start3A_166 = arith.constant 9600 : i32
        %dma_start3A_167 = arith.constant 0 : i32
        %dma_start3A_168 = tpu.memref_slice %dma_start3A_165[%dma_start3A_166, %dma_start3A_167] : memref<10000x64xf32, #tpu.memory_space<hbm>> -> memref<400x64xf32, #tpu.memory_space<hbm>>
        %dma_start3A_169 = arith.constant 9600 : i32
        %dma_start3A_170 = arith.constant 0 : i32
        %dma_start3A_171 = tpu.memref_slice %arg14[%dma_start3A_169, %dma_start3A_170] : memref<10000x64xf32, #tpu.memory_space<vmem_shared>> -> memref<400x64xf32, #tpu.memory_space<vmem_shared>>
        tpu.enqueue_dma source(%dma_start3A_171 : memref<400x64xf32, #tpu.memory_space<vmem_shared>>) target(%dma_start3A_168 : memref<400x64xf32, #tpu.memory_space<hbm>>) target_semaphore(%run_scoped3A : memref<!tpu.dma_semaphore, #tpu.memory_space<semaphore_mem>>)
        %dma_wait3A_172 = arith.constant 0 : i32
        %dma_wait3A_173 = arith.constant 0 : i32
        %dma_wait3A_174 = tpu.memref_slice %arg6[%arg0, %dma_wait3A_172, %dma_wait3A_173] : memref<1x10000x64xf32, #tpu.memory_space<hbm>> -> memref<1x10000x64xf32, #tpu.memory_space<hbm>>
        %dma_wait3A_175 = tpu.memref_squeeze %dma_wait3A_174 : memref<1x10000x64xf32, #tpu.memory_space<hbm>> -> memref<10000x64xf32, #tpu.memory_space<hbm>>
        %dma_wait3A_176 = arith.constant 9600 : i32
        %dma_wait3A_177 = arith.constant 0 : i32
        %dma_wait3A_178 = tpu.memref_slice %dma_wait3A_175[%dma_wait3A_176, %dma_wait3A_177] : memref<10000x64xf32, #tpu.memory_space<hbm>> -> memref<400x64xf32, #tpu.memory_space<hbm>>
        %dma_wait3A_179 = arith.constant 9600 : i32
        %dma_wait3A_180 = arith.constant 0 : i32
        %dma_wait3A_181 = tpu.memref_slice %arg14[%dma_wait3A_179, %dma_wait3A_180] : memref<10000x64xf32, #tpu.memory_space<vmem_shared>> -> memref<400x64xf32, #tpu.memory_space<vmem_shared>>
        tpu.wait_dma2 semaphore(%run_scoped3A : memref<!tpu.dma_semaphore, #tpu.memory_space<semaphore_mem>>) src(%dma_wait3A_181 : memref<400x64xf32, #tpu.memory_space<vmem_shared>>) dst(%dma_wait3A_178 : memref<400x64xf32, #tpu.memory_space<hbm>>)
        tpu.yield
      }) : () -> ()
    } else {
    }
    return
  }
}

#map = affine_map<(d0, d1) -> (0, 0, 0)>
#map1 = affine_map<(d0, d1) -> (0, 0)>
module attributes {stable_mosaic.version = 14 : i64} {
  func.func @_sc_deg(%arg0: i32, %arg1: i32, %arg2: memref<16x250x80xi32, #tpu.memory_space<hbm>>, %arg3: memref<80x16xf32, #tpu.memory_space<hbm>>, %arg4: memref<10000x16xf32, #tpu.memory_space<hbm>>, %arg5: memref<1x10000x16xf32, #tpu.memory_space<hbm>>, %arg6: memref<250x80xi32, #tpu.memory_space<vmem>>, %arg7: memref<80x16xf32, #tpu.memory_space<vmem>>, %arg8: memref<10000x16xf32, #tpu.memory_space<vmem_shared>>, %arg9: memref<!tpu.dma_semaphore, #tpu.memory_space<semaphore_mem>>) attributes {dimension_semantics = [#tpu.dimension_semantics<core_parallel>, #tpu.dimension_semantics<subcore_parallel>], iteration_bounds = array<i64: 1, 16>, scalar_prefetch = 0 : i64, scratch_operands = 4 : i64, tpu.core_type = #tpu.core_type<sc_vector_subcore>, window_params = [{transform_indices = #map}, {transform_indices = #map1}, {transform_indices = #map1}, {transform_indices = #map}]} {
    %mul3A = arith.constant 1 : i32
    %mul3A_0 = arith.muli %arg1, %mul3A : i32
    %add3A = arith.addi %mul3A_0, %arg0 : i32
    %lt3A = arith.constant 15 : i32
    %lt3A_1 = arith.cmpi slt, %arg1, %lt3A : i32
    %convert_element_type3A = arith.extui %lt3A_1 : i1 to i32
    %cond3A = arith.constant 0 : i32
    %cond3A_2 = arith.cmpi ne, %convert_element_type3A, %cond3A : i32
    scf.if %cond3A_2 {
      %mul3A_38 = arith.constant 640 : i32
      %mul3A_39 = arith.muli %arg1, %mul3A_38 : i32
      %mul3A_40 = arith.constant 640 : i32
      %mul3A_41 = arith.muli %arg1, %mul3A_40 : i32
      "tpu.region"() ({
        %run_scoped3A = tpu.sem_alloc : memref<!tpu.dma_semaphore, #tpu.memory_space<semaphore_mem>>
        %dma_start3A = arith.constant 0 : i32
        %dma_start3A_42 = tpu.memref_slice %arg8[%mul3A_41, %dma_start3A] : memref<10000x16xf32, #tpu.memory_space<vmem_shared>> -> memref<640x16xf32, #tpu.memory_space<vmem_shared>>
        %dma_start3A_43 = arith.constant 0 : i32
        %dma_start3A_44 = tpu.memref_slice %arg4[%mul3A_39, %dma_start3A_43] : memref<10000x16xf32, #tpu.memory_space<hbm>> -> memref<640x16xf32, #tpu.memory_space<hbm>>
        tpu.enqueue_dma source(%dma_start3A_44 : memref<640x16xf32, #tpu.memory_space<hbm>>) target(%dma_start3A_42 : memref<640x16xf32, #tpu.memory_space<vmem_shared>>) target_semaphore(%run_scoped3A : memref<!tpu.dma_semaphore, #tpu.memory_space<semaphore_mem>>)
        %dma_wait3A = arith.constant 0 : i32
        %dma_wait3A_45 = tpu.memref_slice %arg8[%mul3A_41, %dma_wait3A] : memref<10000x16xf32, #tpu.memory_space<vmem_shared>> -> memref<640x16xf32, #tpu.memory_space<vmem_shared>>
        %dma_wait3A_46 = arith.constant 0 : i32
        %dma_wait3A_47 = tpu.memref_slice %arg4[%mul3A_39, %dma_wait3A_46] : memref<10000x16xf32, #tpu.memory_space<hbm>> -> memref<640x16xf32, #tpu.memory_space<hbm>>
        tpu.wait_dma2 semaphore(%run_scoped3A : memref<!tpu.dma_semaphore, #tpu.memory_space<semaphore_mem>>) src(%dma_wait3A_47 : memref<640x16xf32, #tpu.memory_space<hbm>>) dst(%dma_wait3A_45 : memref<640x16xf32, #tpu.memory_space<vmem_shared>>)
        tpu.yield
      }) : () -> ()
    } else {
    }
    %eq3A = arith.constant 15 : i32
    %eq3A_3 = arith.cmpi eq, %arg1, %eq3A : i32
    %convert_element_type3A_4 = arith.extui %eq3A_3 : i1 to i32
    %cond3A_5 = arith.constant 0 : i32
    %cond3A_6 = arith.cmpi ne, %convert_element_type3A_4, %cond3A_5 : i32
    scf.if %cond3A_6 {
      "tpu.region"() ({
        %run_scoped3A = tpu.sem_alloc : memref<!tpu.dma_semaphore, #tpu.memory_space<semaphore_mem>>
        %dma_start3A = arith.constant 9600 : i32
        %dma_start3A_38 = arith.constant 0 : i32
        %dma_start3A_39 = tpu.memref_slice %arg8[%dma_start3A, %dma_start3A_38] : memref<10000x16xf32, #tpu.memory_space<vmem_shared>> -> memref<400x16xf32, #tpu.memory_space<vmem_shared>>
        %dma_start3A_40 = arith.constant 9600 : i32
        %dma_start3A_41 = arith.constant 0 : i32
        %dma_start3A_42 = tpu.memref_slice %arg4[%dma_start3A_40, %dma_start3A_41] : memref<10000x16xf32, #tpu.memory_space<hbm>> -> memref<400x16xf32, #tpu.memory_space<hbm>>
        tpu.enqueue_dma source(%dma_start3A_42 : memref<400x16xf32, #tpu.memory_space<hbm>>) target(%dma_start3A_39 : memref<400x16xf32, #tpu.memory_space<vmem_shared>>) target_semaphore(%run_scoped3A : memref<!tpu.dma_semaphore, #tpu.memory_space<semaphore_mem>>)
        %dma_wait3A = arith.constant 9600 : i32
        %dma_wait3A_43 = arith.constant 0 : i32
        %dma_wait3A_44 = tpu.memref_slice %arg8[%dma_wait3A, %dma_wait3A_43] : memref<10000x16xf32, #tpu.memory_space<vmem_shared>> -> memref<400x16xf32, #tpu.memory_space<vmem_shared>>
        %dma_wait3A_45 = arith.constant 9600 : i32
        %dma_wait3A_46 = arith.constant 0 : i32
        %dma_wait3A_47 = tpu.memref_slice %arg4[%dma_wait3A_45, %dma_wait3A_46] : memref<10000x16xf32, #tpu.memory_space<hbm>> -> memref<400x16xf32, #tpu.memory_space<hbm>>
        tpu.wait_dma2 semaphore(%run_scoped3A : memref<!tpu.dma_semaphore, #tpu.memory_space<semaphore_mem>>) src(%dma_wait3A_47 : memref<400x16xf32, #tpu.memory_space<hbm>>) dst(%dma_wait3A_44 : memref<400x16xf32, #tpu.memory_space<vmem_shared>>)
        tpu.yield
      }) : () -> ()
    } else {
    }
    "tpu.region"() ({
      %run_scoped3A = tpu.sem_alloc : memref<!tpu.dma_semaphore, #tpu.memory_space<semaphore_mem>>
      tpu.enqueue_dma source(%arg3 : memref<80x16xf32, #tpu.memory_space<hbm>>) target(%arg7 : memref<80x16xf32, #tpu.memory_space<vmem>>) target_semaphore(%run_scoped3A : memref<!tpu.dma_semaphore, #tpu.memory_space<semaphore_mem>>)
      tpu.wait_dma2 semaphore(%run_scoped3A : memref<!tpu.dma_semaphore, #tpu.memory_space<semaphore_mem>>) src(%arg3 : memref<80x16xf32, #tpu.memory_space<hbm>>) dst(%arg7 : memref<80x16xf32, #tpu.memory_space<vmem>>)
      tpu.yield
    }) : () -> ()
    "tpu.region"() ({
      %run_scoped3A = tpu.sem_alloc : memref<!tpu.dma_semaphore, #tpu.memory_space<semaphore_mem>>
      %dma_start3A = arith.constant 0 : i32
      %dma_start3A_38 = arith.constant 0 : i32
      %dma_start3A_39 = tpu.memref_slice %arg2[%add3A, %dma_start3A, %dma_start3A_38] : memref<16x250x80xi32, #tpu.memory_space<hbm>> -> memref<1x250x80xi32, #tpu.memory_space<hbm>>
      %dma_start3A_40 = tpu.memref_squeeze %dma_start3A_39 : memref<1x250x80xi32, #tpu.memory_space<hbm>> -> memref<250x80xi32, #tpu.memory_space<hbm>>
      %dma_start3A_41 = arith.constant 0 : i32
      %dma_start3A_42 = arith.constant 0 : i32
      %dma_start3A_43 = tpu.memref_slice %arg2[%add3A, %dma_start3A_41, %dma_start3A_42] : memref<16x250x80xi32, #tpu.memory_space<hbm>> -> memref<1x250x80xi32, #tpu.memory_space<hbm>>
      %dma_start3A_44 = tpu.memref_squeeze %dma_start3A_43 : memref<1x250x80xi32, #tpu.memory_space<hbm>> -> memref<250x80xi32, #tpu.memory_space<hbm>>
      tpu.enqueue_dma source(%dma_start3A_44 : memref<250x80xi32, #tpu.memory_space<hbm>>) target(%arg6 : memref<250x80xi32, #tpu.memory_space<vmem>>) target_semaphore(%run_scoped3A : memref<!tpu.dma_semaphore, #tpu.memory_space<semaphore_mem>>)
      %dma_wait3A = arith.constant 0 : i32
      %dma_wait3A_45 = arith.constant 0 : i32
      %dma_wait3A_46 = tpu.memref_slice %arg2[%add3A, %dma_wait3A, %dma_wait3A_45] : memref<16x250x80xi32, #tpu.memory_space<hbm>> -> memref<1x250x80xi32, #tpu.memory_space<hbm>>
      %dma_wait3A_47 = tpu.memref_squeeze %dma_wait3A_46 : memref<1x250x80xi32, #tpu.memory_space<hbm>> -> memref<250x80xi32, #tpu.memory_space<hbm>>
      %dma_wait3A_48 = arith.constant 0 : i32
      %dma_wait3A_49 = arith.constant 0 : i32
      %dma_wait3A_50 = tpu.memref_slice %arg2[%add3A, %dma_wait3A_48, %dma_wait3A_49] : memref<16x250x80xi32, #tpu.memory_space<hbm>> -> memref<1x250x80xi32, #tpu.memory_space<hbm>>
      %dma_wait3A_51 = tpu.memref_squeeze %dma_wait3A_50 : memref<1x250x80xi32, #tpu.memory_space<hbm>> -> memref<250x80xi32, #tpu.memory_space<hbm>>
      tpu.wait_dma2 semaphore(%run_scoped3A : memref<!tpu.dma_semaphore, #tpu.memory_space<semaphore_mem>>) src(%dma_wait3A_51 : memref<250x80xi32, #tpu.memory_space<hbm>>) dst(%arg6 : memref<250x80xi32, #tpu.memory_space<vmem>>)
      tpu.yield
    }) : () -> ()
    %barrier3A = arith.constant 0 : index
    tpu.barrier barrier_id(%barrier3A)
    %scan3A = arith.constant 0 : i32
    %scan3A_7 = arith.constant 0 : i32
    %scan3A_8 = arith.constant 8 : i32
    %scan3A_9 = arith.addi %scan3A_7, %scan3A_8 : i32
    %scan3A_10 = arith.constant 1 : i32
    %scan3A_11 = scf.for %scan3A_38 = %scan3A_7 to %scan3A_9 step %scan3A_10 iter_args(%scan3A_39 = %scan3A) -> (i32)  : i32 {
      %dma_start3A = arith.constant 0 : i32
      %dma_start3A_40 = tpu.memref_slice %arg6[%scan3A_38, %dma_start3A] : memref<250x80xi32, #tpu.memory_space<vmem>> -> memref<1x80xi32, #tpu.memory_space<vmem>>
      %dma_start3A_41 = tpu.memref_squeeze %dma_start3A_40 : memref<1x80xi32, #tpu.memory_space<vmem>> -> memref<80xi32, #tpu.memory_space<vmem>>
      %dma_start3A_42 = arith.constant 0 : i32
      %dma_start3A_43 = arith.constant 0 : i32
      %dma_start3A_44 = tpu.memref_slice %arg8[%dma_start3A_42, %dma_start3A_43] : memref<10000x16xf32, #tpu.memory_space<vmem_shared>> -> memref<10000x16xf32, #tpu.memory_space<vmem_shared>>
      tpu.enqueue_indirect_dma source(%arg7 : memref<80x16xf32, #tpu.memory_space<vmem>>) target(%dma_start3A_44 : memref<10000x16xf32, #tpu.memory_space<vmem_shared>>) offsets(%dma_start3A_41 : memref<80xi32, #tpu.memory_space<vmem>>) semaphore(%arg9 : memref<!tpu.dma_semaphore, #tpu.memory_space<semaphore_mem>>) {add = true}
      %scan3A_45 = arith.constant 0 : i32
      scf.yield %scan3A_45 : i32
    }
    %scan3A_12 = arith.constant 8 : i32
    %scan3A_13 = arith.constant 0 : i32
    %scan3A_14 = arith.constant 8 : i32
    %scan3A_15 = arith.constant 242 : i32
    %scan3A_16 = arith.addi %scan3A_14, %scan3A_15 : i32
    %scan3A_17 = arith.constant 1 : i32
    %scan3A_18 = scf.for %scan3A_38 = %scan3A_14 to %scan3A_16 step %scan3A_17 iter_args(%scan3A_39 = %scan3A_13) -> (i32)  : i32 {
      %sub3A = arith.constant 8 : i32
      %sub3A_40 = arith.subi %scan3A_38, %sub3A : i32
      %dma_wait3A = arith.constant 0 : i32
      %dma_wait3A_41 = tpu.memref_slice %arg6[%sub3A_40, %dma_wait3A] : memref<250x80xi32, #tpu.memory_space<vmem>> -> memref<1x80xi32, #tpu.memory_space<vmem>>
      %dma_wait3A_42 = tpu.memref_squeeze %dma_wait3A_41 : memref<1x80xi32, #tpu.memory_space<vmem>> -> memref<80xi32, #tpu.memory_space<vmem>>
      %dma_wait3A_43 = arith.constant 0 : i32
      %dma_wait3A_44 = arith.constant 0 : i32
      %dma_wait3A_45 = tpu.memref_slice %arg8[%dma_wait3A_43, %dma_wait3A_44] : memref<10000x16xf32, #tpu.memory_space<vmem_shared>> -> memref<10000x16xf32, #tpu.memory_space<vmem_shared>>
      tpu.wait_indirect_dma semaphore(%arg9 : memref<!tpu.dma_semaphore, #tpu.memory_space<semaphore_mem>>) src(%arg7 : memref<80x16xf32, #tpu.memory_space<vmem>>) dst(%dma_wait3A_45 : memref<10000x16xf32, #tpu.memory_space<vmem_shared>>)
      %dma_start3A = arith.constant 0 : i32
      %dma_start3A_46 = tpu.memref_slice %arg6[%scan3A_38, %dma_start3A] : memref<250x80xi32, #tpu.memory_space<vmem>> -> memref<1x80xi32, #tpu.memory_space<vmem>>
      %dma_start3A_47 = tpu.memref_squeeze %dma_start3A_46 : memref<1x80xi32, #tpu.memory_space<vmem>> -> memref<80xi32, #tpu.memory_space<vmem>>
      %dma_start3A_48 = arith.constant 0 : i32
      %dma_start3A_49 = arith.constant 0 : i32
      %dma_start3A_50 = tpu.memref_slice %arg8[%dma_start3A_48, %dma_start3A_49] : memref<10000x16xf32, #tpu.memory_space<vmem_shared>> -> memref<10000x16xf32, #tpu.memory_space<vmem_shared>>
      tpu.enqueue_indirect_dma source(%arg7 : memref<80x16xf32, #tpu.memory_space<vmem>>) target(%dma_start3A_50 : memref<10000x16xf32, #tpu.memory_space<vmem_shared>>) offsets(%dma_start3A_47 : memref<80xi32, #tpu.memory_space<vmem>>) semaphore(%arg9 : memref<!tpu.dma_semaphore, #tpu.memory_space<semaphore_mem>>) {add = true}
      %scan3A_51 = arith.constant 0 : i32
      scf.yield %scan3A_51 : i32
    }
    %scan3A_19 = arith.constant 242 : i32
    %scan3A_20 = arith.constant 0 : i32
    %scan3A_21 = arith.constant 242 : i32
    %scan3A_22 = arith.constant 8 : i32
    %scan3A_23 = arith.addi %scan3A_21, %scan3A_22 : i32
    %scan3A_24 = arith.constant 1 : i32
    %scan3A_25 = scf.for %scan3A_38 = %scan3A_21 to %scan3A_23 step %scan3A_24 iter_args(%scan3A_39 = %scan3A_20) -> (i32)  : i32 {
      %dma_wait3A = arith.constant 0 : i32
      %dma_wait3A_40 = tpu.memref_slice %arg6[%scan3A_38, %dma_wait3A] : memref<250x80xi32, #tpu.memory_space<vmem>> -> memref<1x80xi32, #tpu.memory_space<vmem>>
      %dma_wait3A_41 = tpu.memref_squeeze %dma_wait3A_40 : memref<1x80xi32, #tpu.memory_space<vmem>> -> memref<80xi32, #tpu.memory_space<vmem>>
      %dma_wait3A_42 = arith.constant 0 : i32
      %dma_wait3A_43 = arith.constant 0 : i32
      %dma_wait3A_44 = tpu.memref_slice %arg8[%dma_wait3A_42, %dma_wait3A_43] : memref<10000x16xf32, #tpu.memory_space<vmem_shared>> -> memref<10000x16xf32, #tpu.memory_space<vmem_shared>>
      tpu.wait_indirect_dma semaphore(%arg9 : memref<!tpu.dma_semaphore, #tpu.memory_space<semaphore_mem>>) src(%arg7 : memref<80x16xf32, #tpu.memory_space<vmem>>) dst(%dma_wait3A_44 : memref<10000x16xf32, #tpu.memory_space<vmem_shared>>)
      %scan3A_45 = arith.constant 0 : i32
      scf.yield %scan3A_45 : i32
    }
    %scan3A_26 = arith.constant 8 : i32
    %barrier3A_27 = arith.constant 0 : index
    tpu.barrier barrier_id(%barrier3A_27)
    %lt3A_28 = arith.constant 15 : i32
    %lt3A_29 = arith.cmpi slt, %arg1, %lt3A_28 : i32
    %convert_element_type3A_30 = arith.extui %lt3A_29 : i1 to i32
    %cond3A_31 = arith.constant 0 : i32
    %cond3A_32 = arith.cmpi ne, %convert_element_type3A_30, %cond3A_31 : i32
    scf.if %cond3A_32 {
      %mul3A_38 = arith.constant 640 : i32
      %mul3A_39 = arith.muli %arg1, %mul3A_38 : i32
      %mul3A_40 = arith.constant 640 : i32
      %mul3A_41 = arith.muli %arg1, %mul3A_40 : i32
      "tpu.region"() ({
        %run_scoped3A = tpu.sem_alloc : memref<!tpu.dma_semaphore, #tpu.memory_space<semaphore_mem>>
        %dma_start3A = arith.constant 0 : i32
        %dma_start3A_42 = arith.constant 0 : i32
        %dma_start3A_43 = tpu.memref_slice %arg5[%arg0, %dma_start3A, %dma_start3A_42] : memref<1x10000x16xf32, #tpu.memory_space<hbm>> -> memref<1x10000x16xf32, #tpu.memory_space<hbm>>
        %dma_start3A_44 = tpu.memref_squeeze %dma_start3A_43 : memref<1x10000x16xf32, #tpu.memory_space<hbm>> -> memref<10000x16xf32, #tpu.memory_space<hbm>>
        %dma_start3A_45 = arith.constant 0 : i32
        %dma_start3A_46 = tpu.memref_slice %dma_start3A_44[%mul3A_41, %dma_start3A_45] : memref<10000x16xf32, #tpu.memory_space<hbm>> -> memref<640x16xf32, #tpu.memory_space<hbm>>
        %dma_start3A_47 = arith.constant 0 : i32
        %dma_start3A_48 = tpu.memref_slice %arg8[%mul3A_39, %dma_start3A_47] : memref<10000x16xf32, #tpu.memory_space<vmem_shared>> -> memref<640x16xf32, #tpu.memory_space<vmem_shared>>
        tpu.enqueue_dma source(%dma_start3A_48 : memref<640x16xf32, #tpu.memory_space<vmem_shared>>) target(%dma_start3A_46 : memref<640x16xf32, #tpu.memory_space<hbm>>) target_semaphore(%run_scoped3A : memref<!tpu.dma_semaphore, #tpu.memory_space<semaphore_mem>>)
        %dma_wait3A = arith.constant 0 : i32
        %dma_wait3A_49 = arith.constant 0 : i32
        %dma_wait3A_50 = tpu.memref_slice %arg5[%arg0, %dma_wait3A, %dma_wait3A_49] : memref<1x10000x16xf32, #tpu.memory_space<hbm>> -> memref<1x10000x16xf32, #tpu.memory_space<hbm>>
        %dma_wait3A_51 = tpu.memref_squeeze %dma_wait3A_50 : memref<1x10000x16xf32, #tpu.memory_space<hbm>> -> memref<10000x16xf32, #tpu.memory_space<hbm>>
        %dma_wait3A_52 = arith.constant 0 : i32
        %dma_wait3A_53 = tpu.memref_slice %dma_wait3A_51[%mul3A_41, %dma_wait3A_52] : memref<10000x16xf32, #tpu.memory_space<hbm>> -> memref<640x16xf32, #tpu.memory_space<hbm>>
        %dma_wait3A_54 = arith.constant 0 : i32
        %dma_wait3A_55 = tpu.memref_slice %arg8[%mul3A_39, %dma_wait3A_54] : memref<10000x16xf32, #tpu.memory_space<vmem_shared>> -> memref<640x16xf32, #tpu.memory_space<vmem_shared>>
        tpu.wait_dma2 semaphore(%run_scoped3A : memref<!tpu.dma_semaphore, #tpu.memory_space<semaphore_mem>>) src(%dma_wait3A_55 : memref<640x16xf32, #tpu.memory_space<vmem_shared>>) dst(%dma_wait3A_53 : memref<640x16xf32, #tpu.memory_space<hbm>>)
        tpu.yield
      }) : () -> ()
    } else {
    }
    %eq3A_33 = arith.constant 15 : i32
    %eq3A_34 = arith.cmpi eq, %arg1, %eq3A_33 : i32
    %convert_element_type3A_35 = arith.extui %eq3A_34 : i1 to i32
    %cond3A_36 = arith.constant 0 : i32
    %cond3A_37 = arith.cmpi ne, %convert_element_type3A_35, %cond3A_36 : i32
    scf.if %cond3A_37 {
      "tpu.region"() ({
        %run_scoped3A = tpu.sem_alloc : memref<!tpu.dma_semaphore, #tpu.memory_space<semaphore_mem>>
        %dma_start3A = arith.constant 0 : i32
        %dma_start3A_38 = arith.constant 0 : i32
        %dma_start3A_39 = tpu.memref_slice %arg5[%arg0, %dma_start3A, %dma_start3A_38] : memref<1x10000x16xf32, #tpu.memory_space<hbm>> -> memref<1x10000x16xf32, #tpu.memory_space<hbm>>
        %dma_start3A_40 = tpu.memref_squeeze %dma_start3A_39 : memref<1x10000x16xf32, #tpu.memory_space<hbm>> -> memref<10000x16xf32, #tpu.memory_space<hbm>>
        %dma_start3A_41 = arith.constant 9600 : i32
        %dma_start3A_42 = arith.constant 0 : i32
        %dma_start3A_43 = tpu.memref_slice %dma_start3A_40[%dma_start3A_41, %dma_start3A_42] : memref<10000x16xf32, #tpu.memory_space<hbm>> -> memref<400x16xf32, #tpu.memory_space<hbm>>
        %dma_start3A_44 = arith.constant 9600 : i32
        %dma_start3A_45 = arith.constant 0 : i32
        %dma_start3A_46 = tpu.memref_slice %arg8[%dma_start3A_44, %dma_start3A_45] : memref<10000x16xf32, #tpu.memory_space<vmem_shared>> -> memref<400x16xf32, #tpu.memory_space<vmem_shared>>
        tpu.enqueue_dma source(%dma_start3A_46 : memref<400x16xf32, #tpu.memory_space<vmem_shared>>) target(%dma_start3A_43 : memref<400x16xf32, #tpu.memory_space<hbm>>) target_semaphore(%run_scoped3A : memref<!tpu.dma_semaphore, #tpu.memory_space<semaphore_mem>>)
        %dma_wait3A = arith.constant 0 : i32
        %dma_wait3A_47 = arith.constant 0 : i32
        %dma_wait3A_48 = tpu.memref_slice %arg5[%arg0, %dma_wait3A, %dma_wait3A_47] : memref<1x10000x16xf32, #tpu.memory_space<hbm>> -> memref<1x10000x16xf32, #tpu.memory_space<hbm>>
        %dma_wait3A_49 = tpu.memref_squeeze %dma_wait3A_48 : memref<1x10000x16xf32, #tpu.memory_space<hbm>> -> memref<10000x16xf32, #tpu.memory_space<hbm>>
        %dma_wait3A_50 = arith.constant 9600 : i32
        %dma_wait3A_51 = arith.constant 0 : i32
        %dma_wait3A_52 = tpu.memref_slice %dma_wait3A_49[%dma_wait3A_50, %dma_wait3A_51] : memref<10000x16xf32, #tpu.memory_space<hbm>> -> memref<400x16xf32, #tpu.memory_space<hbm>>
        %dma_wait3A_53 = arith.constant 9600 : i32
        %dma_wait3A_54 = arith.constant 0 : i32
        %dma_wait3A_55 = tpu.memref_slice %arg8[%dma_wait3A_53, %dma_wait3A_54] : memref<10000x16xf32, #tpu.memory_space<vmem_shared>> -> memref<400x16xf32, #tpu.memory_space<vmem_shared>>
        tpu.wait_dma2 semaphore(%run_scoped3A : memref<!tpu.dma_semaphore, #tpu.memory_space<semaphore_mem>>) src(%dma_wait3A_55 : memref<400x16xf32, #tpu.memory_space<vmem_shared>>) dst(%dma_wait3A_52 : memref<400x16xf32, #tpu.memory_space<hbm>>)
        tpu.yield
      }) : () -> ()
    } else {
    }
    return
  }
}

#map = affine_map<(d0, d1) -> (0, 0)>
#map1 = affine_map<(d0, d1) -> (0, 0, 0)>
module attributes {stable_mosaic.version = 14 : i64} {
  func.func @_sc_agg(%arg0: i32, %arg1: i32, %arg2: memref<10000x64xf32, #tpu.memory_space<hbm>>, %arg3: memref<16x250x80xi32, #tpu.memory_space<hbm>>, %arg4: memref<16x250x80xi32, #tpu.memory_space<hbm>>, %arg5: memref<10000x64xf32, #tpu.memory_space<hbm>>, %arg6: memref<1x10000x64xf32, #tpu.memory_space<hbm>>, %arg7: memref<250x80xi32, #tpu.memory_space<vmem>>, %arg8: memref<250x80xi32, #tpu.memory_space<vmem>>, %arg9: memref<80x64xf32, #tpu.memory_space<vmem>>, %arg10: memref<80x64xf32, #tpu.memory_space<vmem>>, %arg11: memref<80x64xf32, #tpu.memory_space<vmem>>, %arg12: memref<80x64xf32, #tpu.memory_space<vmem>>, %arg13: memref<80x64xf32, #tpu.memory_space<vmem>>, %arg14: memref<10000x64xf32, #tpu.memory_space<vmem_shared>>, %arg15: memref<!tpu.dma_semaphore, #tpu.memory_space<semaphore_mem>>, %arg16: memref<!tpu.dma_semaphore, #tpu.memory_space<semaphore_mem>>, %arg17: memref<!tpu.dma_semaphore, #tpu.memory_space<semaphore_mem>>, %arg18: memref<!tpu.dma_semaphore, #tpu.memory_space<semaphore_mem>>, %arg19: memref<!tpu.dma_semaphore, #tpu.memory_space<semaphore_mem>>, %arg20: memref<!tpu.dma_semaphore, #tpu.memory_space<semaphore_mem>>, %arg21: memref<!tpu.dma_semaphore, #tpu.memory_space<semaphore_mem>>, %arg22: memref<!tpu.dma_semaphore, #tpu.memory_space<semaphore_mem>>, %arg23: memref<!tpu.dma_semaphore, #tpu.memory_space<semaphore_mem>>, %arg24: memref<!tpu.dma_semaphore, #tpu.memory_space<semaphore_mem>>) attributes {dimension_semantics = [#tpu.dimension_semantics<core_parallel>, #tpu.dimension_semantics<subcore_parallel>], iteration_bounds = array<i64: 1, 16>, scalar_prefetch = 0 : i64, scratch_operands = 18 : i64, tpu.core_type = #tpu.core_type<sc_vector_subcore>, window_params = [{transform_indices = #map}, {transform_indices = #map1}, {transform_indices = #map1}, {transform_indices = #map}, {transform_indices = #map1}]} {
    %mul3A = arith.constant 1 : i32
    %mul3A_0 = arith.muli %arg1, %mul3A : i32
    %add3A = arith.addi %mul3A_0, %arg0 : i32
    %lt3A = arith.constant 15 : i32
    %lt3A_1 = arith.cmpi slt, %arg1, %lt3A : i32
    %convert_element_type3A = arith.extui %lt3A_1 : i1 to i32
    %cond3A = arith.constant 0 : i32
    %cond3A_2 = arith.cmpi ne, %convert_element_type3A, %cond3A : i32
    scf.if %cond3A_2 {
      %mul3A_162 = arith.constant 640 : i32
      %mul3A_163 = arith.muli %arg1, %mul3A_162 : i32
      %mul3A_164 = arith.constant 640 : i32
      %mul3A_165 = arith.muli %arg1, %mul3A_164 : i32
      "tpu.region"() ({
        %run_scoped3A = tpu.sem_alloc : memref<!tpu.dma_semaphore, #tpu.memory_space<semaphore_mem>>
        %dma_start3A_166 = arith.constant 0 : i32
        %dma_start3A_167 = tpu.memref_slice %arg14[%mul3A_165, %dma_start3A_166] : memref<10000x64xf32, #tpu.memory_space<vmem_shared>> -> memref<640x64xf32, #tpu.memory_space<vmem_shared>>
        %dma_start3A_168 = arith.constant 0 : i32
        %dma_start3A_169 = tpu.memref_slice %arg5[%mul3A_163, %dma_start3A_168] : memref<10000x64xf32, #tpu.memory_space<hbm>> -> memref<640x64xf32, #tpu.memory_space<hbm>>
        tpu.enqueue_dma source(%dma_start3A_169 : memref<640x64xf32, #tpu.memory_space<hbm>>) target(%dma_start3A_167 : memref<640x64xf32, #tpu.memory_space<vmem_shared>>) target_semaphore(%run_scoped3A : memref<!tpu.dma_semaphore, #tpu.memory_space<semaphore_mem>>)
        %dma_wait3A_170 = arith.constant 0 : i32
        %dma_wait3A_171 = tpu.memref_slice %arg14[%mul3A_165, %dma_wait3A_170] : memref<10000x64xf32, #tpu.memory_space<vmem_shared>> -> memref<640x64xf32, #tpu.memory_space<vmem_shared>>
        %dma_wait3A_172 = arith.constant 0 : i32
        %dma_wait3A_173 = tpu.memref_slice %arg5[%mul3A_163, %dma_wait3A_172] : memref<10000x64xf32, #tpu.memory_space<hbm>> -> memref<640x64xf32, #tpu.memory_space<hbm>>
        tpu.wait_dma2 semaphore(%run_scoped3A : memref<!tpu.dma_semaphore, #tpu.memory_space<semaphore_mem>>) src(%dma_wait3A_173 : memref<640x64xf32, #tpu.memory_space<hbm>>) dst(%dma_wait3A_171 : memref<640x64xf32, #tpu.memory_space<vmem_shared>>)
        tpu.yield
      }) : () -> ()
    } else {
    }
    %eq3A = arith.constant 15 : i32
    %eq3A_3 = arith.cmpi eq, %arg1, %eq3A : i32
    %convert_element_type3A_4 = arith.extui %eq3A_3 : i1 to i32
    %cond3A_5 = arith.constant 0 : i32
    %cond3A_6 = arith.cmpi ne, %convert_element_type3A_4, %cond3A_5 : i32
    scf.if %cond3A_6 {
      "tpu.region"() ({
        %run_scoped3A = tpu.sem_alloc : memref<!tpu.dma_semaphore, #tpu.memory_space<semaphore_mem>>
        %dma_start3A_162 = arith.constant 9600 : i32
        %dma_start3A_163 = arith.constant 0 : i32
        %dma_start3A_164 = tpu.memref_slice %arg14[%dma_start3A_162, %dma_start3A_163] : memref<10000x64xf32, #tpu.memory_space<vmem_shared>> -> memref<400x64xf32, #tpu.memory_space<vmem_shared>>
        %dma_start3A_165 = arith.constant 9600 : i32
        %dma_start3A_166 = arith.constant 0 : i32
        %dma_start3A_167 = tpu.memref_slice %arg5[%dma_start3A_165, %dma_start3A_166] : memref<10000x64xf32, #tpu.memory_space<hbm>> -> memref<400x64xf32, #tpu.memory_space<hbm>>
        tpu.enqueue_dma source(%dma_start3A_167 : memref<400x64xf32, #tpu.memory_space<hbm>>) target(%dma_start3A_164 : memref<400x64xf32, #tpu.memory_space<vmem_shared>>) target_semaphore(%run_scoped3A : memref<!tpu.dma_semaphore, #tpu.memory_space<semaphore_mem>>)
        %dma_wait3A_168 = arith.constant 9600 : i32
        %dma_wait3A_169 = arith.constant 0 : i32
        %dma_wait3A_170 = tpu.memref_slice %arg14[%dma_wait3A_168, %dma_wait3A_169] : memref<10000x64xf32, #tpu.memory_space<vmem_shared>> -> memref<400x64xf32, #tpu.memory_space<vmem_shared>>
        %dma_wait3A_171 = arith.constant 9600 : i32
        %dma_wait3A_172 = arith.constant 0 : i32
        %dma_wait3A_173 = tpu.memref_slice %arg5[%dma_wait3A_171, %dma_wait3A_172] : memref<10000x64xf32, #tpu.memory_space<hbm>> -> memref<400x64xf32, #tpu.memory_space<hbm>>
        tpu.wait_dma2 semaphore(%run_scoped3A : memref<!tpu.dma_semaphore, #tpu.memory_space<semaphore_mem>>) src(%dma_wait3A_173 : memref<400x64xf32, #tpu.memory_space<hbm>>) dst(%dma_wait3A_170 : memref<400x64xf32, #tpu.memory_space<vmem_shared>>)
        tpu.yield
      }) : () -> ()
    } else {
    }
    "tpu.region"() ({
      %run_scoped3A = tpu.sem_alloc : memref<!tpu.dma_semaphore, #tpu.memory_space<semaphore_mem>>
      %dma_start3A_162 = arith.constant 0 : i32
      %dma_start3A_163 = arith.constant 0 : i32
      %dma_start3A_164 = tpu.memref_slice %arg3[%add3A, %dma_start3A_162, %dma_start3A_163] : memref<16x250x80xi32, #tpu.memory_space<hbm>> -> memref<1x250x80xi32, #tpu.memory_space<hbm>>
      %dma_start3A_165 = tpu.memref_squeeze %dma_start3A_164 : memref<1x250x80xi32, #tpu.memory_space<hbm>> -> memref<250x80xi32, #tpu.memory_space<hbm>>
      %dma_start3A_166 = arith.constant 0 : i32
      %dma_start3A_167 = arith.constant 0 : i32
      %dma_start3A_168 = tpu.memref_slice %arg3[%add3A, %dma_start3A_166, %dma_start3A_167] : memref<16x250x80xi32, #tpu.memory_space<hbm>> -> memref<1x250x80xi32, #tpu.memory_space<hbm>>
      %dma_start3A_169 = tpu.memref_squeeze %dma_start3A_168 : memref<1x250x80xi32, #tpu.memory_space<hbm>> -> memref<250x80xi32, #tpu.memory_space<hbm>>
      tpu.enqueue_dma source(%dma_start3A_169 : memref<250x80xi32, #tpu.memory_space<hbm>>) target(%arg7 : memref<250x80xi32, #tpu.memory_space<vmem>>) target_semaphore(%run_scoped3A : memref<!tpu.dma_semaphore, #tpu.memory_space<semaphore_mem>>)
      %dma_wait3A_170 = arith.constant 0 : i32
      %dma_wait3A_171 = arith.constant 0 : i32
      %dma_wait3A_172 = tpu.memref_slice %arg3[%add3A, %dma_wait3A_170, %dma_wait3A_171] : memref<16x250x80xi32, #tpu.memory_space<hbm>> -> memref<1x250x80xi32, #tpu.memory_space<hbm>>
      %dma_wait3A_173 = tpu.memref_squeeze %dma_wait3A_172 : memref<1x250x80xi32, #tpu.memory_space<hbm>> -> memref<250x80xi32, #tpu.memory_space<hbm>>
      %dma_wait3A_174 = arith.constant 0 : i32
      %dma_wait3A_175 = arith.constant 0 : i32
      %dma_wait3A_176 = tpu.memref_slice %arg3[%add3A, %dma_wait3A_174, %dma_wait3A_175] : memref<16x250x80xi32, #tpu.memory_space<hbm>> -> memref<1x250x80xi32, #tpu.memory_space<hbm>>
      %dma_wait3A_177 = tpu.memref_squeeze %dma_wait3A_176 : memref<1x250x80xi32, #tpu.memory_space<hbm>> -> memref<250x80xi32, #tpu.memory_space<hbm>>
      tpu.wait_dma2 semaphore(%run_scoped3A : memref<!tpu.dma_semaphore, #tpu.memory_space<semaphore_mem>>) src(%dma_wait3A_177 : memref<250x80xi32, #tpu.memory_space<hbm>>) dst(%arg7 : memref<250x80xi32, #tpu.memory_space<vmem>>)
      tpu.yield
    }) : () -> ()
    "tpu.region"() ({
      %run_scoped3A = tpu.sem_alloc : memref<!tpu.dma_semaphore, #tpu.memory_space<semaphore_mem>>
      %dma_start3A_162 = arith.constant 0 : i32
      %dma_start3A_163 = arith.constant 0 : i32
      %dma_start3A_164 = tpu.memref_slice %arg4[%add3A, %dma_start3A_162, %dma_start3A_163] : memref<16x250x80xi32, #tpu.memory_space<hbm>> -> memref<1x250x80xi32, #tpu.memory_space<hbm>>
      %dma_start3A_165 = tpu.memref_squeeze %dma_start3A_164 : memref<1x250x80xi32, #tpu.memory_space<hbm>> -> memref<250x80xi32, #tpu.memory_space<hbm>>
      %dma_start3A_166 = arith.constant 0 : i32
      %dma_start3A_167 = arith.constant 0 : i32
      %dma_start3A_168 = tpu.memref_slice %arg4[%add3A, %dma_start3A_166, %dma_start3A_167] : memref<16x250x80xi32, #tpu.memory_space<hbm>> -> memref<1x250x80xi32, #tpu.memory_space<hbm>>
      %dma_start3A_169 = tpu.memref_squeeze %dma_start3A_168 : memref<1x250x80xi32, #tpu.memory_space<hbm>> -> memref<250x80xi32, #tpu.memory_space<hbm>>
      tpu.enqueue_dma source(%dma_start3A_169 : memref<250x80xi32, #tpu.memory_space<hbm>>) target(%arg8 : memref<250x80xi32, #tpu.memory_space<vmem>>) target_semaphore(%run_scoped3A : memref<!tpu.dma_semaphore, #tpu.memory_space<semaphore_mem>>)
      %dma_wait3A_170 = arith.constant 0 : i32
      %dma_wait3A_171 = arith.constant 0 : i32
      %dma_wait3A_172 = tpu.memref_slice %arg4[%add3A, %dma_wait3A_170, %dma_wait3A_171] : memref<16x250x80xi32, #tpu.memory_space<hbm>> -> memref<1x250x80xi32, #tpu.memory_space<hbm>>
      %dma_wait3A_173 = tpu.memref_squeeze %dma_wait3A_172 : memref<1x250x80xi32, #tpu.memory_space<hbm>> -> memref<250x80xi32, #tpu.memory_space<hbm>>
      %dma_wait3A_174 = arith.constant 0 : i32
      %dma_wait3A_175 = arith.constant 0 : i32
      %dma_wait3A_176 = tpu.memref_slice %arg4[%add3A, %dma_wait3A_174, %dma_wait3A_175] : memref<16x250x80xi32, #tpu.memory_space<hbm>> -> memref<1x250x80xi32, #tpu.memory_space<hbm>>
      %dma_wait3A_177 = tpu.memref_squeeze %dma_wait3A_176 : memref<1x250x80xi32, #tpu.memory_space<hbm>> -> memref<250x80xi32, #tpu.memory_space<hbm>>
      tpu.wait_dma2 semaphore(%run_scoped3A : memref<!tpu.dma_semaphore, #tpu.memory_space<semaphore_mem>>) src(%dma_wait3A_177 : memref<250x80xi32, #tpu.memory_space<hbm>>) dst(%arg8 : memref<250x80xi32, #tpu.memory_space<vmem>>)
      tpu.yield
    }) : () -> ()
    %barrier3A = arith.constant 0 : index
    tpu.barrier barrier_id(%barrier3A)
    %dma_start3A = arith.constant 0 : i32
    %dma_start3A_7 = arith.constant 0 : i32
    %dma_start3A_8 = tpu.memref_slice %arg7[%dma_start3A, %dma_start3A_7] : memref<250x80xi32, #tpu.memory_space<vmem>> -> memref<1x80xi32, #tpu.memory_space<vmem>>
    %dma_start3A_9 = tpu.memref_squeeze %dma_start3A_8 : memref<1x80xi32, #tpu.memory_space<vmem>> -> memref<80xi32, #tpu.memory_space<vmem>>
    %dma_start3A_10 = arith.constant 0 : i32
    %dma_start3A_11 = arith.constant 0 : i32
    %dma_start3A_12 = tpu.memref_slice %arg2[%dma_start3A_10, %dma_start3A_11] : memref<10000x64xf32, #tpu.memory_space<hbm>> -> memref<10000x64xf32, #tpu.memory_space<hbm>>
    tpu.enqueue_indirect_dma source(%dma_start3A_12 : memref<10000x64xf32, #tpu.memory_space<hbm>>) target(%arg9 : memref<80x64xf32, #tpu.memory_space<vmem>>) offsets(%dma_start3A_9 : memref<80xi32, #tpu.memory_space<vmem>>) semaphore(%arg15 : memref<!tpu.dma_semaphore, #tpu.memory_space<semaphore_mem>>)
    %dma_start3A_13 = arith.constant 1 : i32
    %dma_start3A_14 = arith.constant 0 : i32
    %dma_start3A_15 = tpu.memref_slice %arg7[%dma_start3A_13, %dma_start3A_14] : memref<250x80xi32, #tpu.memory_space<vmem>> -> memref<1x80xi32, #tpu.memory_space<vmem>>
    %dma_start3A_16 = tpu.memref_squeeze %dma_start3A_15 : memref<1x80xi32, #tpu.memory_space<vmem>> -> memref<80xi32, #tpu.memory_space<vmem>>
    %dma_start3A_17 = arith.constant 0 : i32
    %dma_start3A_18 = arith.constant 0 : i32
    %dma_start3A_19 = tpu.memref_slice %arg2[%dma_start3A_17, %dma_start3A_18] : memref<10000x64xf32, #tpu.memory_space<hbm>> -> memref<10000x64xf32, #tpu.memory_space<hbm>>
    tpu.enqueue_indirect_dma source(%dma_start3A_19 : memref<10000x64xf32, #tpu.memory_space<hbm>>) target(%arg10 : memref<80x64xf32, #tpu.memory_space<vmem>>) offsets(%dma_start3A_16 : memref<80xi32, #tpu.memory_space<vmem>>) semaphore(%arg16 : memref<!tpu.dma_semaphore, #tpu.memory_space<semaphore_mem>>)
    %dma_start3A_20 = arith.constant 2 : i32
    %dma_start3A_21 = arith.constant 0 : i32
    %dma_start3A_22 = tpu.memref_slice %arg7[%dma_start3A_20, %dma_start3A_21] : memref<250x80xi32, #tpu.memory_space<vmem>> -> memref<1x80xi32, #tpu.memory_space<vmem>>
    %dma_start3A_23 = tpu.memref_squeeze %dma_start3A_22 : memref<1x80xi32, #tpu.memory_space<vmem>> -> memref<80xi32, #tpu.memory_space<vmem>>
    %dma_start3A_24 = arith.constant 0 : i32
    %dma_start3A_25 = arith.constant 0 : i32
    %dma_start3A_26 = tpu.memref_slice %arg2[%dma_start3A_24, %dma_start3A_25] : memref<10000x64xf32, #tpu.memory_space<hbm>> -> memref<10000x64xf32, #tpu.memory_space<hbm>>
    tpu.enqueue_indirect_dma source(%dma_start3A_26 : memref<10000x64xf32, #tpu.memory_space<hbm>>) target(%arg11 : memref<80x64xf32, #tpu.memory_space<vmem>>) offsets(%dma_start3A_23 : memref<80xi32, #tpu.memory_space<vmem>>) semaphore(%arg17 : memref<!tpu.dma_semaphore, #tpu.memory_space<semaphore_mem>>)
    %dma_start3A_27 = arith.constant 3 : i32
    %dma_start3A_28 = arith.constant 0 : i32
    %dma_start3A_29 = tpu.memref_slice %arg7[%dma_start3A_27, %dma_start3A_28] : memref<250x80xi32, #tpu.memory_space<vmem>> -> memref<1x80xi32, #tpu.memory_space<vmem>>
    %dma_start3A_30 = tpu.memref_squeeze %dma_start3A_29 : memref<1x80xi32, #tpu.memory_space<vmem>> -> memref<80xi32, #tpu.memory_space<vmem>>
    %dma_start3A_31 = arith.constant 0 : i32
    %dma_start3A_32 = arith.constant 0 : i32
    %dma_start3A_33 = tpu.memref_slice %arg2[%dma_start3A_31, %dma_start3A_32] : memref<10000x64xf32, #tpu.memory_space<hbm>> -> memref<10000x64xf32, #tpu.memory_space<hbm>>
    tpu.enqueue_indirect_dma source(%dma_start3A_33 : memref<10000x64xf32, #tpu.memory_space<hbm>>) target(%arg12 : memref<80x64xf32, #tpu.memory_space<vmem>>) offsets(%dma_start3A_30 : memref<80xi32, #tpu.memory_space<vmem>>) semaphore(%arg18 : memref<!tpu.dma_semaphore, #tpu.memory_space<semaphore_mem>>)
    %dma_start3A_34 = arith.constant 4 : i32
    %dma_start3A_35 = arith.constant 0 : i32
    %dma_start3A_36 = tpu.memref_slice %arg7[%dma_start3A_34, %dma_start3A_35] : memref<250x80xi32, #tpu.memory_space<vmem>> -> memref<1x80xi32, #tpu.memory_space<vmem>>
    %dma_start3A_37 = tpu.memref_squeeze %dma_start3A_36 : memref<1x80xi32, #tpu.memory_space<vmem>> -> memref<80xi32, #tpu.memory_space<vmem>>
    %dma_start3A_38 = arith.constant 0 : i32
    %dma_start3A_39 = arith.constant 0 : i32
    %dma_start3A_40 = tpu.memref_slice %arg2[%dma_start3A_38, %dma_start3A_39] : memref<10000x64xf32, #tpu.memory_space<hbm>> -> memref<10000x64xf32, #tpu.memory_space<hbm>>
    tpu.enqueue_indirect_dma source(%dma_start3A_40 : memref<10000x64xf32, #tpu.memory_space<hbm>>) target(%arg13 : memref<80x64xf32, #tpu.memory_space<vmem>>) offsets(%dma_start3A_37 : memref<80xi32, #tpu.memory_space<vmem>>) semaphore(%arg19 : memref<!tpu.dma_semaphore, #tpu.memory_space<semaphore_mem>>)
    %scan3A = arith.constant 0 : i32
    %scan3A_41 = arith.constant 0 : i32
    %scan3A_42 = arith.constant 49 : i32
    %scan3A_43 = arith.addi %scan3A_41, %scan3A_42 : i32
    %scan3A_44 = arith.constant 1 : i32
    %scan3A_45 = scf.for %scan3A_162 = %scan3A_41 to %scan3A_43 step %scan3A_44 iter_args(%scan3A_163 = %scan3A) -> (i32)  : i32 {
      %mul3A_164 = arith.constant 5 : i32
      %mul3A_165 = arith.muli %scan3A_162, %mul3A_164 : i32
      %add3A_166 = arith.constant 0 : i32
      %add3A_167 = arith.addi %mul3A_165, %add3A_166 : i32
      %dma_wait3A_168 = arith.constant 0 : i32
      %dma_wait3A_169 = tpu.memref_slice %arg7[%add3A_167, %dma_wait3A_168] : memref<250x80xi32, #tpu.memory_space<vmem>> -> memref<1x80xi32, #tpu.memory_space<vmem>>
      %dma_wait3A_170 = tpu.memref_squeeze %dma_wait3A_169 : memref<1x80xi32, #tpu.memory_space<vmem>> -> memref<80xi32, #tpu.memory_space<vmem>>
      %dma_wait3A_171 = arith.constant 0 : i32
      %dma_wait3A_172 = arith.constant 0 : i32
      %dma_wait3A_173 = tpu.memref_slice %arg2[%dma_wait3A_171, %dma_wait3A_172] : memref<10000x64xf32, #tpu.memory_space<hbm>> -> memref<10000x64xf32, #tpu.memory_space<hbm>>
      tpu.wait_indirect_dma semaphore(%arg15 : memref<!tpu.dma_semaphore, #tpu.memory_space<semaphore_mem>>) src(%dma_wait3A_173 : memref<10000x64xf32, #tpu.memory_space<hbm>>) dst(%arg9 : memref<80x64xf32, #tpu.memory_space<vmem>>)
      %add3A_174 = arith.constant 0 : i32
      %add3A_175 = arith.addi %mul3A_165, %add3A_174 : i32
      %dma_start3A_176 = arith.constant 0 : i32
      %dma_start3A_177 = tpu.memref_slice %arg8[%add3A_175, %dma_start3A_176] : memref<250x80xi32, #tpu.memory_space<vmem>> -> memref<1x80xi32, #tpu.memory_space<vmem>>
      %dma_start3A_178 = tpu.memref_squeeze %dma_start3A_177 : memref<1x80xi32, #tpu.memory_space<vmem>> -> memref<80xi32, #tpu.memory_space<vmem>>
      %dma_start3A_179 = arith.constant 0 : i32
      %dma_start3A_180 = arith.constant 0 : i32
      %dma_start3A_181 = tpu.memref_slice %arg14[%dma_start3A_179, %dma_start3A_180] : memref<10000x64xf32, #tpu.memory_space<vmem_shared>> -> memref<10000x64xf32, #tpu.memory_space<vmem_shared>>
      tpu.enqueue_indirect_dma source(%arg9 : memref<80x64xf32, #tpu.memory_space<vmem>>) target(%dma_start3A_181 : memref<10000x64xf32, #tpu.memory_space<vmem_shared>>) offsets(%dma_start3A_178 : memref<80xi32, #tpu.memory_space<vmem>>) semaphore(%arg20 : memref<!tpu.dma_semaphore, #tpu.memory_space<semaphore_mem>>) {add = true}
      %add3A_182 = arith.constant 1 : i32
      %add3A_183 = arith.addi %mul3A_165, %add3A_182 : i32
      %dma_wait3A_184 = arith.constant 0 : i32
      %dma_wait3A_185 = tpu.memref_slice %arg7[%add3A_183, %dma_wait3A_184] : memref<250x80xi32, #tpu.memory_space<vmem>> -> memref<1x80xi32, #tpu.memory_space<vmem>>
      %dma_wait3A_186 = tpu.memref_squeeze %dma_wait3A_185 : memref<1x80xi32, #tpu.memory_space<vmem>> -> memref<80xi32, #tpu.memory_space<vmem>>
      %dma_wait3A_187 = arith.constant 0 : i32
      %dma_wait3A_188 = arith.constant 0 : i32
      %dma_wait3A_189 = tpu.memref_slice %arg2[%dma_wait3A_187, %dma_wait3A_188] : memref<10000x64xf32, #tpu.memory_space<hbm>> -> memref<10000x64xf32, #tpu.memory_space<hbm>>
      tpu.wait_indirect_dma semaphore(%arg16 : memref<!tpu.dma_semaphore, #tpu.memory_space<semaphore_mem>>) src(%dma_wait3A_189 : memref<10000x64xf32, #tpu.memory_space<hbm>>) dst(%arg10 : memref<80x64xf32, #tpu.memory_space<vmem>>)
      %add3A_190 = arith.constant 1 : i32
      %add3A_191 = arith.addi %mul3A_165, %add3A_190 : i32
      %dma_start3A_192 = arith.constant 0 : i32
      %dma_start3A_193 = tpu.memref_slice %arg8[%add3A_191, %dma_start3A_192] : memref<250x80xi32, #tpu.memory_space<vmem>> -> memref<1x80xi32, #tpu.memory_space<vmem>>
      %dma_start3A_194 = tpu.memref_squeeze %dma_start3A_193 : memref<1x80xi32, #tpu.memory_space<vmem>> -> memref<80xi32, #tpu.memory_space<vmem>>
      %dma_start3A_195 = arith.constant 0 : i32
      %dma_start3A_196 = arith.constant 0 : i32
      %dma_start3A_197 = tpu.memref_slice %arg14[%dma_start3A_195, %dma_start3A_196] : memref<10000x64xf32, #tpu.memory_space<vmem_shared>> -> memref<10000x64xf32, #tpu.memory_space<vmem_shared>>
      tpu.enqueue_indirect_dma source(%arg10 : memref<80x64xf32, #tpu.memory_space<vmem>>) target(%dma_start3A_197 : memref<10000x64xf32, #tpu.memory_space<vmem_shared>>) offsets(%dma_start3A_194 : memref<80xi32, #tpu.memory_space<vmem>>) semaphore(%arg21 : memref<!tpu.dma_semaphore, #tpu.memory_space<semaphore_mem>>) {add = true}
      %add3A_198 = arith.constant 2 : i32
      %add3A_199 = arith.addi %mul3A_165, %add3A_198 : i32
      %dma_wait3A_200 = arith.constant 0 : i32
      %dma_wait3A_201 = tpu.memref_slice %arg7[%add3A_199, %dma_wait3A_200] : memref<250x80xi32, #tpu.memory_space<vmem>> -> memref<1x80xi32, #tpu.memory_space<vmem>>
      %dma_wait3A_202 = tpu.memref_squeeze %dma_wait3A_201 : memref<1x80xi32, #tpu.memory_space<vmem>> -> memref<80xi32, #tpu.memory_space<vmem>>
      %dma_wait3A_203 = arith.constant 0 : i32
      %dma_wait3A_204 = arith.constant 0 : i32
      %dma_wait3A_205 = tpu.memref_slice %arg2[%dma_wait3A_203, %dma_wait3A_204] : memref<10000x64xf32, #tpu.memory_space<hbm>> -> memref<10000x64xf32, #tpu.memory_space<hbm>>
      tpu.wait_indirect_dma semaphore(%arg17 : memref<!tpu.dma_semaphore, #tpu.memory_space<semaphore_mem>>) src(%dma_wait3A_205 : memref<10000x64xf32, #tpu.memory_space<hbm>>) dst(%arg11 : memref<80x64xf32, #tpu.memory_space<vmem>>)
      %add3A_206 = arith.constant 2 : i32
      %add3A_207 = arith.addi %mul3A_165, %add3A_206 : i32
      %dma_start3A_208 = arith.constant 0 : i32
      %dma_start3A_209 = tpu.memref_slice %arg8[%add3A_207, %dma_start3A_208] : memref<250x80xi32, #tpu.memory_space<vmem>> -> memref<1x80xi32, #tpu.memory_space<vmem>>
      %dma_start3A_210 = tpu.memref_squeeze %dma_start3A_209 : memref<1x80xi32, #tpu.memory_space<vmem>> -> memref<80xi32, #tpu.memory_space<vmem>>
      %dma_start3A_211 = arith.constant 0 : i32
      %dma_start3A_212 = arith.constant 0 : i32
      %dma_start3A_213 = tpu.memref_slice %arg14[%dma_start3A_211, %dma_start3A_212] : memref<10000x64xf32, #tpu.memory_space<vmem_shared>> -> memref<10000x64xf32, #tpu.memory_space<vmem_shared>>
      tpu.enqueue_indirect_dma source(%arg11 : memref<80x64xf32, #tpu.memory_space<vmem>>) target(%dma_start3A_213 : memref<10000x64xf32, #tpu.memory_space<vmem_shared>>) offsets(%dma_start3A_210 : memref<80xi32, #tpu.memory_space<vmem>>) semaphore(%arg22 : memref<!tpu.dma_semaphore, #tpu.memory_space<semaphore_mem>>) {add = true}
      %add3A_214 = arith.constant 3 : i32
      %add3A_215 = arith.addi %mul3A_165, %add3A_214 : i32
      %dma_wait3A_216 = arith.constant 0 : i32
      %dma_wait3A_217 = tpu.memref_slice %arg7[%add3A_215, %dma_wait3A_216] : memref<250x80xi32, #tpu.memory_space<vmem>> -> memref<1x80xi32, #tpu.memory_space<vmem>>
      %dma_wait3A_218 = tpu.memref_squeeze %dma_wait3A_217 : memref<1x80xi32, #tpu.memory_space<vmem>> -> memref<80xi32, #tpu.memory_space<vmem>>
      %dma_wait3A_219 = arith.constant 0 : i32
      %dma_wait3A_220 = arith.constant 0 : i32
      %dma_wait3A_221 = tpu.memref_slice %arg2[%dma_wait3A_219, %dma_wait3A_220] : memref<10000x64xf32, #tpu.memory_space<hbm>> -> memref<10000x64xf32, #tpu.memory_space<hbm>>
      tpu.wait_indirect_dma semaphore(%arg18 : memref<!tpu.dma_semaphore, #tpu.memory_space<semaphore_mem>>) src(%dma_wait3A_221 : memref<10000x64xf32, #tpu.memory_space<hbm>>) dst(%arg12 : memref<80x64xf32, #tpu.memory_space<vmem>>)
      %add3A_222 = arith.constant 3 : i32
      %add3A_223 = arith.addi %mul3A_165, %add3A_222 : i32
      %dma_start3A_224 = arith.constant 0 : i32
      %dma_start3A_225 = tpu.memref_slice %arg8[%add3A_223, %dma_start3A_224] : memref<250x80xi32, #tpu.memory_space<vmem>> -> memref<1x80xi32, #tpu.memory_space<vmem>>
      %dma_start3A_226 = tpu.memref_squeeze %dma_start3A_225 : memref<1x80xi32, #tpu.memory_space<vmem>> -> memref<80xi32, #tpu.memory_space<vmem>>
      %dma_start3A_227 = arith.constant 0 : i32
      %dma_start3A_228 = arith.constant 0 : i32
      %dma_start3A_229 = tpu.memref_slice %arg14[%dma_start3A_227, %dma_start3A_228] : memref<10000x64xf32, #tpu.memory_space<vmem_shared>> -> memref<10000x64xf32, #tpu.memory_space<vmem_shared>>
      tpu.enqueue_indirect_dma source(%arg12 : memref<80x64xf32, #tpu.memory_space<vmem>>) target(%dma_start3A_229 : memref<10000x64xf32, #tpu.memory_space<vmem_shared>>) offsets(%dma_start3A_226 : memref<80xi32, #tpu.memory_space<vmem>>) semaphore(%arg23 : memref<!tpu.dma_semaphore, #tpu.memory_space<semaphore_mem>>) {add = true}
      %add3A_230 = arith.constant 4 : i32
      %add3A_231 = arith.addi %mul3A_165, %add3A_230 : i32
      %dma_wait3A_232 = arith.constant 0 : i32
      %dma_wait3A_233 = tpu.memref_slice %arg7[%add3A_231, %dma_wait3A_232] : memref<250x80xi32, #tpu.memory_space<vmem>> -> memref<1x80xi32, #tpu.memory_space<vmem>>
      %dma_wait3A_234 = tpu.memref_squeeze %dma_wait3A_233 : memref<1x80xi32, #tpu.memory_space<vmem>> -> memref<80xi32, #tpu.memory_space<vmem>>
      %dma_wait3A_235 = arith.constant 0 : i32
      %dma_wait3A_236 = arith.constant 0 : i32
      %dma_wait3A_237 = tpu.memref_slice %arg2[%dma_wait3A_235, %dma_wait3A_236] : memref<10000x64xf32, #tpu.memory_space<hbm>> -> memref<10000x64xf32, #tpu.memory_space<hbm>>
      tpu.wait_indirect_dma semaphore(%arg19 : memref<!tpu.dma_semaphore, #tpu.memory_space<semaphore_mem>>) src(%dma_wait3A_237 : memref<10000x64xf32, #tpu.memory_space<hbm>>) dst(%arg13 : memref<80x64xf32, #tpu.memory_space<vmem>>)
      %add3A_238 = arith.constant 4 : i32
      %add3A_239 = arith.addi %mul3A_165, %add3A_238 : i32
      %dma_start3A_240 = arith.constant 0 : i32
      %dma_start3A_241 = tpu.memref_slice %arg8[%add3A_239, %dma_start3A_240] : memref<250x80xi32, #tpu.memory_space<vmem>> -> memref<1x80xi32, #tpu.memory_space<vmem>>
      %dma_start3A_242 = tpu.memref_squeeze %dma_start3A_241 : memref<1x80xi32, #tpu.memory_space<vmem>> -> memref<80xi32, #tpu.memory_space<vmem>>
      %dma_start3A_243 = arith.constant 0 : i32
      %dma_start3A_244 = arith.constant 0 : i32
      %dma_start3A_245 = tpu.memref_slice %arg14[%dma_start3A_243, %dma_start3A_244] : memref<10000x64xf32, #tpu.memory_space<vmem_shared>> -> memref<10000x64xf32, #tpu.memory_space<vmem_shared>>
      tpu.enqueue_indirect_dma source(%arg13 : memref<80x64xf32, #tpu.memory_space<vmem>>) target(%dma_start3A_245 : memref<10000x64xf32, #tpu.memory_space<vmem_shared>>) offsets(%dma_start3A_242 : memref<80xi32, #tpu.memory_space<vmem>>) semaphore(%arg24 : memref<!tpu.dma_semaphore, #tpu.memory_space<semaphore_mem>>) {add = true}
      %add3A_246 = arith.constant 0 : i32
      %add3A_247 = arith.addi %mul3A_165, %add3A_246 : i32
      %dma_wait3A_248 = arith.constant 0 : i32
      %dma_wait3A_249 = tpu.memref_slice %arg8[%add3A_247, %dma_wait3A_248] : memref<250x80xi32, #tpu.memory_space<vmem>> -> memref<1x80xi32, #tpu.memory_space<vmem>>
      %dma_wait3A_250 = tpu.memref_squeeze %dma_wait3A_249 : memref<1x80xi32, #tpu.memory_space<vmem>> -> memref<80xi32, #tpu.memory_space<vmem>>
      %dma_wait3A_251 = arith.constant 0 : i32
      %dma_wait3A_252 = arith.constant 0 : i32
      %dma_wait3A_253 = tpu.memref_slice %arg14[%dma_wait3A_251, %dma_wait3A_252] : memref<10000x64xf32, #tpu.memory_space<vmem_shared>> -> memref<10000x64xf32, #tpu.memory_space<vmem_shared>>
      tpu.wait_indirect_dma semaphore(%arg20 : memref<!tpu.dma_semaphore, #tpu.memory_space<semaphore_mem>>) src(%arg9 : memref<80x64xf32, #tpu.memory_space<vmem>>) dst(%dma_wait3A_253 : memref<10000x64xf32, #tpu.memory_space<vmem_shared>>)
      %add3A_254 = arith.constant 5 : i32
      %add3A_255 = arith.addi %mul3A_165, %add3A_254 : i32
      %add3A_256 = arith.constant 0 : i32
      %add3A_257 = arith.addi %add3A_255, %add3A_256 : i32
      %dma_start3A_258 = arith.constant 0 : i32
      %dma_start3A_259 = tpu.memref_slice %arg7[%add3A_257, %dma_start3A_258] : memref<250x80xi32, #tpu.memory_space<vmem>> -> memref<1x80xi32, #tpu.memory_space<vmem>>
      %dma_start3A_260 = tpu.memref_squeeze %dma_start3A_259 : memref<1x80xi32, #tpu.memory_space<vmem>> -> memref<80xi32, #tpu.memory_space<vmem>>
      %dma_start3A_261 = arith.constant 0 : i32
      %dma_start3A_262 = arith.constant 0 : i32
      %dma_start3A_263 = tpu.memref_slice %arg2[%dma_start3A_261, %dma_start3A_262] : memref<10000x64xf32, #tpu.memory_space<hbm>> -> memref<10000x64xf32, #tpu.memory_space<hbm>>
      tpu.enqueue_indirect_dma source(%dma_start3A_263 : memref<10000x64xf32, #tpu.memory_space<hbm>>) target(%arg9 : memref<80x64xf32, #tpu.memory_space<vmem>>) offsets(%dma_start3A_260 : memref<80xi32, #tpu.memory_space<vmem>>) semaphore(%arg15 : memref<!tpu.dma_semaphore, #tpu.memory_space<semaphore_mem>>)
      %add3A_264 = arith.constant 1 : i32
      %add3A_265 = arith.addi %mul3A_165, %add3A_264 : i32
      %dma_wait3A_266 = arith.constant 0 : i32
      %dma_wait3A_267 = tpu.memref_slice %arg8[%add3A_265, %dma_wait3A_266] : memref<250x80xi32, #tpu.memory_space<vmem>> -> memref<1x80xi32, #tpu.memory_space<vmem>>
      %dma_wait3A_268 = tpu.memref_squeeze %dma_wait3A_267 : memref<1x80xi32, #tpu.memory_space<vmem>> -> memref<80xi32, #tpu.memory_space<vmem>>
      %dma_wait3A_269 = arith.constant 0 : i32
      %dma_wait3A_270 = arith.constant 0 : i32
      %dma_wait3A_271 = tpu.memref_slice %arg14[%dma_wait3A_269, %dma_wait3A_270] : memref<10000x64xf32, #tpu.memory_space<vmem_shared>> -> memref<10000x64xf32, #tpu.memory_space<vmem_shared>>
      tpu.wait_indirect_dma semaphore(%arg21 : memref<!tpu.dma_semaphore, #tpu.memory_space<semaphore_mem>>) src(%arg10 : memref<80x64xf32, #tpu.memory_space<vmem>>) dst(%dma_wait3A_271 : memref<10000x64xf32, #tpu.memory_space<vmem_shared>>)
      %add3A_272 = arith.constant 5 : i32
      %add3A_273 = arith.addi %mul3A_165, %add3A_272 : i32
      %add3A_274 = arith.constant 1 : i32
      %add3A_275 = arith.addi %add3A_273, %add3A_274 : i32
      %dma_start3A_276 = arith.constant 0 : i32
      %dma_start3A_277 = tpu.memref_slice %arg7[%add3A_275, %dma_start3A_276] : memref<250x80xi32, #tpu.memory_space<vmem>> -> memref<1x80xi32, #tpu.memory_space<vmem>>
      %dma_start3A_278 = tpu.memref_squeeze %dma_start3A_277 : memref<1x80xi32, #tpu.memory_space<vmem>> -> memref<80xi32, #tpu.memory_space<vmem>>
      %dma_start3A_279 = arith.constant 0 : i32
      %dma_start3A_280 = arith.constant 0 : i32
      %dma_start3A_281 = tpu.memref_slice %arg2[%dma_start3A_279, %dma_start3A_280] : memref<10000x64xf32, #tpu.memory_space<hbm>> -> memref<10000x64xf32, #tpu.memory_space<hbm>>
      tpu.enqueue_indirect_dma source(%dma_start3A_281 : memref<10000x64xf32, #tpu.memory_space<hbm>>) target(%arg10 : memref<80x64xf32, #tpu.memory_space<vmem>>) offsets(%dma_start3A_278 : memref<80xi32, #tpu.memory_space<vmem>>) semaphore(%arg16 : memref<!tpu.dma_semaphore, #tpu.memory_space<semaphore_mem>>)
      %add3A_282 = arith.constant 2 : i32
      %add3A_283 = arith.addi %mul3A_165, %add3A_282 : i32
      %dma_wait3A_284 = arith.constant 0 : i32
      %dma_wait3A_285 = tpu.memref_slice %arg8[%add3A_283, %dma_wait3A_284] : memref<250x80xi32, #tpu.memory_space<vmem>> -> memref<1x80xi32, #tpu.memory_space<vmem>>
      %dma_wait3A_286 = tpu.memref_squeeze %dma_wait3A_285 : memref<1x80xi32, #tpu.memory_space<vmem>> -> memref<80xi32, #tpu.memory_space<vmem>>
      %dma_wait3A_287 = arith.constant 0 : i32
      %dma_wait3A_288 = arith.constant 0 : i32
      %dma_wait3A_289 = tpu.memref_slice %arg14[%dma_wait3A_287, %dma_wait3A_288] : memref<10000x64xf32, #tpu.memory_space<vmem_shared>> -> memref<10000x64xf32, #tpu.memory_space<vmem_shared>>
      tpu.wait_indirect_dma semaphore(%arg22 : memref<!tpu.dma_semaphore, #tpu.memory_space<semaphore_mem>>) src(%arg11 : memref<80x64xf32, #tpu.memory_space<vmem>>) dst(%dma_wait3A_289 : memref<10000x64xf32, #tpu.memory_space<vmem_shared>>)
      %add3A_290 = arith.constant 5 : i32
      %add3A_291 = arith.addi %mul3A_165, %add3A_290 : i32
      %add3A_292 = arith.constant 2 : i32
      %add3A_293 = arith.addi %add3A_291, %add3A_292 : i32
      %dma_start3A_294 = arith.constant 0 : i32
      %dma_start3A_295 = tpu.memref_slice %arg7[%add3A_293, %dma_start3A_294] : memref<250x80xi32, #tpu.memory_space<vmem>> -> memref<1x80xi32, #tpu.memory_space<vmem>>
      %dma_start3A_296 = tpu.memref_squeeze %dma_start3A_295 : memref<1x80xi32, #tpu.memory_space<vmem>> -> memref<80xi32, #tpu.memory_space<vmem>>
      %dma_start3A_297 = arith.constant 0 : i32
      %dma_start3A_298 = arith.constant 0 : i32
      %dma_start3A_299 = tpu.memref_slice %arg2[%dma_start3A_297, %dma_start3A_298] : memref<10000x64xf32, #tpu.memory_space<hbm>> -> memref<10000x64xf32, #tpu.memory_space<hbm>>
      tpu.enqueue_indirect_dma source(%dma_start3A_299 : memref<10000x64xf32, #tpu.memory_space<hbm>>) target(%arg11 : memref<80x64xf32, #tpu.memory_space<vmem>>) offsets(%dma_start3A_296 : memref<80xi32, #tpu.memory_space<vmem>>) semaphore(%arg17 : memref<!tpu.dma_semaphore, #tpu.memory_space<semaphore_mem>>)
      %add3A_300 = arith.constant 3 : i32
      %add3A_301 = arith.addi %mul3A_165, %add3A_300 : i32
      %dma_wait3A_302 = arith.constant 0 : i32
      %dma_wait3A_303 = tpu.memref_slice %arg8[%add3A_301, %dma_wait3A_302] : memref<250x80xi32, #tpu.memory_space<vmem>> -> memref<1x80xi32, #tpu.memory_space<vmem>>
      %dma_wait3A_304 = tpu.memref_squeeze %dma_wait3A_303 : memref<1x80xi32, #tpu.memory_space<vmem>> -> memref<80xi32, #tpu.memory_space<vmem>>
      %dma_wait3A_305 = arith.constant 0 : i32
      %dma_wait3A_306 = arith.constant 0 : i32
      %dma_wait3A_307 = tpu.memref_slice %arg14[%dma_wait3A_305, %dma_wait3A_306] : memref<10000x64xf32, #tpu.memory_space<vmem_shared>> -> memref<10000x64xf32, #tpu.memory_space<vmem_shared>>
      tpu.wait_indirect_dma semaphore(%arg23 : memref<!tpu.dma_semaphore, #tpu.memory_space<semaphore_mem>>) src(%arg12 : memref<80x64xf32, #tpu.memory_space<vmem>>) dst(%dma_wait3A_307 : memref<10000x64xf32, #tpu.memory_space<vmem_shared>>)
      %add3A_308 = arith.constant 5 : i32
      %add3A_309 = arith.addi %mul3A_165, %add3A_308 : i32
      %add3A_310 = arith.constant 3 : i32
      %add3A_311 = arith.addi %add3A_309, %add3A_310 : i32
      %dma_start3A_312 = arith.constant 0 : i32
      %dma_start3A_313 = tpu.memref_slice %arg7[%add3A_311, %dma_start3A_312] : memref<250x80xi32, #tpu.memory_space<vmem>> -> memref<1x80xi32, #tpu.memory_space<vmem>>
      %dma_start3A_314 = tpu.memref_squeeze %dma_start3A_313 : memref<1x80xi32, #tpu.memory_space<vmem>> -> memref<80xi32, #tpu.memory_space<vmem>>
      %dma_start3A_315 = arith.constant 0 : i32
      %dma_start3A_316 = arith.constant 0 : i32
      %dma_start3A_317 = tpu.memref_slice %arg2[%dma_start3A_315, %dma_start3A_316] : memref<10000x64xf32, #tpu.memory_space<hbm>> -> memref<10000x64xf32, #tpu.memory_space<hbm>>
      tpu.enqueue_indirect_dma source(%dma_start3A_317 : memref<10000x64xf32, #tpu.memory_space<hbm>>) target(%arg12 : memref<80x64xf32, #tpu.memory_space<vmem>>) offsets(%dma_start3A_314 : memref<80xi32, #tpu.memory_space<vmem>>) semaphore(%arg18 : memref<!tpu.dma_semaphore, #tpu.memory_space<semaphore_mem>>)
      %add3A_318 = arith.constant 4 : i32
      %add3A_319 = arith.addi %mul3A_165, %add3A_318 : i32
      %dma_wait3A_320 = arith.constant 0 : i32
      %dma_wait3A_321 = tpu.memref_slice %arg8[%add3A_319, %dma_wait3A_320] : memref<250x80xi32, #tpu.memory_space<vmem>> -> memref<1x80xi32, #tpu.memory_space<vmem>>
      %dma_wait3A_322 = tpu.memref_squeeze %dma_wait3A_321 : memref<1x80xi32, #tpu.memory_space<vmem>> -> memref<80xi32, #tpu.memory_space<vmem>>
      %dma_wait3A_323 = arith.constant 0 : i32
      %dma_wait3A_324 = arith.constant 0 : i32
      %dma_wait3A_325 = tpu.memref_slice %arg14[%dma_wait3A_323, %dma_wait3A_324] : memref<10000x64xf32, #tpu.memory_space<vmem_shared>> -> memref<10000x64xf32, #tpu.memory_space<vmem_shared>>
      tpu.wait_indirect_dma semaphore(%arg24 : memref<!tpu.dma_semaphore, #tpu.memory_space<semaphore_mem>>) src(%arg13 : memref<80x64xf32, #tpu.memory_space<vmem>>) dst(%dma_wait3A_325 : memref<10000x64xf32, #tpu.memory_space<vmem_shared>>)
      %add3A_326 = arith.constant 5 : i32
      %add3A_327 = arith.addi %mul3A_165, %add3A_326 : i32
      %add3A_328 = arith.constant 4 : i32
      %add3A_329 = arith.addi %add3A_327, %add3A_328 : i32
      %dma_start3A_330 = arith.constant 0 : i32
      %dma_start3A_331 = tpu.memref_slice %arg7[%add3A_329, %dma_start3A_330] : memref<250x80xi32, #tpu.memory_space<vmem>> -> memref<1x80xi32, #tpu.memory_space<vmem>>
      %dma_start3A_332 = tpu.memref_squeeze %dma_start3A_331 : memref<1x80xi32, #tpu.memory_space<vmem>> -> memref<80xi32, #tpu.memory_space<vmem>>
      %dma_start3A_333 = arith.constant 0 : i32
      %dma_start3A_334 = arith.constant 0 : i32
      %dma_start3A_335 = tpu.memref_slice %arg2[%dma_start3A_333, %dma_start3A_334] : memref<10000x64xf32, #tpu.memory_space<hbm>> -> memref<10000x64xf32, #tpu.memory_space<hbm>>
      tpu.enqueue_indirect_dma source(%dma_start3A_335 : memref<10000x64xf32, #tpu.memory_space<hbm>>) target(%arg13 : memref<80x64xf32, #tpu.memory_space<vmem>>) offsets(%dma_start3A_332 : memref<80xi32, #tpu.memory_space<vmem>>) semaphore(%arg19 : memref<!tpu.dma_semaphore, #tpu.memory_space<semaphore_mem>>)
      %scan3A_336 = arith.constant 0 : i32
      scf.yield %scan3A_336 : i32
    }
    %scan3A_46 = arith.constant 49 : i32
    %dma_wait3A = arith.constant 245 : i32
    %dma_wait3A_47 = arith.constant 0 : i32
    %dma_wait3A_48 = tpu.memref_slice %arg7[%dma_wait3A, %dma_wait3A_47] : memref<250x80xi32, #tpu.memory_space<vmem>> -> memref<1x80xi32, #tpu.memory_space<vmem>>
    %dma_wait3A_49 = tpu.memref_squeeze %dma_wait3A_48 : memref<1x80xi32, #tpu.memory_space<vmem>> -> memref<80xi32, #tpu.memory_space<vmem>>
    %dma_wait3A_50 = arith.constant 0 : i32
    %dma_wait3A_51 = arith.constant 0 : i32
    %dma_wait3A_52 = tpu.memref_slice %arg2[%dma_wait3A_50, %dma_wait3A_51] : memref<10000x64xf32, #tpu.memory_space<hbm>> -> memref<10000x64xf32, #tpu.memory_space<hbm>>
    tpu.wait_indirect_dma semaphore(%arg15 : memref<!tpu.dma_semaphore, #tpu.memory_space<semaphore_mem>>) src(%dma_wait3A_52 : memref<10000x64xf32, #tpu.memory_space<hbm>>) dst(%arg9 : memref<80x64xf32, #tpu.memory_space<vmem>>)
    %dma_start3A_53 = arith.constant 245 : i32
    %dma_start3A_54 = arith.constant 0 : i32
    %dma_start3A_55 = tpu.memref_slice %arg8[%dma_start3A_53, %dma_start3A_54] : memref<250x80xi32, #tpu.memory_space<vmem>> -> memref<1x80xi32, #tpu.memory_space<vmem>>
    %dma_start3A_56 = tpu.memref_squeeze %dma_start3A_55 : memref<1x80xi32, #tpu.memory_space<vmem>> -> memref<80xi32, #tpu.memory_space<vmem>>
    %dma_start3A_57 = arith.constant 0 : i32
    %dma_start3A_58 = arith.constant 0 : i32
    %dma_start3A_59 = tpu.memref_slice %arg14[%dma_start3A_57, %dma_start3A_58] : memref<10000x64xf32, #tpu.memory_space<vmem_shared>> -> memref<10000x64xf32, #tpu.memory_space<vmem_shared>>
    tpu.enqueue_indirect_dma source(%arg9 : memref<80x64xf32, #tpu.memory_space<vmem>>) target(%dma_start3A_59 : memref<10000x64xf32, #tpu.memory_space<vmem_shared>>) offsets(%dma_start3A_56 : memref<80xi32, #tpu.memory_space<vmem>>) semaphore(%arg20 : memref<!tpu.dma_semaphore, #tpu.memory_space<semaphore_mem>>) {add = true}
    %dma_wait3A_60 = arith.constant 246 : i32
    %dma_wait3A_61 = arith.constant 0 : i32
    %dma_wait3A_62 = tpu.memref_slice %arg7[%dma_wait3A_60, %dma_wait3A_61] : memref<250x80xi32, #tpu.memory_space<vmem>> -> memref<1x80xi32, #tpu.memory_space<vmem>>
    %dma_wait3A_63 = tpu.memref_squeeze %dma_wait3A_62 : memref<1x80xi32, #tpu.memory_space<vmem>> -> memref<80xi32, #tpu.memory_space<vmem>>
    %dma_wait3A_64 = arith.constant 0 : i32
    %dma_wait3A_65 = arith.constant 0 : i32
    %dma_wait3A_66 = tpu.memref_slice %arg2[%dma_wait3A_64, %dma_wait3A_65] : memref<10000x64xf32, #tpu.memory_space<hbm>> -> memref<10000x64xf32, #tpu.memory_space<hbm>>
    tpu.wait_indirect_dma semaphore(%arg16 : memref<!tpu.dma_semaphore, #tpu.memory_space<semaphore_mem>>) src(%dma_wait3A_66 : memref<10000x64xf32, #tpu.memory_space<hbm>>) dst(%arg10 : memref<80x64xf32, #tpu.memory_space<vmem>>)
    %dma_start3A_67 = arith.constant 246 : i32
    %dma_start3A_68 = arith.constant 0 : i32
    %dma_start3A_69 = tpu.memref_slice %arg8[%dma_start3A_67, %dma_start3A_68] : memref<250x80xi32, #tpu.memory_space<vmem>> -> memref<1x80xi32, #tpu.memory_space<vmem>>
    %dma_start3A_70 = tpu.memref_squeeze %dma_start3A_69 : memref<1x80xi32, #tpu.memory_space<vmem>> -> memref<80xi32, #tpu.memory_space<vmem>>
    %dma_start3A_71 = arith.constant 0 : i32
    %dma_start3A_72 = arith.constant 0 : i32
    %dma_start3A_73 = tpu.memref_slice %arg14[%dma_start3A_71, %dma_start3A_72] : memref<10000x64xf32, #tpu.memory_space<vmem_shared>> -> memref<10000x64xf32, #tpu.memory_space<vmem_shared>>
    tpu.enqueue_indirect_dma source(%arg10 : memref<80x64xf32, #tpu.memory_space<vmem>>) target(%dma_start3A_73 : memref<10000x64xf32, #tpu.memory_space<vmem_shared>>) offsets(%dma_start3A_70 : memref<80xi32, #tpu.memory_space<vmem>>) semaphore(%arg21 : memref<!tpu.dma_semaphore, #tpu.memory_space<semaphore_mem>>) {add = true}
    %dma_wait3A_74 = arith.constant 247 : i32
    %dma_wait3A_75 = arith.constant 0 : i32
    %dma_wait3A_76 = tpu.memref_slice %arg7[%dma_wait3A_74, %dma_wait3A_75] : memref<250x80xi32, #tpu.memory_space<vmem>> -> memref<1x80xi32, #tpu.memory_space<vmem>>
    %dma_wait3A_77 = tpu.memref_squeeze %dma_wait3A_76 : memref<1x80xi32, #tpu.memory_space<vmem>> -> memref<80xi32, #tpu.memory_space<vmem>>
    %dma_wait3A_78 = arith.constant 0 : i32
    %dma_wait3A_79 = arith.constant 0 : i32
    %dma_wait3A_80 = tpu.memref_slice %arg2[%dma_wait3A_78, %dma_wait3A_79] : memref<10000x64xf32, #tpu.memory_space<hbm>> -> memref<10000x64xf32, #tpu.memory_space<hbm>>
    tpu.wait_indirect_dma semaphore(%arg17 : memref<!tpu.dma_semaphore, #tpu.memory_space<semaphore_mem>>) src(%dma_wait3A_80 : memref<10000x64xf32, #tpu.memory_space<hbm>>) dst(%arg11 : memref<80x64xf32, #tpu.memory_space<vmem>>)
    %dma_start3A_81 = arith.constant 247 : i32
    %dma_start3A_82 = arith.constant 0 : i32
    %dma_start3A_83 = tpu.memref_slice %arg8[%dma_start3A_81, %dma_start3A_82] : memref<250x80xi32, #tpu.memory_space<vmem>> -> memref<1x80xi32, #tpu.memory_space<vmem>>
    %dma_start3A_84 = tpu.memref_squeeze %dma_start3A_83 : memref<1x80xi32, #tpu.memory_space<vmem>> -> memref<80xi32, #tpu.memory_space<vmem>>
    %dma_start3A_85 = arith.constant 0 : i32
    %dma_start3A_86 = arith.constant 0 : i32
    %dma_start3A_87 = tpu.memref_slice %arg14[%dma_start3A_85, %dma_start3A_86] : memref<10000x64xf32, #tpu.memory_space<vmem_shared>> -> memref<10000x64xf32, #tpu.memory_space<vmem_shared>>
    tpu.enqueue_indirect_dma source(%arg11 : memref<80x64xf32, #tpu.memory_space<vmem>>) target(%dma_start3A_87 : memref<10000x64xf32, #tpu.memory_space<vmem_shared>>) offsets(%dma_start3A_84 : memref<80xi32, #tpu.memory_space<vmem>>) semaphore(%arg22 : memref<!tpu.dma_semaphore, #tpu.memory_space<semaphore_mem>>) {add = true}
    %dma_wait3A_88 = arith.constant 248 : i32
    %dma_wait3A_89 = arith.constant 0 : i32
    %dma_wait3A_90 = tpu.memref_slice %arg7[%dma_wait3A_88, %dma_wait3A_89] : memref<250x80xi32, #tpu.memory_space<vmem>> -> memref<1x80xi32, #tpu.memory_space<vmem>>
    %dma_wait3A_91 = tpu.memref_squeeze %dma_wait3A_90 : memref<1x80xi32, #tpu.memory_space<vmem>> -> memref<80xi32, #tpu.memory_space<vmem>>
    %dma_wait3A_92 = arith.constant 0 : i32
    %dma_wait3A_93 = arith.constant 0 : i32
    %dma_wait3A_94 = tpu.memref_slice %arg2[%dma_wait3A_92, %dma_wait3A_93] : memref<10000x64xf32, #tpu.memory_space<hbm>> -> memref<10000x64xf32, #tpu.memory_space<hbm>>
    tpu.wait_indirect_dma semaphore(%arg18 : memref<!tpu.dma_semaphore, #tpu.memory_space<semaphore_mem>>) src(%dma_wait3A_94 : memref<10000x64xf32, #tpu.memory_space<hbm>>) dst(%arg12 : memref<80x64xf32, #tpu.memory_space<vmem>>)
    %dma_start3A_95 = arith.constant 248 : i32
    %dma_start3A_96 = arith.constant 0 : i32
    %dma_start3A_97 = tpu.memref_slice %arg8[%dma_start3A_95, %dma_start3A_96] : memref<250x80xi32, #tpu.memory_space<vmem>> -> memref<1x80xi32, #tpu.memory_space<vmem>>
    %dma_start3A_98 = tpu.memref_squeeze %dma_start3A_97 : memref<1x80xi32, #tpu.memory_space<vmem>> -> memref<80xi32, #tpu.memory_space<vmem>>
    %dma_start3A_99 = arith.constant 0 : i32
    %dma_start3A_100 = arith.constant 0 : i32
    %dma_start3A_101 = tpu.memref_slice %arg14[%dma_start3A_99, %dma_start3A_100] : memref<10000x64xf32, #tpu.memory_space<vmem_shared>> -> memref<10000x64xf32, #tpu.memory_space<vmem_shared>>
    tpu.enqueue_indirect_dma source(%arg12 : memref<80x64xf32, #tpu.memory_space<vmem>>) target(%dma_start3A_101 : memref<10000x64xf32, #tpu.memory_space<vmem_shared>>) offsets(%dma_start3A_98 : memref<80xi32, #tpu.memory_space<vmem>>) semaphore(%arg23 : memref<!tpu.dma_semaphore, #tpu.memory_space<semaphore_mem>>) {add = true}
    %dma_wait3A_102 = arith.constant 249 : i32
    %dma_wait3A_103 = arith.constant 0 : i32
    %dma_wait3A_104 = tpu.memref_slice %arg7[%dma_wait3A_102, %dma_wait3A_103] : memref<250x80xi32, #tpu.memory_space<vmem>> -> memref<1x80xi32, #tpu.memory_space<vmem>>
    %dma_wait3A_105 = tpu.memref_squeeze %dma_wait3A_104 : memref<1x80xi32, #tpu.memory_space<vmem>> -> memref<80xi32, #tpu.memory_space<vmem>>
    %dma_wait3A_106 = arith.constant 0 : i32
    %dma_wait3A_107 = arith.constant 0 : i32
    %dma_wait3A_108 = tpu.memref_slice %arg2[%dma_wait3A_106, %dma_wait3A_107] : memref<10000x64xf32, #tpu.memory_space<hbm>> -> memref<10000x64xf32, #tpu.memory_space<hbm>>
    tpu.wait_indirect_dma semaphore(%arg19 : memref<!tpu.dma_semaphore, #tpu.memory_space<semaphore_mem>>) src(%dma_wait3A_108 : memref<10000x64xf32, #tpu.memory_space<hbm>>) dst(%arg13 : memref<80x64xf32, #tpu.memory_space<vmem>>)
    %dma_start3A_109 = arith.constant 249 : i32
    %dma_start3A_110 = arith.constant 0 : i32
    %dma_start3A_111 = tpu.memref_slice %arg8[%dma_start3A_109, %dma_start3A_110] : memref<250x80xi32, #tpu.memory_space<vmem>> -> memref<1x80xi32, #tpu.memory_space<vmem>>
    %dma_start3A_112 = tpu.memref_squeeze %dma_start3A_111 : memref<1x80xi32, #tpu.memory_space<vmem>> -> memref<80xi32, #tpu.memory_space<vmem>>
    %dma_start3A_113 = arith.constant 0 : i32
    %dma_start3A_114 = arith.constant 0 : i32
    %dma_start3A_115 = tpu.memref_slice %arg14[%dma_start3A_113, %dma_start3A_114] : memref<10000x64xf32, #tpu.memory_space<vmem_shared>> -> memref<10000x64xf32, #tpu.memory_space<vmem_shared>>
    tpu.enqueue_indirect_dma source(%arg13 : memref<80x64xf32, #tpu.memory_space<vmem>>) target(%dma_start3A_115 : memref<10000x64xf32, #tpu.memory_space<vmem_shared>>) offsets(%dma_start3A_112 : memref<80xi32, #tpu.memory_space<vmem>>) semaphore(%arg24 : memref<!tpu.dma_semaphore, #tpu.memory_space<semaphore_mem>>) {add = true}
    %dma_wait3A_116 = arith.constant 245 : i32
    %dma_wait3A_117 = arith.constant 0 : i32
    %dma_wait3A_118 = tpu.memref_slice %arg8[%dma_wait3A_116, %dma_wait3A_117] : memref<250x80xi32, #tpu.memory_space<vmem>> -> memref<1x80xi32, #tpu.memory_space<vmem>>
    %dma_wait3A_119 = tpu.memref_squeeze %dma_wait3A_118 : memref<1x80xi32, #tpu.memory_space<vmem>> -> memref<80xi32, #tpu.memory_space<vmem>>
    %dma_wait3A_120 = arith.constant 0 : i32
    %dma_wait3A_121 = arith.constant 0 : i32
    %dma_wait3A_122 = tpu.memref_slice %arg14[%dma_wait3A_120, %dma_wait3A_121] : memref<10000x64xf32, #tpu.memory_space<vmem_shared>> -> memref<10000x64xf32, #tpu.memory_space<vmem_shared>>
    tpu.wait_indirect_dma semaphore(%arg20 : memref<!tpu.dma_semaphore, #tpu.memory_space<semaphore_mem>>) src(%arg9 : memref<80x64xf32, #tpu.memory_space<vmem>>) dst(%dma_wait3A_122 : memref<10000x64xf32, #tpu.memory_space<vmem_shared>>)
    %dma_wait3A_123 = arith.constant 246 : i32
    %dma_wait3A_124 = arith.constant 0 : i32
    %dma_wait3A_125 = tpu.memref_slice %arg8[%dma_wait3A_123, %dma_wait3A_124] : memref<250x80xi32, #tpu.memory_space<vmem>> -> memref<1x80xi32, #tpu.memory_space<vmem>>
    %dma_wait3A_126 = tpu.memref_squeeze %dma_wait3A_125 : memref<1x80xi32, #tpu.memory_space<vmem>> -> memref<80xi32, #tpu.memory_space<vmem>>
    %dma_wait3A_127 = arith.constant 0 : i32
    %dma_wait3A_128 = arith.constant 0 : i32
    %dma_wait3A_129 = tpu.memref_slice %arg14[%dma_wait3A_127, %dma_wait3A_128] : memref<10000x64xf32, #tpu.memory_space<vmem_shared>> -> memref<10000x64xf32, #tpu.memory_space<vmem_shared>>
    tpu.wait_indirect_dma semaphore(%arg21 : memref<!tpu.dma_semaphore, #tpu.memory_space<semaphore_mem>>) src(%arg10 : memref<80x64xf32, #tpu.memory_space<vmem>>) dst(%dma_wait3A_129 : memref<10000x64xf32, #tpu.memory_space<vmem_shared>>)
    %dma_wait3A_130 = arith.constant 247 : i32
    %dma_wait3A_131 = arith.constant 0 : i32
    %dma_wait3A_132 = tpu.memref_slice %arg8[%dma_wait3A_130, %dma_wait3A_131] : memref<250x80xi32, #tpu.memory_space<vmem>> -> memref<1x80xi32, #tpu.memory_space<vmem>>
    %dma_wait3A_133 = tpu.memref_squeeze %dma_wait3A_132 : memref<1x80xi32, #tpu.memory_space<vmem>> -> memref<80xi32, #tpu.memory_space<vmem>>
    %dma_wait3A_134 = arith.constant 0 : i32
    %dma_wait3A_135 = arith.constant 0 : i32
    %dma_wait3A_136 = tpu.memref_slice %arg14[%dma_wait3A_134, %dma_wait3A_135] : memref<10000x64xf32, #tpu.memory_space<vmem_shared>> -> memref<10000x64xf32, #tpu.memory_space<vmem_shared>>
    tpu.wait_indirect_dma semaphore(%arg22 : memref<!tpu.dma_semaphore, #tpu.memory_space<semaphore_mem>>) src(%arg11 : memref<80x64xf32, #tpu.memory_space<vmem>>) dst(%dma_wait3A_136 : memref<10000x64xf32, #tpu.memory_space<vmem_shared>>)
    %dma_wait3A_137 = arith.constant 248 : i32
    %dma_wait3A_138 = arith.constant 0 : i32
    %dma_wait3A_139 = tpu.memref_slice %arg8[%dma_wait3A_137, %dma_wait3A_138] : memref<250x80xi32, #tpu.memory_space<vmem>> -> memref<1x80xi32, #tpu.memory_space<vmem>>
    %dma_wait3A_140 = tpu.memref_squeeze %dma_wait3A_139 : memref<1x80xi32, #tpu.memory_space<vmem>> -> memref<80xi32, #tpu.memory_space<vmem>>
    %dma_wait3A_141 = arith.constant 0 : i32
    %dma_wait3A_142 = arith.constant 0 : i32
    %dma_wait3A_143 = tpu.memref_slice %arg14[%dma_wait3A_141, %dma_wait3A_142] : memref<10000x64xf32, #tpu.memory_space<vmem_shared>> -> memref<10000x64xf32, #tpu.memory_space<vmem_shared>>
    tpu.wait_indirect_dma semaphore(%arg23 : memref<!tpu.dma_semaphore, #tpu.memory_space<semaphore_mem>>) src(%arg12 : memref<80x64xf32, #tpu.memory_space<vmem>>) dst(%dma_wait3A_143 : memref<10000x64xf32, #tpu.memory_space<vmem_shared>>)
    %dma_wait3A_144 = arith.constant 249 : i32
    %dma_wait3A_145 = arith.constant 0 : i32
    %dma_wait3A_146 = tpu.memref_slice %arg8[%dma_wait3A_144, %dma_wait3A_145] : memref<250x80xi32, #tpu.memory_space<vmem>> -> memref<1x80xi32, #tpu.memory_space<vmem>>
    %dma_wait3A_147 = tpu.memref_squeeze %dma_wait3A_146 : memref<1x80xi32, #tpu.memory_space<vmem>> -> memref<80xi32, #tpu.memory_space<vmem>>
    %dma_wait3A_148 = arith.constant 0 : i32
    %dma_wait3A_149 = arith.constant 0 : i32
    %dma_wait3A_150 = tpu.memref_slice %arg14[%dma_wait3A_148, %dma_wait3A_149] : memref<10000x64xf32, #tpu.memory_space<vmem_shared>> -> memref<10000x64xf32, #tpu.memory_space<vmem_shared>>
    tpu.wait_indirect_dma semaphore(%arg24 : memref<!tpu.dma_semaphore, #tpu.memory_space<semaphore_mem>>) src(%arg13 : memref<80x64xf32, #tpu.memory_space<vmem>>) dst(%dma_wait3A_150 : memref<10000x64xf32, #tpu.memory_space<vmem_shared>>)
    %barrier3A_151 = arith.constant 0 : index
    tpu.barrier barrier_id(%barrier3A_151)
    %lt3A_152 = arith.constant 15 : i32
    %lt3A_153 = arith.cmpi slt, %arg1, %lt3A_152 : i32
    %convert_element_type3A_154 = arith.extui %lt3A_153 : i1 to i32
    %cond3A_155 = arith.constant 0 : i32
    %cond3A_156 = arith.cmpi ne, %convert_element_type3A_154, %cond3A_155 : i32
    scf.if %cond3A_156 {
      %mul3A_162 = arith.constant 640 : i32
      %mul3A_163 = arith.muli %arg1, %mul3A_162 : i32
      %mul3A_164 = arith.constant 640 : i32
      %mul3A_165 = arith.muli %arg1, %mul3A_164 : i32
      "tpu.region"() ({
        %run_scoped3A = tpu.sem_alloc : memref<!tpu.dma_semaphore, #tpu.memory_space<semaphore_mem>>
        %dma_start3A_166 = arith.constant 0 : i32
        %dma_start3A_167 = arith.constant 0 : i32
        %dma_start3A_168 = tpu.memref_slice %arg6[%arg0, %dma_start3A_166, %dma_start3A_167] : memref<1x10000x64xf32, #tpu.memory_space<hbm>> -> memref<1x10000x64xf32, #tpu.memory_space<hbm>>
        %dma_start3A_169 = tpu.memref_squeeze %dma_start3A_168 : memref<1x10000x64xf32, #tpu.memory_space<hbm>> -> memref<10000x64xf32, #tpu.memory_space<hbm>>
        %dma_start3A_170 = arith.constant 0 : i32
        %dma_start3A_171 = tpu.memref_slice %dma_start3A_169[%mul3A_165, %dma_start3A_170] : memref<10000x64xf32, #tpu.memory_space<hbm>> -> memref<640x64xf32, #tpu.memory_space<hbm>>
        %dma_start3A_172 = arith.constant 0 : i32
        %dma_start3A_173 = tpu.memref_slice %arg14[%mul3A_163, %dma_start3A_172] : memref<10000x64xf32, #tpu.memory_space<vmem_shared>> -> memref<640x64xf32, #tpu.memory_space<vmem_shared>>
        tpu.enqueue_dma source(%dma_start3A_173 : memref<640x64xf32, #tpu.memory_space<vmem_shared>>) target(%dma_start3A_171 : memref<640x64xf32, #tpu.memory_space<hbm>>) target_semaphore(%run_scoped3A : memref<!tpu.dma_semaphore, #tpu.memory_space<semaphore_mem>>)
        %dma_wait3A_174 = arith.constant 0 : i32
        %dma_wait3A_175 = arith.constant 0 : i32
        %dma_wait3A_176 = tpu.memref_slice %arg6[%arg0, %dma_wait3A_174, %dma_wait3A_175] : memref<1x10000x64xf32, #tpu.memory_space<hbm>> -> memref<1x10000x64xf32, #tpu.memory_space<hbm>>
        %dma_wait3A_177 = tpu.memref_squeeze %dma_wait3A_176 : memref<1x10000x64xf32, #tpu.memory_space<hbm>> -> memref<10000x64xf32, #tpu.memory_space<hbm>>
        %dma_wait3A_178 = arith.constant 0 : i32
        %dma_wait3A_179 = tpu.memref_slice %dma_wait3A_177[%mul3A_165, %dma_wait3A_178] : memref<10000x64xf32, #tpu.memory_space<hbm>> -> memref<640x64xf32, #tpu.memory_space<hbm>>
        %dma_wait3A_180 = arith.constant 0 : i32
        %dma_wait3A_181 = tpu.memref_slice %arg14[%mul3A_163, %dma_wait3A_180] : memref<10000x64xf32, #tpu.memory_space<vmem_shared>> -> memref<640x64xf32, #tpu.memory_space<vmem_shared>>
        tpu.wait_dma2 semaphore(%run_scoped3A : memref<!tpu.dma_semaphore, #tpu.memory_space<semaphore_mem>>) src(%dma_wait3A_181 : memref<640x64xf32, #tpu.memory_space<vmem_shared>>) dst(%dma_wait3A_179 : memref<640x64xf32, #tpu.memory_space<hbm>>)
        tpu.yield
      }) : () -> ()
    } else {
    }
    %eq3A_157 = arith.constant 15 : i32
    %eq3A_158 = arith.cmpi eq, %arg1, %eq3A_157 : i32
    %convert_element_type3A_159 = arith.extui %eq3A_158 : i1 to i32
    %cond3A_160 = arith.constant 0 : i32
    %cond3A_161 = arith.cmpi ne, %convert_element_type3A_159, %cond3A_160 : i32
    scf.if %cond3A_161 {
      "tpu.region"() ({
        %run_scoped3A = tpu.sem_alloc : memref<!tpu.dma_semaphore, #tpu.memory_space<semaphore_mem>>
        %dma_start3A_162 = arith.constant 0 : i32
        %dma_start3A_163 = arith.constant 0 : i32
        %dma_start3A_164 = tpu.memref_slice %arg6[%arg0, %dma_start3A_162, %dma_start3A_163] : memref<1x10000x64xf32, #tpu.memory_space<hbm>> -> memref<1x10000x64xf32, #tpu.memory_space<hbm>>
        %dma_start3A_165 = tpu.memref_squeeze %dma_start3A_164 : memref<1x10000x64xf32, #tpu.memory_space<hbm>> -> memref<10000x64xf32, #tpu.memory_space<hbm>>
        %dma_start3A_166 = arith.constant 9600 : i32
        %dma_start3A_167 = arith.constant 0 : i32
        %dma_start3A_168 = tpu.memref_slice %dma_start3A_165[%dma_start3A_166, %dma_start3A_167] : memref<10000x64xf32, #tpu.memory_space<hbm>> -> memref<400x64xf32, #tpu.memory_space<hbm>>
        %dma_start3A_169 = arith.constant 9600 : i32
        %dma_start3A_170 = arith.constant 0 : i32
        %dma_start3A_171 = tpu.memref_slice %arg14[%dma_start3A_169, %dma_start3A_170] : memref<10000x64xf32, #tpu.memory_space<vmem_shared>> -> memref<400x64xf32, #tpu.memory_space<vmem_shared>>
        tpu.enqueue_dma source(%dma_start3A_171 : memref<400x64xf32, #tpu.memory_space<vmem_shared>>) target(%dma_start3A_168 : memref<400x64xf32, #tpu.memory_space<hbm>>) target_semaphore(%run_scoped3A : memref<!tpu.dma_semaphore, #tpu.memory_space<semaphore_mem>>)
        %dma_wait3A_172 = arith.constant 0 : i32
        %dma_wait3A_173 = arith.constant 0 : i32
        %dma_wait3A_174 = tpu.memref_slice %arg6[%arg0, %dma_wait3A_172, %dma_wait3A_173] : memref<1x10000x64xf32, #tpu.memory_space<hbm>> -> memref<1x10000x64xf32, #tpu.memory_space<hbm>>
        %dma_wait3A_175 = tpu.memref_squeeze %dma_wait3A_174 : memref<1x10000x64xf32, #tpu.memory_space<hbm>> -> memref<10000x64xf32, #tpu.memory_space<hbm>>
        %dma_wait3A_176 = arith.constant 9600 : i32
        %dma_wait3A_177 = arith.constant 0 : i32
        %dma_wait3A_178 = tpu.memref_slice %dma_wait3A_175[%dma_wait3A_176, %dma_wait3A_177] : memref<10000x64xf32, #tpu.memory_space<hbm>> -> memref<400x64xf32, #tpu.memory_space<hbm>>
        %dma_wait3A_179 = arith.constant 9600 : i32
        %dma_wait3A_180 = arith.constant 0 : i32
        %dma_wait3A_181 = tpu.memref_slice %arg14[%dma_wait3A_179, %dma_wait3A_180] : memref<10000x64xf32, #tpu.memory_space<vmem_shared>> -> memref<400x64xf32, #tpu.memory_space<vmem_shared>>
        tpu.wait_dma2 semaphore(%run_scoped3A : memref<!tpu.dma_semaphore, #tpu.memory_space<semaphore_mem>>) src(%dma_wait3A_181 : memref<400x64xf32, #tpu.memory_space<vmem_shared>>) dst(%dma_wait3A_178 : memref<400x64xf32, #tpu.memory_space<hbm>>)
        tpu.yield
      }) : () -> ()
    } else {
    }
    return
  }
}

#map = affine_map<(d0, d1) -> (0, 0)>
#map1 = affine_map<(d0, d1) -> (0, 0, 0)>
module attributes {stable_mosaic.version = 14 : i64} {
  func.func @_sc_agg(%arg0: i32, %arg1: i32, %arg2: memref<10000x64xf32, #tpu.memory_space<hbm>>, %arg3: memref<16x250x80xi32, #tpu.memory_space<hbm>>, %arg4: memref<16x250x80xi32, #tpu.memory_space<hbm>>, %arg5: memref<10000x64xf32, #tpu.memory_space<hbm>>, %arg6: memref<1x10000x64xf32, #tpu.memory_space<hbm>>, %arg7: memref<250x80xi32, #tpu.memory_space<vmem>>, %arg8: memref<250x80xi32, #tpu.memory_space<vmem>>, %arg9: memref<80x64xf32, #tpu.memory_space<vmem>>, %arg10: memref<80x64xf32, #tpu.memory_space<vmem>>, %arg11: memref<80x64xf32, #tpu.memory_space<vmem>>, %arg12: memref<80x64xf32, #tpu.memory_space<vmem>>, %arg13: memref<80x64xf32, #tpu.memory_space<vmem>>, %arg14: memref<10000x64xf32, #tpu.memory_space<vmem_shared>>, %arg15: memref<!tpu.dma_semaphore, #tpu.memory_space<semaphore_mem>>, %arg16: memref<!tpu.dma_semaphore, #tpu.memory_space<semaphore_mem>>, %arg17: memref<!tpu.dma_semaphore, #tpu.memory_space<semaphore_mem>>, %arg18: memref<!tpu.dma_semaphore, #tpu.memory_space<semaphore_mem>>, %arg19: memref<!tpu.dma_semaphore, #tpu.memory_space<semaphore_mem>>, %arg20: memref<!tpu.dma_semaphore, #tpu.memory_space<semaphore_mem>>, %arg21: memref<!tpu.dma_semaphore, #tpu.memory_space<semaphore_mem>>, %arg22: memref<!tpu.dma_semaphore, #tpu.memory_space<semaphore_mem>>, %arg23: memref<!tpu.dma_semaphore, #tpu.memory_space<semaphore_mem>>, %arg24: memref<!tpu.dma_semaphore, #tpu.memory_space<semaphore_mem>>) attributes {dimension_semantics = [#tpu.dimension_semantics<core_parallel>, #tpu.dimension_semantics<subcore_parallel>], iteration_bounds = array<i64: 1, 16>, scalar_prefetch = 0 : i64, scratch_operands = 18 : i64, tpu.core_type = #tpu.core_type<sc_vector_subcore>, window_params = [{transform_indices = #map}, {transform_indices = #map1}, {transform_indices = #map1}, {transform_indices = #map}, {transform_indices = #map1}]} {
    %mul3A = arith.constant 1 : i32
    %mul3A_0 = arith.muli %arg1, %mul3A : i32
    %add3A = arith.addi %mul3A_0, %arg0 : i32
    %lt3A = arith.constant 15 : i32
    %lt3A_1 = arith.cmpi slt, %arg1, %lt3A : i32
    %convert_element_type3A = arith.extui %lt3A_1 : i1 to i32
    %cond3A = arith.constant 0 : i32
    %cond3A_2 = arith.cmpi ne, %convert_element_type3A, %cond3A : i32
    scf.if %cond3A_2 {
      %mul3A_162 = arith.constant 640 : i32
      %mul3A_163 = arith.muli %arg1, %mul3A_162 : i32
      %mul3A_164 = arith.constant 640 : i32
      %mul3A_165 = arith.muli %arg1, %mul3A_164 : i32
      "tpu.region"() ({
        %run_scoped3A = tpu.sem_alloc : memref<!tpu.dma_semaphore, #tpu.memory_space<semaphore_mem>>
        %dma_start3A_166 = arith.constant 0 : i32
        %dma_start3A_167 = tpu.memref_slice %arg14[%mul3A_165, %dma_start3A_166] : memref<10000x64xf32, #tpu.memory_space<vmem_shared>> -> memref<640x64xf32, #tpu.memory_space<vmem_shared>>
        %dma_start3A_168 = arith.constant 0 : i32
        %dma_start3A_169 = tpu.memref_slice %arg5[%mul3A_163, %dma_start3A_168] : memref<10000x64xf32, #tpu.memory_space<hbm>> -> memref<640x64xf32, #tpu.memory_space<hbm>>
        tpu.enqueue_dma source(%dma_start3A_169 : memref<640x64xf32, #tpu.memory_space<hbm>>) target(%dma_start3A_167 : memref<640x64xf32, #tpu.memory_space<vmem_shared>>) target_semaphore(%run_scoped3A : memref<!tpu.dma_semaphore, #tpu.memory_space<semaphore_mem>>)
        %dma_wait3A_170 = arith.constant 0 : i32
        %dma_wait3A_171 = tpu.memref_slice %arg14[%mul3A_165, %dma_wait3A_170] : memref<10000x64xf32, #tpu.memory_space<vmem_shared>> -> memref<640x64xf32, #tpu.memory_space<vmem_shared>>
        %dma_wait3A_172 = arith.constant 0 : i32
        %dma_wait3A_173 = tpu.memref_slice %arg5[%mul3A_163, %dma_wait3A_172] : memref<10000x64xf32, #tpu.memory_space<hbm>> -> memref<640x64xf32, #tpu.memory_space<hbm>>
        tpu.wait_dma2 semaphore(%run_scoped3A : memref<!tpu.dma_semaphore, #tpu.memory_space<semaphore_mem>>) src(%dma_wait3A_173 : memref<640x64xf32, #tpu.memory_space<hbm>>) dst(%dma_wait3A_171 : memref<640x64xf32, #tpu.memory_space<vmem_shared>>)
        tpu.yield
      }) : () -> ()
    } else {
    }
    %eq3A = arith.constant 15 : i32
    %eq3A_3 = arith.cmpi eq, %arg1, %eq3A : i32
    %convert_element_type3A_4 = arith.extui %eq3A_3 : i1 to i32
    %cond3A_5 = arith.constant 0 : i32
    %cond3A_6 = arith.cmpi ne, %convert_element_type3A_4, %cond3A_5 : i32
    scf.if %cond3A_6 {
      "tpu.region"() ({
        %run_scoped3A = tpu.sem_alloc : memref<!tpu.dma_semaphore, #tpu.memory_space<semaphore_mem>>
        %dma_start3A_162 = arith.constant 9600 : i32
        %dma_start3A_163 = arith.constant 0 : i32
        %dma_start3A_164 = tpu.memref_slice %arg14[%dma_start3A_162, %dma_start3A_163] : memref<10000x64xf32, #tpu.memory_space<vmem_shared>> -> memref<400x64xf32, #tpu.memory_space<vmem_shared>>
        %dma_start3A_165 = arith.constant 9600 : i32
        %dma_start3A_166 = arith.constant 0 : i32
        %dma_start3A_167 = tpu.memref_slice %arg5[%dma_start3A_165, %dma_start3A_166] : memref<10000x64xf32, #tpu.memory_space<hbm>> -> memref<400x64xf32, #tpu.memory_space<hbm>>
        tpu.enqueue_dma source(%dma_start3A_167 : memref<400x64xf32, #tpu.memory_space<hbm>>) target(%dma_start3A_164 : memref<400x64xf32, #tpu.memory_space<vmem_shared>>) target_semaphore(%run_scoped3A : memref<!tpu.dma_semaphore, #tpu.memory_space<semaphore_mem>>)
        %dma_wait3A_168 = arith.constant 9600 : i32
        %dma_wait3A_169 = arith.constant 0 : i32
        %dma_wait3A_170 = tpu.memref_slice %arg14[%dma_wait3A_168, %dma_wait3A_169] : memref<10000x64xf32, #tpu.memory_space<vmem_shared>> -> memref<400x64xf32, #tpu.memory_space<vmem_shared>>
        %dma_wait3A_171 = arith.constant 9600 : i32
        %dma_wait3A_172 = arith.constant 0 : i32
        %dma_wait3A_173 = tpu.memref_slice %arg5[%dma_wait3A_171, %dma_wait3A_172] : memref<10000x64xf32, #tpu.memory_space<hbm>> -> memref<400x64xf32, #tpu.memory_space<hbm>>
        tpu.wait_dma2 semaphore(%run_scoped3A : memref<!tpu.dma_semaphore, #tpu.memory_space<semaphore_mem>>) src(%dma_wait3A_173 : memref<400x64xf32, #tpu.memory_space<hbm>>) dst(%dma_wait3A_170 : memref<400x64xf32, #tpu.memory_space<vmem_shared>>)
        tpu.yield
      }) : () -> ()
    } else {
    }
    "tpu.region"() ({
      %run_scoped3A = tpu.sem_alloc : memref<!tpu.dma_semaphore, #tpu.memory_space<semaphore_mem>>
      %dma_start3A_162 = arith.constant 0 : i32
      %dma_start3A_163 = arith.constant 0 : i32
      %dma_start3A_164 = tpu.memref_slice %arg3[%add3A, %dma_start3A_162, %dma_start3A_163] : memref<16x250x80xi32, #tpu.memory_space<hbm>> -> memref<1x250x80xi32, #tpu.memory_space<hbm>>
      %dma_start3A_165 = tpu.memref_squeeze %dma_start3A_164 : memref<1x250x80xi32, #tpu.memory_space<hbm>> -> memref<250x80xi32, #tpu.memory_space<hbm>>
      %dma_start3A_166 = arith.constant 0 : i32
      %dma_start3A_167 = arith.constant 0 : i32
      %dma_start3A_168 = tpu.memref_slice %arg3[%add3A, %dma_start3A_166, %dma_start3A_167] : memref<16x250x80xi32, #tpu.memory_space<hbm>> -> memref<1x250x80xi32, #tpu.memory_space<hbm>>
      %dma_start3A_169 = tpu.memref_squeeze %dma_start3A_168 : memref<1x250x80xi32, #tpu.memory_space<hbm>> -> memref<250x80xi32, #tpu.memory_space<hbm>>
      tpu.enqueue_dma source(%dma_start3A_169 : memref<250x80xi32, #tpu.memory_space<hbm>>) target(%arg7 : memref<250x80xi32, #tpu.memory_space<vmem>>) target_semaphore(%run_scoped3A : memref<!tpu.dma_semaphore, #tpu.memory_space<semaphore_mem>>)
      %dma_wait3A_170 = arith.constant 0 : i32
      %dma_wait3A_171 = arith.constant 0 : i32
      %dma_wait3A_172 = tpu.memref_slice %arg3[%add3A, %dma_wait3A_170, %dma_wait3A_171] : memref<16x250x80xi32, #tpu.memory_space<hbm>> -> memref<1x250x80xi32, #tpu.memory_space<hbm>>
      %dma_wait3A_173 = tpu.memref_squeeze %dma_wait3A_172 : memref<1x250x80xi32, #tpu.memory_space<hbm>> -> memref<250x80xi32, #tpu.memory_space<hbm>>
      %dma_wait3A_174 = arith.constant 0 : i32
      %dma_wait3A_175 = arith.constant 0 : i32
      %dma_wait3A_176 = tpu.memref_slice %arg3[%add3A, %dma_wait3A_174, %dma_wait3A_175] : memref<16x250x80xi32, #tpu.memory_space<hbm>> -> memref<1x250x80xi32, #tpu.memory_space<hbm>>
      %dma_wait3A_177 = tpu.memref_squeeze %dma_wait3A_176 : memref<1x250x80xi32, #tpu.memory_space<hbm>> -> memref<250x80xi32, #tpu.memory_space<hbm>>
      tpu.wait_dma2 semaphore(%run_scoped3A : memref<!tpu.dma_semaphore, #tpu.memory_space<semaphore_mem>>) src(%dma_wait3A_177 : memref<250x80xi32, #tpu.memory_space<hbm>>) dst(%arg7 : memref<250x80xi32, #tpu.memory_space<vmem>>)
      tpu.yield
    }) : () -> ()
    "tpu.region"() ({
      %run_scoped3A = tpu.sem_alloc : memref<!tpu.dma_semaphore, #tpu.memory_space<semaphore_mem>>
      %dma_start3A_162 = arith.constant 0 : i32
      %dma_start3A_163 = arith.constant 0 : i32
      %dma_start3A_164 = tpu.memref_slice %arg4[%add3A, %dma_start3A_162, %dma_start3A_163] : memref<16x250x80xi32, #tpu.memory_space<hbm>> -> memref<1x250x80xi32, #tpu.memory_space<hbm>>
      %dma_start3A_165 = tpu.memref_squeeze %dma_start3A_164 : memref<1x250x80xi32, #tpu.memory_space<hbm>> -> memref<250x80xi32, #tpu.memory_space<hbm>>
      %dma_start3A_166 = arith.constant 0 : i32
      %dma_start3A_167 = arith.constant 0 : i32
      %dma_start3A_168 = tpu.memref_slice %arg4[%add3A, %dma_start3A_166, %dma_start3A_167] : memref<16x250x80xi32, #tpu.memory_space<hbm>> -> memref<1x250x80xi32, #tpu.memory_space<hbm>>
      %dma_start3A_169 = tpu.memref_squeeze %dma_start3A_168 : memref<1x250x80xi32, #tpu.memory_space<hbm>> -> memref<250x80xi32, #tpu.memory_space<hbm>>
      tpu.enqueue_dma source(%dma_start3A_169 : memref<250x80xi32, #tpu.memory_space<hbm>>) target(%arg8 : memref<250x80xi32, #tpu.memory_space<vmem>>) target_semaphore(%run_scoped3A : memref<!tpu.dma_semaphore, #tpu.memory_space<semaphore_mem>>)
      %dma_wait3A_170 = arith.constant 0 : i32
      %dma_wait3A_171 = arith.constant 0 : i32
      %dma_wait3A_172 = tpu.memref_slice %arg4[%add3A, %dma_wait3A_170, %dma_wait3A_171] : memref<16x250x80xi32, #tpu.memory_space<hbm>> -> memref<1x250x80xi32, #tpu.memory_space<hbm>>
      %dma_wait3A_173 = tpu.memref_squeeze %dma_wait3A_172 : memref<1x250x80xi32, #tpu.memory_space<hbm>> -> memref<250x80xi32, #tpu.memory_space<hbm>>
      %dma_wait3A_174 = arith.constant 0 : i32
      %dma_wait3A_175 = arith.constant 0 : i32
      %dma_wait3A_176 = tpu.memref_slice %arg4[%add3A, %dma_wait3A_174, %dma_wait3A_175] : memref<16x250x80xi32, #tpu.memory_space<hbm>> -> memref<1x250x80xi32, #tpu.memory_space<hbm>>
      %dma_wait3A_177 = tpu.memref_squeeze %dma_wait3A_176 : memref<1x250x80xi32, #tpu.memory_space<hbm>> -> memref<250x80xi32, #tpu.memory_space<hbm>>
      tpu.wait_dma2 semaphore(%run_scoped3A : memref<!tpu.dma_semaphore, #tpu.memory_space<semaphore_mem>>) src(%dma_wait3A_177 : memref<250x80xi32, #tpu.memory_space<hbm>>) dst(%arg8 : memref<250x80xi32, #tpu.memory_space<vmem>>)
      tpu.yield
    }) : () -> ()
    %barrier3A = arith.constant 0 : index
    tpu.barrier barrier_id(%barrier3A)
    %dma_start3A = arith.constant 0 : i32
    %dma_start3A_7 = arith.constant 0 : i32
    %dma_start3A_8 = tpu.memref_slice %arg7[%dma_start3A, %dma_start3A_7] : memref<250x80xi32, #tpu.memory_space<vmem>> -> memref<1x80xi32, #tpu.memory_space<vmem>>
    %dma_start3A_9 = tpu.memref_squeeze %dma_start3A_8 : memref<1x80xi32, #tpu.memory_space<vmem>> -> memref<80xi32, #tpu.memory_space<vmem>>
    %dma_start3A_10 = arith.constant 0 : i32
    %dma_start3A_11 = arith.constant 0 : i32
    %dma_start3A_12 = tpu.memref_slice %arg2[%dma_start3A_10, %dma_start3A_11] : memref<10000x64xf32, #tpu.memory_space<hbm>> -> memref<10000x64xf32, #tpu.memory_space<hbm>>
    tpu.enqueue_indirect_dma source(%dma_start3A_12 : memref<10000x64xf32, #tpu.memory_space<hbm>>) target(%arg9 : memref<80x64xf32, #tpu.memory_space<vmem>>) offsets(%dma_start3A_9 : memref<80xi32, #tpu.memory_space<vmem>>) semaphore(%arg15 : memref<!tpu.dma_semaphore, #tpu.memory_space<semaphore_mem>>)
    %dma_start3A_13 = arith.constant 1 : i32
    %dma_start3A_14 = arith.constant 0 : i32
    %dma_start3A_15 = tpu.memref_slice %arg7[%dma_start3A_13, %dma_start3A_14] : memref<250x80xi32, #tpu.memory_space<vmem>> -> memref<1x80xi32, #tpu.memory_space<vmem>>
    %dma_start3A_16 = tpu.memref_squeeze %dma_start3A_15 : memref<1x80xi32, #tpu.memory_space<vmem>> -> memref<80xi32, #tpu.memory_space<vmem>>
    %dma_start3A_17 = arith.constant 0 : i32
    %dma_start3A_18 = arith.constant 0 : i32
    %dma_start3A_19 = tpu.memref_slice %arg2[%dma_start3A_17, %dma_start3A_18] : memref<10000x64xf32, #tpu.memory_space<hbm>> -> memref<10000x64xf32, #tpu.memory_space<hbm>>
    tpu.enqueue_indirect_dma source(%dma_start3A_19 : memref<10000x64xf32, #tpu.memory_space<hbm>>) target(%arg10 : memref<80x64xf32, #tpu.memory_space<vmem>>) offsets(%dma_start3A_16 : memref<80xi32, #tpu.memory_space<vmem>>) semaphore(%arg16 : memref<!tpu.dma_semaphore, #tpu.memory_space<semaphore_mem>>)
    %dma_start3A_20 = arith.constant 2 : i32
    %dma_start3A_21 = arith.constant 0 : i32
    %dma_start3A_22 = tpu.memref_slice %arg7[%dma_start3A_20, %dma_start3A_21] : memref<250x80xi32, #tpu.memory_space<vmem>> -> memref<1x80xi32, #tpu.memory_space<vmem>>
    %dma_start3A_23 = tpu.memref_squeeze %dma_start3A_22 : memref<1x80xi32, #tpu.memory_space<vmem>> -> memref<80xi32, #tpu.memory_space<vmem>>
    %dma_start3A_24 = arith.constant 0 : i32
    %dma_start3A_25 = arith.constant 0 : i32
    %dma_start3A_26 = tpu.memref_slice %arg2[%dma_start3A_24, %dma_start3A_25] : memref<10000x64xf32, #tpu.memory_space<hbm>> -> memref<10000x64xf32, #tpu.memory_space<hbm>>
    tpu.enqueue_indirect_dma source(%dma_start3A_26 : memref<10000x64xf32, #tpu.memory_space<hbm>>) target(%arg11 : memref<80x64xf32, #tpu.memory_space<vmem>>) offsets(%dma_start3A_23 : memref<80xi32, #tpu.memory_space<vmem>>) semaphore(%arg17 : memref<!tpu.dma_semaphore, #tpu.memory_space<semaphore_mem>>)
    %dma_start3A_27 = arith.constant 3 : i32
    %dma_start3A_28 = arith.constant 0 : i32
    %dma_start3A_29 = tpu.memref_slice %arg7[%dma_start3A_27, %dma_start3A_28] : memref<250x80xi32, #tpu.memory_space<vmem>> -> memref<1x80xi32, #tpu.memory_space<vmem>>
    %dma_start3A_30 = tpu.memref_squeeze %dma_start3A_29 : memref<1x80xi32, #tpu.memory_space<vmem>> -> memref<80xi32, #tpu.memory_space<vmem>>
    %dma_start3A_31 = arith.constant 0 : i32
    %dma_start3A_32 = arith.constant 0 : i32
    %dma_start3A_33 = tpu.memref_slice %arg2[%dma_start3A_31, %dma_start3A_32] : memref<10000x64xf32, #tpu.memory_space<hbm>> -> memref<10000x64xf32, #tpu.memory_space<hbm>>
    tpu.enqueue_indirect_dma source(%dma_start3A_33 : memref<10000x64xf32, #tpu.memory_space<hbm>>) target(%arg12 : memref<80x64xf32, #tpu.memory_space<vmem>>) offsets(%dma_start3A_30 : memref<80xi32, #tpu.memory_space<vmem>>) semaphore(%arg18 : memref<!tpu.dma_semaphore, #tpu.memory_space<semaphore_mem>>)
    %dma_start3A_34 = arith.constant 4 : i32
    %dma_start3A_35 = arith.constant 0 : i32
    %dma_start3A_36 = tpu.memref_slice %arg7[%dma_start3A_34, %dma_start3A_35] : memref<250x80xi32, #tpu.memory_space<vmem>> -> memref<1x80xi32, #tpu.memory_space<vmem>>
    %dma_start3A_37 = tpu.memref_squeeze %dma_start3A_36 : memref<1x80xi32, #tpu.memory_space<vmem>> -> memref<80xi32, #tpu.memory_space<vmem>>
    %dma_start3A_38 = arith.constant 0 : i32
    %dma_start3A_39 = arith.constant 0 : i32
    %dma_start3A_40 = tpu.memref_slice %arg2[%dma_start3A_38, %dma_start3A_39] : memref<10000x64xf32, #tpu.memory_space<hbm>> -> memref<10000x64xf32, #tpu.memory_space<hbm>>
    tpu.enqueue_indirect_dma source(%dma_start3A_40 : memref<10000x64xf32, #tpu.memory_space<hbm>>) target(%arg13 : memref<80x64xf32, #tpu.memory_space<vmem>>) offsets(%dma_start3A_37 : memref<80xi32, #tpu.memory_space<vmem>>) semaphore(%arg19 : memref<!tpu.dma_semaphore, #tpu.memory_space<semaphore_mem>>)
    %scan3A = arith.constant 0 : i32
    %scan3A_41 = arith.constant 0 : i32
    %scan3A_42 = arith.constant 49 : i32
    %scan3A_43 = arith.addi %scan3A_41, %scan3A_42 : i32
    %scan3A_44 = arith.constant 1 : i32
    %scan3A_45 = scf.for %scan3A_162 = %scan3A_41 to %scan3A_43 step %scan3A_44 iter_args(%scan3A_163 = %scan3A) -> (i32)  : i32 {
      %mul3A_164 = arith.constant 5 : i32
      %mul3A_165 = arith.muli %scan3A_162, %mul3A_164 : i32
      %add3A_166 = arith.constant 0 : i32
      %add3A_167 = arith.addi %mul3A_165, %add3A_166 : i32
      %dma_wait3A_168 = arith.constant 0 : i32
      %dma_wait3A_169 = tpu.memref_slice %arg7[%add3A_167, %dma_wait3A_168] : memref<250x80xi32, #tpu.memory_space<vmem>> -> memref<1x80xi32, #tpu.memory_space<vmem>>
      %dma_wait3A_170 = tpu.memref_squeeze %dma_wait3A_169 : memref<1x80xi32, #tpu.memory_space<vmem>> -> memref<80xi32, #tpu.memory_space<vmem>>
      %dma_wait3A_171 = arith.constant 0 : i32
      %dma_wait3A_172 = arith.constant 0 : i32
      %dma_wait3A_173 = tpu.memref_slice %arg2[%dma_wait3A_171, %dma_wait3A_172] : memref<10000x64xf32, #tpu.memory_space<hbm>> -> memref<10000x64xf32, #tpu.memory_space<hbm>>
      tpu.wait_indirect_dma semaphore(%arg15 : memref<!tpu.dma_semaphore, #tpu.memory_space<semaphore_mem>>) src(%dma_wait3A_173 : memref<10000x64xf32, #tpu.memory_space<hbm>>) dst(%arg9 : memref<80x64xf32, #tpu.memory_space<vmem>>)
      %add3A_174 = arith.constant 0 : i32
      %add3A_175 = arith.addi %mul3A_165, %add3A_174 : i32
      %dma_start3A_176 = arith.constant 0 : i32
      %dma_start3A_177 = tpu.memref_slice %arg8[%add3A_175, %dma_start3A_176] : memref<250x80xi32, #tpu.memory_space<vmem>> -> memref<1x80xi32, #tpu.memory_space<vmem>>
      %dma_start3A_178 = tpu.memref_squeeze %dma_start3A_177 : memref<1x80xi32, #tpu.memory_space<vmem>> -> memref<80xi32, #tpu.memory_space<vmem>>
      %dma_start3A_179 = arith.constant 0 : i32
      %dma_start3A_180 = arith.constant 0 : i32
      %dma_start3A_181 = tpu.memref_slice %arg14[%dma_start3A_179, %dma_start3A_180] : memref<10000x64xf32, #tpu.memory_space<vmem_shared>> -> memref<10000x64xf32, #tpu.memory_space<vmem_shared>>
      tpu.enqueue_indirect_dma source(%arg9 : memref<80x64xf32, #tpu.memory_space<vmem>>) target(%dma_start3A_181 : memref<10000x64xf32, #tpu.memory_space<vmem_shared>>) offsets(%dma_start3A_178 : memref<80xi32, #tpu.memory_space<vmem>>) semaphore(%arg20 : memref<!tpu.dma_semaphore, #tpu.memory_space<semaphore_mem>>) {add = true}
      %add3A_182 = arith.constant 1 : i32
      %add3A_183 = arith.addi %mul3A_165, %add3A_182 : i32
      %dma_wait3A_184 = arith.constant 0 : i32
      %dma_wait3A_185 = tpu.memref_slice %arg7[%add3A_183, %dma_wait3A_184] : memref<250x80xi32, #tpu.memory_space<vmem>> -> memref<1x80xi32, #tpu.memory_space<vmem>>
      %dma_wait3A_186 = tpu.memref_squeeze %dma_wait3A_185 : memref<1x80xi32, #tpu.memory_space<vmem>> -> memref<80xi32, #tpu.memory_space<vmem>>
      %dma_wait3A_187 = arith.constant 0 : i32
      %dma_wait3A_188 = arith.constant 0 : i32
      %dma_wait3A_189 = tpu.memref_slice %arg2[%dma_wait3A_187, %dma_wait3A_188] : memref<10000x64xf32, #tpu.memory_space<hbm>> -> memref<10000x64xf32, #tpu.memory_space<hbm>>
      tpu.wait_indirect_dma semaphore(%arg16 : memref<!tpu.dma_semaphore, #tpu.memory_space<semaphore_mem>>) src(%dma_wait3A_189 : memref<10000x64xf32, #tpu.memory_space<hbm>>) dst(%arg10 : memref<80x64xf32, #tpu.memory_space<vmem>>)
      %add3A_190 = arith.constant 1 : i32
      %add3A_191 = arith.addi %mul3A_165, %add3A_190 : i32
      %dma_start3A_192 = arith.constant 0 : i32
      %dma_start3A_193 = tpu.memref_slice %arg8[%add3A_191, %dma_start3A_192] : memref<250x80xi32, #tpu.memory_space<vmem>> -> memref<1x80xi32, #tpu.memory_space<vmem>>
      %dma_start3A_194 = tpu.memref_squeeze %dma_start3A_193 : memref<1x80xi32, #tpu.memory_space<vmem>> -> memref<80xi32, #tpu.memory_space<vmem>>
      %dma_start3A_195 = arith.constant 0 : i32
      %dma_start3A_196 = arith.constant 0 : i32
      %dma_start3A_197 = tpu.memref_slice %arg14[%dma_start3A_195, %dma_start3A_196] : memref<10000x64xf32, #tpu.memory_space<vmem_shared>> -> memref<10000x64xf32, #tpu.memory_space<vmem_shared>>
      tpu.enqueue_indirect_dma source(%arg10 : memref<80x64xf32, #tpu.memory_space<vmem>>) target(%dma_start3A_197 : memref<10000x64xf32, #tpu.memory_space<vmem_shared>>) offsets(%dma_start3A_194 : memref<80xi32, #tpu.memory_space<vmem>>) semaphore(%arg21 : memref<!tpu.dma_semaphore, #tpu.memory_space<semaphore_mem>>) {add = true}
      %add3A_198 = arith.constant 2 : i32
      %add3A_199 = arith.addi %mul3A_165, %add3A_198 : i32
      %dma_wait3A_200 = arith.constant 0 : i32
      %dma_wait3A_201 = tpu.memref_slice %arg7[%add3A_199, %dma_wait3A_200] : memref<250x80xi32, #tpu.memory_space<vmem>> -> memref<1x80xi32, #tpu.memory_space<vmem>>
      %dma_wait3A_202 = tpu.memref_squeeze %dma_wait3A_201 : memref<1x80xi32, #tpu.memory_space<vmem>> -> memref<80xi32, #tpu.memory_space<vmem>>
      %dma_wait3A_203 = arith.constant 0 : i32
      %dma_wait3A_204 = arith.constant 0 : i32
      %dma_wait3A_205 = tpu.memref_slice %arg2[%dma_wait3A_203, %dma_wait3A_204] : memref<10000x64xf32, #tpu.memory_space<hbm>> -> memref<10000x64xf32, #tpu.memory_space<hbm>>
      tpu.wait_indirect_dma semaphore(%arg17 : memref<!tpu.dma_semaphore, #tpu.memory_space<semaphore_mem>>) src(%dma_wait3A_205 : memref<10000x64xf32, #tpu.memory_space<hbm>>) dst(%arg11 : memref<80x64xf32, #tpu.memory_space<vmem>>)
      %add3A_206 = arith.constant 2 : i32
      %add3A_207 = arith.addi %mul3A_165, %add3A_206 : i32
      %dma_start3A_208 = arith.constant 0 : i32
      %dma_start3A_209 = tpu.memref_slice %arg8[%add3A_207, %dma_start3A_208] : memref<250x80xi32, #tpu.memory_space<vmem>> -> memref<1x80xi32, #tpu.memory_space<vmem>>
      %dma_start3A_210 = tpu.memref_squeeze %dma_start3A_209 : memref<1x80xi32, #tpu.memory_space<vmem>> -> memref<80xi32, #tpu.memory_space<vmem>>
      %dma_start3A_211 = arith.constant 0 : i32
      %dma_start3A_212 = arith.constant 0 : i32
      %dma_start3A_213 = tpu.memref_slice %arg14[%dma_start3A_211, %dma_start3A_212] : memref<10000x64xf32, #tpu.memory_space<vmem_shared>> -> memref<10000x64xf32, #tpu.memory_space<vmem_shared>>
      tpu.enqueue_indirect_dma source(%arg11 : memref<80x64xf32, #tpu.memory_space<vmem>>) target(%dma_start3A_213 : memref<10000x64xf32, #tpu.memory_space<vmem_shared>>) offsets(%dma_start3A_210 : memref<80xi32, #tpu.memory_space<vmem>>) semaphore(%arg22 : memref<!tpu.dma_semaphore, #tpu.memory_space<semaphore_mem>>) {add = true}
      %add3A_214 = arith.constant 3 : i32
      %add3A_215 = arith.addi %mul3A_165, %add3A_214 : i32
      %dma_wait3A_216 = arith.constant 0 : i32
      %dma_wait3A_217 = tpu.memref_slice %arg7[%add3A_215, %dma_wait3A_216] : memref<250x80xi32, #tpu.memory_space<vmem>> -> memref<1x80xi32, #tpu.memory_space<vmem>>
      %dma_wait3A_218 = tpu.memref_squeeze %dma_wait3A_217 : memref<1x80xi32, #tpu.memory_space<vmem>> -> memref<80xi32, #tpu.memory_space<vmem>>
      %dma_wait3A_219 = arith.constant 0 : i32
      %dma_wait3A_220 = arith.constant 0 : i32
      %dma_wait3A_221 = tpu.memref_slice %arg2[%dma_wait3A_219, %dma_wait3A_220] : memref<10000x64xf32, #tpu.memory_space<hbm>> -> memref<10000x64xf32, #tpu.memory_space<hbm>>
      tpu.wait_indirect_dma semaphore(%arg18 : memref<!tpu.dma_semaphore, #tpu.memory_space<semaphore_mem>>) src(%dma_wait3A_221 : memref<10000x64xf32, #tpu.memory_space<hbm>>) dst(%arg12 : memref<80x64xf32, #tpu.memory_space<vmem>>)
      %add3A_222 = arith.constant 3 : i32
      %add3A_223 = arith.addi %mul3A_165, %add3A_222 : i32
      %dma_start3A_224 = arith.constant 0 : i32
      %dma_start3A_225 = tpu.memref_slice %arg8[%add3A_223, %dma_start3A_224] : memref<250x80xi32, #tpu.memory_space<vmem>> -> memref<1x80xi32, #tpu.memory_space<vmem>>
      %dma_start3A_226 = tpu.memref_squeeze %dma_start3A_225 : memref<1x80xi32, #tpu.memory_space<vmem>> -> memref<80xi32, #tpu.memory_space<vmem>>
      %dma_start3A_227 = arith.constant 0 : i32
      %dma_start3A_228 = arith.constant 0 : i32
      %dma_start3A_229 = tpu.memref_slice %arg14[%dma_start3A_227, %dma_start3A_228] : memref<10000x64xf32, #tpu.memory_space<vmem_shared>> -> memref<10000x64xf32, #tpu.memory_space<vmem_shared>>
      tpu.enqueue_indirect_dma source(%arg12 : memref<80x64xf32, #tpu.memory_space<vmem>>) target(%dma_start3A_229 : memref<10000x64xf32, #tpu.memory_space<vmem_shared>>) offsets(%dma_start3A_226 : memref<80xi32, #tpu.memory_space<vmem>>) semaphore(%arg23 : memref<!tpu.dma_semaphore, #tpu.memory_space<semaphore_mem>>) {add = true}
      %add3A_230 = arith.constant 4 : i32
      %add3A_231 = arith.addi %mul3A_165, %add3A_230 : i32
      %dma_wait3A_232 = arith.constant 0 : i32
      %dma_wait3A_233 = tpu.memref_slice %arg7[%add3A_231, %dma_wait3A_232] : memref<250x80xi32, #tpu.memory_space<vmem>> -> memref<1x80xi32, #tpu.memory_space<vmem>>
      %dma_wait3A_234 = tpu.memref_squeeze %dma_wait3A_233 : memref<1x80xi32, #tpu.memory_space<vmem>> -> memref<80xi32, #tpu.memory_space<vmem>>
      %dma_wait3A_235 = arith.constant 0 : i32
      %dma_wait3A_236 = arith.constant 0 : i32
      %dma_wait3A_237 = tpu.memref_slice %arg2[%dma_wait3A_235, %dma_wait3A_236] : memref<10000x64xf32, #tpu.memory_space<hbm>> -> memref<10000x64xf32, #tpu.memory_space<hbm>>
      tpu.wait_indirect_dma semaphore(%arg19 : memref<!tpu.dma_semaphore, #tpu.memory_space<semaphore_mem>>) src(%dma_wait3A_237 : memref<10000x64xf32, #tpu.memory_space<hbm>>) dst(%arg13 : memref<80x64xf32, #tpu.memory_space<vmem>>)
      %add3A_238 = arith.constant 4 : i32
      %add3A_239 = arith.addi %mul3A_165, %add3A_238 : i32
      %dma_start3A_240 = arith.constant 0 : i32
      %dma_start3A_241 = tpu.memref_slice %arg8[%add3A_239, %dma_start3A_240] : memref<250x80xi32, #tpu.memory_space<vmem>> -> memref<1x80xi32, #tpu.memory_space<vmem>>
      %dma_start3A_242 = tpu.memref_squeeze %dma_start3A_241 : memref<1x80xi32, #tpu.memory_space<vmem>> -> memref<80xi32, #tpu.memory_space<vmem>>
      %dma_start3A_243 = arith.constant 0 : i32
      %dma_start3A_244 = arith.constant 0 : i32
      %dma_start3A_245 = tpu.memref_slice %arg14[%dma_start3A_243, %dma_start3A_244] : memref<10000x64xf32, #tpu.memory_space<vmem_shared>> -> memref<10000x64xf32, #tpu.memory_space<vmem_shared>>
      tpu.enqueue_indirect_dma source(%arg13 : memref<80x64xf32, #tpu.memory_space<vmem>>) target(%dma_start3A_245 : memref<10000x64xf32, #tpu.memory_space<vmem_shared>>) offsets(%dma_start3A_242 : memref<80xi32, #tpu.memory_space<vmem>>) semaphore(%arg24 : memref<!tpu.dma_semaphore, #tpu.memory_space<semaphore_mem>>) {add = true}
      %add3A_246 = arith.constant 0 : i32
      %add3A_247 = arith.addi %mul3A_165, %add3A_246 : i32
      %dma_wait3A_248 = arith.constant 0 : i32
      %dma_wait3A_249 = tpu.memref_slice %arg8[%add3A_247, %dma_wait3A_248] : memref<250x80xi32, #tpu.memory_space<vmem>> -> memref<1x80xi32, #tpu.memory_space<vmem>>
      %dma_wait3A_250 = tpu.memref_squeeze %dma_wait3A_249 : memref<1x80xi32, #tpu.memory_space<vmem>> -> memref<80xi32, #tpu.memory_space<vmem>>
      %dma_wait3A_251 = arith.constant 0 : i32
      %dma_wait3A_252 = arith.constant 0 : i32
      %dma_wait3A_253 = tpu.memref_slice %arg14[%dma_wait3A_251, %dma_wait3A_252] : memref<10000x64xf32, #tpu.memory_space<vmem_shared>> -> memref<10000x64xf32, #tpu.memory_space<vmem_shared>>
      tpu.wait_indirect_dma semaphore(%arg20 : memref<!tpu.dma_semaphore, #tpu.memory_space<semaphore_mem>>) src(%arg9 : memref<80x64xf32, #tpu.memory_space<vmem>>) dst(%dma_wait3A_253 : memref<10000x64xf32, #tpu.memory_space<vmem_shared>>)
      %add3A_254 = arith.constant 5 : i32
      %add3A_255 = arith.addi %mul3A_165, %add3A_254 : i32
      %add3A_256 = arith.constant 0 : i32
      %add3A_257 = arith.addi %add3A_255, %add3A_256 : i32
      %dma_start3A_258 = arith.constant 0 : i32
      %dma_start3A_259 = tpu.memref_slice %arg7[%add3A_257, %dma_start3A_258] : memref<250x80xi32, #tpu.memory_space<vmem>> -> memref<1x80xi32, #tpu.memory_space<vmem>>
      %dma_start3A_260 = tpu.memref_squeeze %dma_start3A_259 : memref<1x80xi32, #tpu.memory_space<vmem>> -> memref<80xi32, #tpu.memory_space<vmem>>
      %dma_start3A_261 = arith.constant 0 : i32
      %dma_start3A_262 = arith.constant 0 : i32
      %dma_start3A_263 = tpu.memref_slice %arg2[%dma_start3A_261, %dma_start3A_262] : memref<10000x64xf32, #tpu.memory_space<hbm>> -> memref<10000x64xf32, #tpu.memory_space<hbm>>
      tpu.enqueue_indirect_dma source(%dma_start3A_263 : memref<10000x64xf32, #tpu.memory_space<hbm>>) target(%arg9 : memref<80x64xf32, #tpu.memory_space<vmem>>) offsets(%dma_start3A_260 : memref<80xi32, #tpu.memory_space<vmem>>) semaphore(%arg15 : memref<!tpu.dma_semaphore, #tpu.memory_space<semaphore_mem>>)
      %add3A_264 = arith.constant 1 : i32
      %add3A_265 = arith.addi %mul3A_165, %add3A_264 : i32
      %dma_wait3A_266 = arith.constant 0 : i32
      %dma_wait3A_267 = tpu.memref_slice %arg8[%add3A_265, %dma_wait3A_266] : memref<250x80xi32, #tpu.memory_space<vmem>> -> memref<1x80xi32, #tpu.memory_space<vmem>>
      %dma_wait3A_268 = tpu.memref_squeeze %dma_wait3A_267 : memref<1x80xi32, #tpu.memory_space<vmem>> -> memref<80xi32, #tpu.memory_space<vmem>>
      %dma_wait3A_269 = arith.constant 0 : i32
      %dma_wait3A_270 = arith.constant 0 : i32
      %dma_wait3A_271 = tpu.memref_slice %arg14[%dma_wait3A_269, %dma_wait3A_270] : memref<10000x64xf32, #tpu.memory_space<vmem_shared>> -> memref<10000x64xf32, #tpu.memory_space<vmem_shared>>
      tpu.wait_indirect_dma semaphore(%arg21 : memref<!tpu.dma_semaphore, #tpu.memory_space<semaphore_mem>>) src(%arg10 : memref<80x64xf32, #tpu.memory_space<vmem>>) dst(%dma_wait3A_271 : memref<10000x64xf32, #tpu.memory_space<vmem_shared>>)
      %add3A_272 = arith.constant 5 : i32
      %add3A_273 = arith.addi %mul3A_165, %add3A_272 : i32
      %add3A_274 = arith.constant 1 : i32
      %add3A_275 = arith.addi %add3A_273, %add3A_274 : i32
      %dma_start3A_276 = arith.constant 0 : i32
      %dma_start3A_277 = tpu.memref_slice %arg7[%add3A_275, %dma_start3A_276] : memref<250x80xi32, #tpu.memory_space<vmem>> -> memref<1x80xi32, #tpu.memory_space<vmem>>
      %dma_start3A_278 = tpu.memref_squeeze %dma_start3A_277 : memref<1x80xi32, #tpu.memory_space<vmem>> -> memref<80xi32, #tpu.memory_space<vmem>>
      %dma_start3A_279 = arith.constant 0 : i32
      %dma_start3A_280 = arith.constant 0 : i32
      %dma_start3A_281 = tpu.memref_slice %arg2[%dma_start3A_279, %dma_start3A_280] : memref<10000x64xf32, #tpu.memory_space<hbm>> -> memref<10000x64xf32, #tpu.memory_space<hbm>>
      tpu.enqueue_indirect_dma source(%dma_start3A_281 : memref<10000x64xf32, #tpu.memory_space<hbm>>) target(%arg10 : memref<80x64xf32, #tpu.memory_space<vmem>>) offsets(%dma_start3A_278 : memref<80xi32, #tpu.memory_space<vmem>>) semaphore(%arg16 : memref<!tpu.dma_semaphore, #tpu.memory_space<semaphore_mem>>)
      %add3A_282 = arith.constant 2 : i32
      %add3A_283 = arith.addi %mul3A_165, %add3A_282 : i32
      %dma_wait3A_284 = arith.constant 0 : i32
      %dma_wait3A_285 = tpu.memref_slice %arg8[%add3A_283, %dma_wait3A_284] : memref<250x80xi32, #tpu.memory_space<vmem>> -> memref<1x80xi32, #tpu.memory_space<vmem>>
      %dma_wait3A_286 = tpu.memref_squeeze %dma_wait3A_285 : memref<1x80xi32, #tpu.memory_space<vmem>> -> memref<80xi32, #tpu.memory_space<vmem>>
      %dma_wait3A_287 = arith.constant 0 : i32
      %dma_wait3A_288 = arith.constant 0 : i32
      %dma_wait3A_289 = tpu.memref_slice %arg14[%dma_wait3A_287, %dma_wait3A_288] : memref<10000x64xf32, #tpu.memory_space<vmem_shared>> -> memref<10000x64xf32, #tpu.memory_space<vmem_shared>>
      tpu.wait_indirect_dma semaphore(%arg22 : memref<!tpu.dma_semaphore, #tpu.memory_space<semaphore_mem>>) src(%arg11 : memref<80x64xf32, #tpu.memory_space<vmem>>) dst(%dma_wait3A_289 : memref<10000x64xf32, #tpu.memory_space<vmem_shared>>)
      %add3A_290 = arith.constant 5 : i32
      %add3A_291 = arith.addi %mul3A_165, %add3A_290 : i32
      %add3A_292 = arith.constant 2 : i32
      %add3A_293 = arith.addi %add3A_291, %add3A_292 : i32
      %dma_start3A_294 = arith.constant 0 : i32
      %dma_start3A_295 = tpu.memref_slice %arg7[%add3A_293, %dma_start3A_294] : memref<250x80xi32, #tpu.memory_space<vmem>> -> memref<1x80xi32, #tpu.memory_space<vmem>>
      %dma_start3A_296 = tpu.memref_squeeze %dma_start3A_295 : memref<1x80xi32, #tpu.memory_space<vmem>> -> memref<80xi32, #tpu.memory_space<vmem>>
      %dma_start3A_297 = arith.constant 0 : i32
      %dma_start3A_298 = arith.constant 0 : i32
      %dma_start3A_299 = tpu.memref_slice %arg2[%dma_start3A_297, %dma_start3A_298] : memref<10000x64xf32, #tpu.memory_space<hbm>> -> memref<10000x64xf32, #tpu.memory_space<hbm>>
      tpu.enqueue_indirect_dma source(%dma_start3A_299 : memref<10000x64xf32, #tpu.memory_space<hbm>>) target(%arg11 : memref<80x64xf32, #tpu.memory_space<vmem>>) offsets(%dma_start3A_296 : memref<80xi32, #tpu.memory_space<vmem>>) semaphore(%arg17 : memref<!tpu.dma_semaphore, #tpu.memory_space<semaphore_mem>>)
      %add3A_300 = arith.constant 3 : i32
      %add3A_301 = arith.addi %mul3A_165, %add3A_300 : i32
      %dma_wait3A_302 = arith.constant 0 : i32
      %dma_wait3A_303 = tpu.memref_slice %arg8[%add3A_301, %dma_wait3A_302] : memref<250x80xi32, #tpu.memory_space<vmem>> -> memref<1x80xi32, #tpu.memory_space<vmem>>
      %dma_wait3A_304 = tpu.memref_squeeze %dma_wait3A_303 : memref<1x80xi32, #tpu.memory_space<vmem>> -> memref<80xi32, #tpu.memory_space<vmem>>
      %dma_wait3A_305 = arith.constant 0 : i32
      %dma_wait3A_306 = arith.constant 0 : i32
      %dma_wait3A_307 = tpu.memref_slice %arg14[%dma_wait3A_305, %dma_wait3A_306] : memref<10000x64xf32, #tpu.memory_space<vmem_shared>> -> memref<10000x64xf32, #tpu.memory_space<vmem_shared>>
      tpu.wait_indirect_dma semaphore(%arg23 : memref<!tpu.dma_semaphore, #tpu.memory_space<semaphore_mem>>) src(%arg12 : memref<80x64xf32, #tpu.memory_space<vmem>>) dst(%dma_wait3A_307 : memref<10000x64xf32, #tpu.memory_space<vmem_shared>>)
      %add3A_308 = arith.constant 5 : i32
      %add3A_309 = arith.addi %mul3A_165, %add3A_308 : i32
      %add3A_310 = arith.constant 3 : i32
      %add3A_311 = arith.addi %add3A_309, %add3A_310 : i32
      %dma_start3A_312 = arith.constant 0 : i32
      %dma_start3A_313 = tpu.memref_slice %arg7[%add3A_311, %dma_start3A_312] : memref<250x80xi32, #tpu.memory_space<vmem>> -> memref<1x80xi32, #tpu.memory_space<vmem>>
      %dma_start3A_314 = tpu.memref_squeeze %dma_start3A_313 : memref<1x80xi32, #tpu.memory_space<vmem>> -> memref<80xi32, #tpu.memory_space<vmem>>
      %dma_start3A_315 = arith.constant 0 : i32
      %dma_start3A_316 = arith.constant 0 : i32
      %dma_start3A_317 = tpu.memref_slice %arg2[%dma_start3A_315, %dma_start3A_316] : memref<10000x64xf32, #tpu.memory_space<hbm>> -> memref<10000x64xf32, #tpu.memory_space<hbm>>
      tpu.enqueue_indirect_dma source(%dma_start3A_317 : memref<10000x64xf32, #tpu.memory_space<hbm>>) target(%arg12 : memref<80x64xf32, #tpu.memory_space<vmem>>) offsets(%dma_start3A_314 : memref<80xi32, #tpu.memory_space<vmem>>) semaphore(%arg18 : memref<!tpu.dma_semaphore, #tpu.memory_space<semaphore_mem>>)
      %add3A_318 = arith.constant 4 : i32
      %add3A_319 = arith.addi %mul3A_165, %add3A_318 : i32
      %dma_wait3A_320 = arith.constant 0 : i32
      %dma_wait3A_321 = tpu.memref_slice %arg8[%add3A_319, %dma_wait3A_320] : memref<250x80xi32, #tpu.memory_space<vmem>> -> memref<1x80xi32, #tpu.memory_space<vmem>>
      %dma_wait3A_322 = tpu.memref_squeeze %dma_wait3A_321 : memref<1x80xi32, #tpu.memory_space<vmem>> -> memref<80xi32, #tpu.memory_space<vmem>>
      %dma_wait3A_323 = arith.constant 0 : i32
      %dma_wait3A_324 = arith.constant 0 : i32
      %dma_wait3A_325 = tpu.memref_slice %arg14[%dma_wait3A_323, %dma_wait3A_324] : memref<10000x64xf32, #tpu.memory_space<vmem_shared>> -> memref<10000x64xf32, #tpu.memory_space<vmem_shared>>
      tpu.wait_indirect_dma semaphore(%arg24 : memref<!tpu.dma_semaphore, #tpu.memory_space<semaphore_mem>>) src(%arg13 : memref<80x64xf32, #tpu.memory_space<vmem>>) dst(%dma_wait3A_325 : memref<10000x64xf32, #tpu.memory_space<vmem_shared>>)
      %add3A_326 = arith.constant 5 : i32
      %add3A_327 = arith.addi %mul3A_165, %add3A_326 : i32
      %add3A_328 = arith.constant 4 : i32
      %add3A_329 = arith.addi %add3A_327, %add3A_328 : i32
      %dma_start3A_330 = arith.constant 0 : i32
      %dma_start3A_331 = tpu.memref_slice %arg7[%add3A_329, %dma_start3A_330] : memref<250x80xi32, #tpu.memory_space<vmem>> -> memref<1x80xi32, #tpu.memory_space<vmem>>
      %dma_start3A_332 = tpu.memref_squeeze %dma_start3A_331 : memref<1x80xi32, #tpu.memory_space<vmem>> -> memref<80xi32, #tpu.memory_space<vmem>>
      %dma_start3A_333 = arith.constant 0 : i32
      %dma_start3A_334 = arith.constant 0 : i32
      %dma_start3A_335 = tpu.memref_slice %arg2[%dma_start3A_333, %dma_start3A_334] : memref<10000x64xf32, #tpu.memory_space<hbm>> -> memref<10000x64xf32, #tpu.memory_space<hbm>>
      tpu.enqueue_indirect_dma source(%dma_start3A_335 : memref<10000x64xf32, #tpu.memory_space<hbm>>) target(%arg13 : memref<80x64xf32, #tpu.memory_space<vmem>>) offsets(%dma_start3A_332 : memref<80xi32, #tpu.memory_space<vmem>>) semaphore(%arg19 : memref<!tpu.dma_semaphore, #tpu.memory_space<semaphore_mem>>)
      %scan3A_336 = arith.constant 0 : i32
      scf.yield %scan3A_336 : i32
    }
    %scan3A_46 = arith.constant 49 : i32
    %dma_wait3A = arith.constant 245 : i32
    %dma_wait3A_47 = arith.constant 0 : i32
    %dma_wait3A_48 = tpu.memref_slice %arg7[%dma_wait3A, %dma_wait3A_47] : memref<250x80xi32, #tpu.memory_space<vmem>> -> memref<1x80xi32, #tpu.memory_space<vmem>>
    %dma_wait3A_49 = tpu.memref_squeeze %dma_wait3A_48 : memref<1x80xi32, #tpu.memory_space<vmem>> -> memref<80xi32, #tpu.memory_space<vmem>>
    %dma_wait3A_50 = arith.constant 0 : i32
    %dma_wait3A_51 = arith.constant 0 : i32
    %dma_wait3A_52 = tpu.memref_slice %arg2[%dma_wait3A_50, %dma_wait3A_51] : memref<10000x64xf32, #tpu.memory_space<hbm>> -> memref<10000x64xf32, #tpu.memory_space<hbm>>
    tpu.wait_indirect_dma semaphore(%arg15 : memref<!tpu.dma_semaphore, #tpu.memory_space<semaphore_mem>>) src(%dma_wait3A_52 : memref<10000x64xf32, #tpu.memory_space<hbm>>) dst(%arg9 : memref<80x64xf32, #tpu.memory_space<vmem>>)
    %dma_start3A_53 = arith.constant 245 : i32
    %dma_start3A_54 = arith.constant 0 : i32
    %dma_start3A_55 = tpu.memref_slice %arg8[%dma_start3A_53, %dma_start3A_54] : memref<250x80xi32, #tpu.memory_space<vmem>> -> memref<1x80xi32, #tpu.memory_space<vmem>>
    %dma_start3A_56 = tpu.memref_squeeze %dma_start3A_55 : memref<1x80xi32, #tpu.memory_space<vmem>> -> memref<80xi32, #tpu.memory_space<vmem>>
    %dma_start3A_57 = arith.constant 0 : i32
    %dma_start3A_58 = arith.constant 0 : i32
    %dma_start3A_59 = tpu.memref_slice %arg14[%dma_start3A_57, %dma_start3A_58] : memref<10000x64xf32, #tpu.memory_space<vmem_shared>> -> memref<10000x64xf32, #tpu.memory_space<vmem_shared>>
    tpu.enqueue_indirect_dma source(%arg9 : memref<80x64xf32, #tpu.memory_space<vmem>>) target(%dma_start3A_59 : memref<10000x64xf32, #tpu.memory_space<vmem_shared>>) offsets(%dma_start3A_56 : memref<80xi32, #tpu.memory_space<vmem>>) semaphore(%arg20 : memref<!tpu.dma_semaphore, #tpu.memory_space<semaphore_mem>>) {add = true}
    %dma_wait3A_60 = arith.constant 246 : i32
    %dma_wait3A_61 = arith.constant 0 : i32
    %dma_wait3A_62 = tpu.memref_slice %arg7[%dma_wait3A_60, %dma_wait3A_61] : memref<250x80xi32, #tpu.memory_space<vmem>> -> memref<1x80xi32, #tpu.memory_space<vmem>>
    %dma_wait3A_63 = tpu.memref_squeeze %dma_wait3A_62 : memref<1x80xi32, #tpu.memory_space<vmem>> -> memref<80xi32, #tpu.memory_space<vmem>>
    %dma_wait3A_64 = arith.constant 0 : i32
    %dma_wait3A_65 = arith.constant 0 : i32
    %dma_wait3A_66 = tpu.memref_slice %arg2[%dma_wait3A_64, %dma_wait3A_65] : memref<10000x64xf32, #tpu.memory_space<hbm>> -> memref<10000x64xf32, #tpu.memory_space<hbm>>
    tpu.wait_indirect_dma semaphore(%arg16 : memref<!tpu.dma_semaphore, #tpu.memory_space<semaphore_mem>>) src(%dma_wait3A_66 : memref<10000x64xf32, #tpu.memory_space<hbm>>) dst(%arg10 : memref<80x64xf32, #tpu.memory_space<vmem>>)
    %dma_start3A_67 = arith.constant 246 : i32
    %dma_start3A_68 = arith.constant 0 : i32
    %dma_start3A_69 = tpu.memref_slice %arg8[%dma_start3A_67, %dma_start3A_68] : memref<250x80xi32, #tpu.memory_space<vmem>> -> memref<1x80xi32, #tpu.memory_space<vmem>>
    %dma_start3A_70 = tpu.memref_squeeze %dma_start3A_69 : memref<1x80xi32, #tpu.memory_space<vmem>> -> memref<80xi32, #tpu.memory_space<vmem>>
    %dma_start3A_71 = arith.constant 0 : i32
    %dma_start3A_72 = arith.constant 0 : i32
    %dma_start3A_73 = tpu.memref_slice %arg14[%dma_start3A_71, %dma_start3A_72] : memref<10000x64xf32, #tpu.memory_space<vmem_shared>> -> memref<10000x64xf32, #tpu.memory_space<vmem_shared>>
    tpu.enqueue_indirect_dma source(%arg10 : memref<80x64xf32, #tpu.memory_space<vmem>>) target(%dma_start3A_73 : memref<10000x64xf32, #tpu.memory_space<vmem_shared>>) offsets(%dma_start3A_70 : memref<80xi32, #tpu.memory_space<vmem>>) semaphore(%arg21 : memref<!tpu.dma_semaphore, #tpu.memory_space<semaphore_mem>>) {add = true}
    %dma_wait3A_74 = arith.constant 247 : i32
    %dma_wait3A_75 = arith.constant 0 : i32
    %dma_wait3A_76 = tpu.memref_slice %arg7[%dma_wait3A_74, %dma_wait3A_75] : memref<250x80xi32, #tpu.memory_space<vmem>> -> memref<1x80xi32, #tpu.memory_space<vmem>>
    %dma_wait3A_77 = tpu.memref_squeeze %dma_wait3A_76 : memref<1x80xi32, #tpu.memory_space<vmem>> -> memref<80xi32, #tpu.memory_space<vmem>>
    %dma_wait3A_78 = arith.constant 0 : i32
    %dma_wait3A_79 = arith.constant 0 : i32
    %dma_wait3A_80 = tpu.memref_slice %arg2[%dma_wait3A_78, %dma_wait3A_79] : memref<10000x64xf32, #tpu.memory_space<hbm>> -> memref<10000x64xf32, #tpu.memory_space<hbm>>
    tpu.wait_indirect_dma semaphore(%arg17 : memref<!tpu.dma_semaphore, #tpu.memory_space<semaphore_mem>>) src(%dma_wait3A_80 : memref<10000x64xf32, #tpu.memory_space<hbm>>) dst(%arg11 : memref<80x64xf32, #tpu.memory_space<vmem>>)
    %dma_start3A_81 = arith.constant 247 : i32
    %dma_start3A_82 = arith.constant 0 : i32
    %dma_start3A_83 = tpu.memref_slice %arg8[%dma_start3A_81, %dma_start3A_82] : memref<250x80xi32, #tpu.memory_space<vmem>> -> memref<1x80xi32, #tpu.memory_space<vmem>>
    %dma_start3A_84 = tpu.memref_squeeze %dma_start3A_83 : memref<1x80xi32, #tpu.memory_space<vmem>> -> memref<80xi32, #tpu.memory_space<vmem>>
    %dma_start3A_85 = arith.constant 0 : i32
    %dma_start3A_86 = arith.constant 0 : i32
    %dma_start3A_87 = tpu.memref_slice %arg14[%dma_start3A_85, %dma_start3A_86] : memref<10000x64xf32, #tpu.memory_space<vmem_shared>> -> memref<10000x64xf32, #tpu.memory_space<vmem_shared>>
    tpu.enqueue_indirect_dma source(%arg11 : memref<80x64xf32, #tpu.memory_space<vmem>>) target(%dma_start3A_87 : memref<10000x64xf32, #tpu.memory_space<vmem_shared>>) offsets(%dma_start3A_84 : memref<80xi32, #tpu.memory_space<vmem>>) semaphore(%arg22 : memref<!tpu.dma_semaphore, #tpu.memory_space<semaphore_mem>>) {add = true}
    %dma_wait3A_88 = arith.constant 248 : i32
    %dma_wait3A_89 = arith.constant 0 : i32
    %dma_wait3A_90 = tpu.memref_slice %arg7[%dma_wait3A_88, %dma_wait3A_89] : memref<250x80xi32, #tpu.memory_space<vmem>> -> memref<1x80xi32, #tpu.memory_space<vmem>>
    %dma_wait3A_91 = tpu.memref_squeeze %dma_wait3A_90 : memref<1x80xi32, #tpu.memory_space<vmem>> -> memref<80xi32, #tpu.memory_space<vmem>>
    %dma_wait3A_92 = arith.constant 0 : i32
    %dma_wait3A_93 = arith.constant 0 : i32
    %dma_wait3A_94 = tpu.memref_slice %arg2[%dma_wait3A_92, %dma_wait3A_93] : memref<10000x64xf32, #tpu.memory_space<hbm>> -> memref<10000x64xf32, #tpu.memory_space<hbm>>
    tpu.wait_indirect_dma semaphore(%arg18 : memref<!tpu.dma_semaphore, #tpu.memory_space<semaphore_mem>>) src(%dma_wait3A_94 : memref<10000x64xf32, #tpu.memory_space<hbm>>) dst(%arg12 : memref<80x64xf32, #tpu.memory_space<vmem>>)
    %dma_start3A_95 = arith.constant 248 : i32
    %dma_start3A_96 = arith.constant 0 : i32
    %dma_start3A_97 = tpu.memref_slice %arg8[%dma_start3A_95, %dma_start3A_96] : memref<250x80xi32, #tpu.memory_space<vmem>> -> memref<1x80xi32, #tpu.memory_space<vmem>>
    %dma_start3A_98 = tpu.memref_squeeze %dma_start3A_97 : memref<1x80xi32, #tpu.memory_space<vmem>> -> memref<80xi32, #tpu.memory_space<vmem>>
    %dma_start3A_99 = arith.constant 0 : i32
    %dma_start3A_100 = arith.constant 0 : i32
    %dma_start3A_101 = tpu.memref_slice %arg14[%dma_start3A_99, %dma_start3A_100] : memref<10000x64xf32, #tpu.memory_space<vmem_shared>> -> memref<10000x64xf32, #tpu.memory_space<vmem_shared>>
    tpu.enqueue_indirect_dma source(%arg12 : memref<80x64xf32, #tpu.memory_space<vmem>>) target(%dma_start3A_101 : memref<10000x64xf32, #tpu.memory_space<vmem_shared>>) offsets(%dma_start3A_98 : memref<80xi32, #tpu.memory_space<vmem>>) semaphore(%arg23 : memref<!tpu.dma_semaphore, #tpu.memory_space<semaphore_mem>>) {add = true}
    %dma_wait3A_102 = arith.constant 249 : i32
    %dma_wait3A_103 = arith.constant 0 : i32
    %dma_wait3A_104 = tpu.memref_slice %arg7[%dma_wait3A_102, %dma_wait3A_103] : memref<250x80xi32, #tpu.memory_space<vmem>> -> memref<1x80xi32, #tpu.memory_space<vmem>>
    %dma_wait3A_105 = tpu.memref_squeeze %dma_wait3A_104 : memref<1x80xi32, #tpu.memory_space<vmem>> -> memref<80xi32, #tpu.memory_space<vmem>>
    %dma_wait3A_106 = arith.constant 0 : i32
    %dma_wait3A_107 = arith.constant 0 : i32
    %dma_wait3A_108 = tpu.memref_slice %arg2[%dma_wait3A_106, %dma_wait3A_107] : memref<10000x64xf32, #tpu.memory_space<hbm>> -> memref<10000x64xf32, #tpu.memory_space<hbm>>
    tpu.wait_indirect_dma semaphore(%arg19 : memref<!tpu.dma_semaphore, #tpu.memory_space<semaphore_mem>>) src(%dma_wait3A_108 : memref<10000x64xf32, #tpu.memory_space<hbm>>) dst(%arg13 : memref<80x64xf32, #tpu.memory_space<vmem>>)
    %dma_start3A_109 = arith.constant 249 : i32
    %dma_start3A_110 = arith.constant 0 : i32
    %dma_start3A_111 = tpu.memref_slice %arg8[%dma_start3A_109, %dma_start3A_110] : memref<250x80xi32, #tpu.memory_space<vmem>> -> memref<1x80xi32, #tpu.memory_space<vmem>>
    %dma_start3A_112 = tpu.memref_squeeze %dma_start3A_111 : memref<1x80xi32, #tpu.memory_space<vmem>> -> memref<80xi32, #tpu.memory_space<vmem>>
    %dma_start3A_113 = arith.constant 0 : i32
    %dma_start3A_114 = arith.constant 0 : i32
    %dma_start3A_115 = tpu.memref_slice %arg14[%dma_start3A_113, %dma_start3A_114] : memref<10000x64xf32, #tpu.memory_space<vmem_shared>> -> memref<10000x64xf32, #tpu.memory_space<vmem_shared>>
    tpu.enqueue_indirect_dma source(%arg13 : memref<80x64xf32, #tpu.memory_space<vmem>>) target(%dma_start3A_115 : memref<10000x64xf32, #tpu.memory_space<vmem_shared>>) offsets(%dma_start3A_112 : memref<80xi32, #tpu.memory_space<vmem>>) semaphore(%arg24 : memref<!tpu.dma_semaphore, #tpu.memory_space<semaphore_mem>>) {add = true}
    %dma_wait3A_116 = arith.constant 245 : i32
    %dma_wait3A_117 = arith.constant 0 : i32
    %dma_wait3A_118 = tpu.memref_slice %arg8[%dma_wait3A_116, %dma_wait3A_117] : memref<250x80xi32, #tpu.memory_space<vmem>> -> memref<1x80xi32, #tpu.memory_space<vmem>>
    %dma_wait3A_119 = tpu.memref_squeeze %dma_wait3A_118 : memref<1x80xi32, #tpu.memory_space<vmem>> -> memref<80xi32, #tpu.memory_space<vmem>>
    %dma_wait3A_120 = arith.constant 0 : i32
    %dma_wait3A_121 = arith.constant 0 : i32
    %dma_wait3A_122 = tpu.memref_slice %arg14[%dma_wait3A_120, %dma_wait3A_121] : memref<10000x64xf32, #tpu.memory_space<vmem_shared>> -> memref<10000x64xf32, #tpu.memory_space<vmem_shared>>
    tpu.wait_indirect_dma semaphore(%arg20 : memref<!tpu.dma_semaphore, #tpu.memory_space<semaphore_mem>>) src(%arg9 : memref<80x64xf32, #tpu.memory_space<vmem>>) dst(%dma_wait3A_122 : memref<10000x64xf32, #tpu.memory_space<vmem_shared>>)
    %dma_wait3A_123 = arith.constant 246 : i32
    %dma_wait3A_124 = arith.constant 0 : i32
    %dma_wait3A_125 = tpu.memref_slice %arg8[%dma_wait3A_123, %dma_wait3A_124] : memref<250x80xi32, #tpu.memory_space<vmem>> -> memref<1x80xi32, #tpu.memory_space<vmem>>
    %dma_wait3A_126 = tpu.memref_squeeze %dma_wait3A_125 : memref<1x80xi32, #tpu.memory_space<vmem>> -> memref<80xi32, #tpu.memory_space<vmem>>
    %dma_wait3A_127 = arith.constant 0 : i32
    %dma_wait3A_128 = arith.constant 0 : i32
    %dma_wait3A_129 = tpu.memref_slice %arg14[%dma_wait3A_127, %dma_wait3A_128] : memref<10000x64xf32, #tpu.memory_space<vmem_shared>> -> memref<10000x64xf32, #tpu.memory_space<vmem_shared>>
    tpu.wait_indirect_dma semaphore(%arg21 : memref<!tpu.dma_semaphore, #tpu.memory_space<semaphore_mem>>) src(%arg10 : memref<80x64xf32, #tpu.memory_space<vmem>>) dst(%dma_wait3A_129 : memref<10000x64xf32, #tpu.memory_space<vmem_shared>>)
    %dma_wait3A_130 = arith.constant 247 : i32
    %dma_wait3A_131 = arith.constant 0 : i32
    %dma_wait3A_132 = tpu.memref_slice %arg8[%dma_wait3A_130, %dma_wait3A_131] : memref<250x80xi32, #tpu.memory_space<vmem>> -> memref<1x80xi32, #tpu.memory_space<vmem>>
    %dma_wait3A_133 = tpu.memref_squeeze %dma_wait3A_132 : memref<1x80xi32, #tpu.memory_space<vmem>> -> memref<80xi32, #tpu.memory_space<vmem>>
    %dma_wait3A_134 = arith.constant 0 : i32
    %dma_wait3A_135 = arith.constant 0 : i32
    %dma_wait3A_136 = tpu.memref_slice %arg14[%dma_wait3A_134, %dma_wait3A_135] : memref<10000x64xf32, #tpu.memory_space<vmem_shared>> -> memref<10000x64xf32, #tpu.memory_space<vmem_shared>>
    tpu.wait_indirect_dma semaphore(%arg22 : memref<!tpu.dma_semaphore, #tpu.memory_space<semaphore_mem>>) src(%arg11 : memref<80x64xf32, #tpu.memory_space<vmem>>) dst(%dma_wait3A_136 : memref<10000x64xf32, #tpu.memory_space<vmem_shared>>)
    %dma_wait3A_137 = arith.constant 248 : i32
    %dma_wait3A_138 = arith.constant 0 : i32
    %dma_wait3A_139 = tpu.memref_slice %arg8[%dma_wait3A_137, %dma_wait3A_138] : memref<250x80xi32, #tpu.memory_space<vmem>> -> memref<1x80xi32, #tpu.memory_space<vmem>>
    %dma_wait3A_140 = tpu.memref_squeeze %dma_wait3A_139 : memref<1x80xi32, #tpu.memory_space<vmem>> -> memref<80xi32, #tpu.memory_space<vmem>>
    %dma_wait3A_141 = arith.constant 0 : i32
    %dma_wait3A_142 = arith.constant 0 : i32
    %dma_wait3A_143 = tpu.memref_slice %arg14[%dma_wait3A_141, %dma_wait3A_142] : memref<10000x64xf32, #tpu.memory_space<vmem_shared>> -> memref<10000x64xf32, #tpu.memory_space<vmem_shared>>
    tpu.wait_indirect_dma semaphore(%arg23 : memref<!tpu.dma_semaphore, #tpu.memory_space<semaphore_mem>>) src(%arg12 : memref<80x64xf32, #tpu.memory_space<vmem>>) dst(%dma_wait3A_143 : memref<10000x64xf32, #tpu.memory_space<vmem_shared>>)
    %dma_wait3A_144 = arith.constant 249 : i32
    %dma_wait3A_145 = arith.constant 0 : i32
    %dma_wait3A_146 = tpu.memref_slice %arg8[%dma_wait3A_144, %dma_wait3A_145] : memref<250x80xi32, #tpu.memory_space<vmem>> -> memref<1x80xi32, #tpu.memory_space<vmem>>
    %dma_wait3A_147 = tpu.memref_squeeze %dma_wait3A_146 : memref<1x80xi32, #tpu.memory_space<vmem>> -> memref<80xi32, #tpu.memory_space<vmem>>
    %dma_wait3A_148 = arith.constant 0 : i32
    %dma_wait3A_149 = arith.constant 0 : i32
    %dma_wait3A_150 = tpu.memref_slice %arg14[%dma_wait3A_148, %dma_wait3A_149] : memref<10000x64xf32, #tpu.memory_space<vmem_shared>> -> memref<10000x64xf32, #tpu.memory_space<vmem_shared>>
    tpu.wait_indirect_dma semaphore(%arg24 : memref<!tpu.dma_semaphore, #tpu.memory_space<semaphore_mem>>) src(%arg13 : memref<80x64xf32, #tpu.memory_space<vmem>>) dst(%dma_wait3A_150 : memref<10000x64xf32, #tpu.memory_space<vmem_shared>>)
    %barrier3A_151 = arith.constant 0 : index
    tpu.barrier barrier_id(%barrier3A_151)
    %lt3A_152 = arith.constant 15 : i32
    %lt3A_153 = arith.cmpi slt, %arg1, %lt3A_152 : i32
    %convert_element_type3A_154 = arith.extui %lt3A_153 : i1 to i32
    %cond3A_155 = arith.constant 0 : i32
    %cond3A_156 = arith.cmpi ne, %convert_element_type3A_154, %cond3A_155 : i32
    scf.if %cond3A_156 {
      %mul3A_162 = arith.constant 640 : i32
      %mul3A_163 = arith.muli %arg1, %mul3A_162 : i32
      %mul3A_164 = arith.constant 640 : i32
      %mul3A_165 = arith.muli %arg1, %mul3A_164 : i32
      "tpu.region"() ({
        %run_scoped3A = tpu.sem_alloc : memref<!tpu.dma_semaphore, #tpu.memory_space<semaphore_mem>>
        %dma_start3A_166 = arith.constant 0 : i32
        %dma_start3A_167 = arith.constant 0 : i32
        %dma_start3A_168 = tpu.memref_slice %arg6[%arg0, %dma_start3A_166, %dma_start3A_167] : memref<1x10000x64xf32, #tpu.memory_space<hbm>> -> memref<1x10000x64xf32, #tpu.memory_space<hbm>>
        %dma_start3A_169 = tpu.memref_squeeze %dma_start3A_168 : memref<1x10000x64xf32, #tpu.memory_space<hbm>> -> memref<10000x64xf32, #tpu.memory_space<hbm>>
        %dma_start3A_170 = arith.constant 0 : i32
        %dma_start3A_171 = tpu.memref_slice %dma_start3A_169[%mul3A_165, %dma_start3A_170] : memref<10000x64xf32, #tpu.memory_space<hbm>> -> memref<640x64xf32, #tpu.memory_space<hbm>>
        %dma_start3A_172 = arith.constant 0 : i32
        %dma_start3A_173 = tpu.memref_slice %arg14[%mul3A_163, %dma_start3A_172] : memref<10000x64xf32, #tpu.memory_space<vmem_shared>> -> memref<640x64xf32, #tpu.memory_space<vmem_shared>>
        tpu.enqueue_dma source(%dma_start3A_173 : memref<640x64xf32, #tpu.memory_space<vmem_shared>>) target(%dma_start3A_171 : memref<640x64xf32, #tpu.memory_space<hbm>>) target_semaphore(%run_scoped3A : memref<!tpu.dma_semaphore, #tpu.memory_space<semaphore_mem>>)
        %dma_wait3A_174 = arith.constant 0 : i32
        %dma_wait3A_175 = arith.constant 0 : i32
        %dma_wait3A_176 = tpu.memref_slice %arg6[%arg0, %dma_wait3A_174, %dma_wait3A_175] : memref<1x10000x64xf32, #tpu.memory_space<hbm>> -> memref<1x10000x64xf32, #tpu.memory_space<hbm>>
        %dma_wait3A_177 = tpu.memref_squeeze %dma_wait3A_176 : memref<1x10000x64xf32, #tpu.memory_space<hbm>> -> memref<10000x64xf32, #tpu.memory_space<hbm>>
        %dma_wait3A_178 = arith.constant 0 : i32
        %dma_wait3A_179 = tpu.memref_slice %dma_wait3A_177[%mul3A_165, %dma_wait3A_178] : memref<10000x64xf32, #tpu.memory_space<hbm>> -> memref<640x64xf32, #tpu.memory_space<hbm>>
        %dma_wait3A_180 = arith.constant 0 : i32
        %dma_wait3A_181 = tpu.memref_slice %arg14[%mul3A_163, %dma_wait3A_180] : memref<10000x64xf32, #tpu.memory_space<vmem_shared>> -> memref<640x64xf32, #tpu.memory_space<vmem_shared>>
        tpu.wait_dma2 semaphore(%run_scoped3A : memref<!tpu.dma_semaphore, #tpu.memory_space<semaphore_mem>>) src(%dma_wait3A_181 : memref<640x64xf32, #tpu.memory_space<vmem_shared>>) dst(%dma_wait3A_179 : memref<640x64xf32, #tpu.memory_space<hbm>>)
        tpu.yield
      }) : () -> ()
    } else {
    }
    %eq3A_157 = arith.constant 15 : i32
    %eq3A_158 = arith.cmpi eq, %arg1, %eq3A_157 : i32
    %convert_element_type3A_159 = arith.extui %eq3A_158 : i1 to i32
    %cond3A_160 = arith.constant 0 : i32
    %cond3A_161 = arith.cmpi ne, %convert_element_type3A_159, %cond3A_160 : i32
    scf.if %cond3A_161 {
      "tpu.region"() ({
        %run_scoped3A = tpu.sem_alloc : memref<!tpu.dma_semaphore, #tpu.memory_space<semaphore_mem>>
        %dma_start3A_162 = arith.constant 0 : i32
        %dma_start3A_163 = arith.constant 0 : i32
        %dma_start3A_164 = tpu.memref_slice %arg6[%arg0, %dma_start3A_162, %dma_start3A_163] : memref<1x10000x64xf32, #tpu.memory_space<hbm>> -> memref<1x10000x64xf32, #tpu.memory_space<hbm>>
        %dma_start3A_165 = tpu.memref_squeeze %dma_start3A_164 : memref<1x10000x64xf32, #tpu.memory_space<hbm>> -> memref<10000x64xf32, #tpu.memory_space<hbm>>
        %dma_start3A_166 = arith.constant 9600 : i32
        %dma_start3A_167 = arith.constant 0 : i32
        %dma_start3A_168 = tpu.memref_slice %dma_start3A_165[%dma_start3A_166, %dma_start3A_167] : memref<10000x64xf32, #tpu.memory_space<hbm>> -> memref<400x64xf32, #tpu.memory_space<hbm>>
        %dma_start3A_169 = arith.constant 9600 : i32
        %dma_start3A_170 = arith.constant 0 : i32
        %dma_start3A_171 = tpu.memref_slice %arg14[%dma_start3A_169, %dma_start3A_170] : memref<10000x64xf32, #tpu.memory_space<vmem_shared>> -> memref<400x64xf32, #tpu.memory_space<vmem_shared>>
        tpu.enqueue_dma source(%dma_start3A_171 : memref<400x64xf32, #tpu.memory_space<vmem_shared>>) target(%dma_start3A_168 : memref<400x64xf32, #tpu.memory_space<hbm>>) target_semaphore(%run_scoped3A : memref<!tpu.dma_semaphore, #tpu.memory_space<semaphore_mem>>)
        %dma_wait3A_172 = arith.constant 0 : i32
        %dma_wait3A_173 = arith.constant 0 : i32
        %dma_wait3A_174 = tpu.memref_slice %arg6[%arg0, %dma_wait3A_172, %dma_wait3A_173] : memref<1x10000x64xf32, #tpu.memory_space<hbm>> -> memref<1x10000x64xf32, #tpu.memory_space<hbm>>
        %dma_wait3A_175 = tpu.memref_squeeze %dma_wait3A_174 : memref<1x10000x64xf32, #tpu.memory_space<hbm>> -> memref<10000x64xf32, #tpu.memory_space<hbm>>
        %dma_wait3A_176 = arith.constant 9600 : i32
        %dma_wait3A_177 = arith.constant 0 : i32
        %dma_wait3A_178 = tpu.memref_slice %dma_wait3A_175[%dma_wait3A_176, %dma_wait3A_177] : memref<10000x64xf32, #tpu.memory_space<hbm>> -> memref<400x64xf32, #tpu.memory_space<hbm>>
        %dma_wait3A_179 = arith.constant 9600 : i32
        %dma_wait3A_180 = arith.constant 0 : i32
        %dma_wait3A_181 = tpu.memref_slice %arg14[%dma_wait3A_179, %dma_wait3A_180] : memref<10000x64xf32, #tpu.memory_space<vmem_shared>> -> memref<400x64xf32, #tpu.memory_space<vmem_shared>>
        tpu.wait_dma2 semaphore(%run_scoped3A : memref<!tpu.dma_semaphore, #tpu.memory_space<semaphore_mem>>) src(%dma_wait3A_181 : memref<400x64xf32, #tpu.memory_space<vmem_shared>>) dst(%dma_wait3A_178 : memref<400x64xf32, #tpu.memory_space<hbm>>)
        tpu.yield
      }) : () -> ()
    } else {
    }
    return
  }
}

module attributes {stable_mosaic.version = 14 : i64} {
  func.func @_tca1_body(%arg0: memref<10000x128xf32, #tpu.memory_space<vmem>>, %arg1: memref<128x64xf32, #tpu.memory_space<vmem>>, %arg2: memref<1x64xf32, #tpu.memory_space<vmem>>, %arg3: memref<64x64xf32, #tpu.memory_space<vmem>>, %arg4: memref<10000x64xf32, #tpu.memory_space<vmem>>) attributes {dimension_semantics = [], scalar_prefetch = 0 : i64, scratch_operands = 0 : i64, tpu.core_type = #tpu.core_type<tc>} {
    %get3A = arith.constant 0 : index
    %get3A_0 = arith.constant 0 : index
    %get3A_1 = vector.load %arg0[%get3A, %get3A_0] : memref<10000x128xf32, #tpu.memory_space<vmem>>, vector<10000x128xf32>
    %get3A_2 = arith.constant 0 : index
    %get3A_3 = arith.constant 0 : index
    %get3A_4 = vector.load %arg1[%get3A_2, %get3A_3] : memref<128x64xf32, #tpu.memory_space<vmem>>, vector<128x64xf32>
    %dot_general3A = arith.constant dense<0.000000e+00> : vector<10000x64xf32>
    %dot_general3A_5 = tpu.matmul %get3A_1, %get3A_4, %dot_general3A {dimension_numbers = #tpu.dot_dimension_numbers<[1], [0], [0], [1], [0, 0, 1, 1], [], []>, transpose_lhs_hint = false} : vector<10000x128xf32>, vector<128x64xf32>, vector<10000x64xf32> -> vector<10000x64xf32>
    %get3A_6 = arith.constant 0 : index
    %get3A_7 = arith.constant 0 : index
    %get3A_8 = vector.load %arg2[%get3A_6, %get3A_7] : memref<1x64xf32, #tpu.memory_space<vmem>>, vector<1x64xf32>
    %add3A = vector.broadcast %get3A_8 : vector<1x64xf32> to vector<10000x64xf32>
    %add3A_9 = arith.addf %dot_general3A_5, %add3A : vector<10000x64xf32>
    %get3A_10 = arith.constant 0 : index
    %get3A_11 = arith.constant 0 : index
    %get3A_12 = vector.load %arg3[%get3A_10, %get3A_11] : memref<64x64xf32, #tpu.memory_space<vmem>>, vector<64x64xf32>
    %dot_general3A_13 = arith.constant dense<0.000000e+00> : vector<10000x64xf32>
    %dot_general3A_14 = tpu.matmul %add3A_9, %get3A_12, %dot_general3A_13 {dimension_numbers = #tpu.dot_dimension_numbers<[1], [0], [0], [1], [0, 0, 1, 1], [], []>, transpose_lhs_hint = false} : vector<10000x64xf32>, vector<64x64xf32>, vector<10000x64xf32> -> vector<10000x64xf32>
    %swap3A = arith.constant 0 : index
    %swap3A_15 = arith.constant 0 : index
    %swap3A_16 = vector.load %arg4[%swap3A, %swap3A_15] : memref<10000x64xf32, #tpu.memory_space<vmem>>, vector<10000x64xf32>
    tpu.vector_store %arg4[%swap3A, %swap3A_15], %dot_general3A_14 {strides = array<i32>} : memref<10000x64xf32, #tpu.memory_space<vmem>>, vector<10000x64xf32>,
    return
  }
}

module attributes {stable_mosaic.version = 14 : i64} {
  func.func @_tca2_body(%arg0: memref<10000x64xf32, #tpu.memory_space<vmem>>, %arg1: memref<10000x1xf32, #tpu.memory_space<vmem>>, %arg2: memref<10000x64xf32, #tpu.memory_space<vmem>>) attributes {dimension_semantics = [], scalar_prefetch = 0 : i64, scratch_operands = 0 : i64, tpu.core_type = #tpu.core_type<tc>} {
    %get3A = arith.constant 0 : index
    %get3A_0 = arith.constant 0 : index
    %get3A_1 = vector.load %arg0[%get3A, %get3A_0] : memref<10000x64xf32, #tpu.memory_space<vmem>>, vector<10000x64xf32>
    %get3A_2 = arith.constant 0 : index
    %get3A_3 = arith.constant 0 : index
    %get3A_4 = vector.load %arg1[%get3A_2, %get3A_3] : memref<10000x1xf32, #tpu.memory_space<vmem>>, vector<10000x1xf32>
    %add3A = arith.constant 1.000000e+00 : f32
    %add3A_5 = vector.broadcast %add3A : f32 to vector<10000x1xf32>
    %add3A_6 = arith.addf %get3A_4, %add3A_5 : vector<10000x1xf32>
    %rsqrt3A = math.rsqrt %add3A_6 : vector<10000x1xf32>
    %mul3A = vector.broadcast %rsqrt3A : vector<10000x1xf32> to vector<10000x64xf32>
    %mul3A_7 = arith.mulf %get3A_1, %mul3A : vector<10000x64xf32>
    %swap3A = arith.constant 0 : index
    %swap3A_8 = arith.constant 0 : index
    %swap3A_9 = vector.load %arg2[%swap3A, %swap3A_8] : memref<10000x64xf32, #tpu.memory_space<vmem>>, vector<10000x64xf32>
    tpu.vector_store %arg2[%swap3A, %swap3A_8], %mul3A_7 {strides = array<i32>} : memref<10000x64xf32, #tpu.memory_space<vmem>>, vector<10000x64xf32>,
    return
  }
}

module attributes {stable_mosaic.version = 14 : i64} {
  func.func @_tcb_body(%arg0: memref<10000x64xf32, #tpu.memory_space<vmem>>, %arg1: memref<10000x64xf32, #tpu.memory_space<vmem>>, %arg2: memref<10000x1xf32, #tpu.memory_space<vmem>>, %arg3: memref<1x64xf32, #tpu.memory_space<vmem>>, %arg4: memref<64x64xf32, #tpu.memory_space<vmem>>, %arg5: memref<10000x64xf32, #tpu.memory_space<vmem>>) attributes {dimension_semantics = [], scalar_prefetch = 0 : i64, scratch_operands = 0 : i64, tpu.core_type = #tpu.core_type<tc>} {
    %get3A = arith.constant 0 : index
    %get3A_0 = arith.constant 0 : index
    %get3A_1 = vector.load %arg2[%get3A, %get3A_0] : memref<10000x1xf32, #tpu.memory_space<vmem>>, vector<10000x1xf32>
    %add3A = arith.constant 1.000000e+00 : f32
    %add3A_2 = vector.broadcast %add3A : f32 to vector<10000x1xf32>
    %add3A_3 = arith.addf %get3A_1, %add3A_2 : vector<10000x1xf32>
    %rsqrt3A = math.rsqrt %add3A_3 : vector<10000x1xf32>
    %get3A_4 = arith.constant 0 : index
    %get3A_5 = arith.constant 0 : index
    %get3A_6 = vector.load %arg0[%get3A_4, %get3A_5] : memref<10000x64xf32, #tpu.memory_space<vmem>>, vector<10000x64xf32>
    %get3A_7 = arith.constant 0 : index
    %get3A_8 = arith.constant 0 : index
    %get3A_9 = vector.load %arg1[%get3A_7, %get3A_8] : memref<10000x64xf32, #tpu.memory_space<vmem>>, vector<10000x64xf32>
    %add3A_10 = arith.addf %get3A_6, %get3A_9 : vector<10000x64xf32>
    %mul3A = vector.broadcast %rsqrt3A : vector<10000x1xf32> to vector<10000x64xf32>
    %mul3A_11 = arith.mulf %add3A_10, %mul3A : vector<10000x64xf32>
    %get3A_12 = arith.constant 0 : index
    %get3A_13 = arith.constant 0 : index
    %get3A_14 = vector.load %arg3[%get3A_12, %get3A_13] : memref<1x64xf32, #tpu.memory_space<vmem>>, vector<1x64xf32>
    %add3A_15 = vector.broadcast %get3A_14 : vector<1x64xf32> to vector<10000x64xf32>
    %add3A_16 = arith.addf %mul3A_11, %add3A_15 : vector<10000x64xf32>
    %max3A = arith.constant 0.000000e+00 : f32
    %max3A_17 = vector.broadcast %max3A : f32 to vector<10000x64xf32>
    %max3A_18 = arith.maximumf %add3A_16, %max3A_17 : vector<10000x64xf32>
    %get3A_19 = arith.constant 0 : index
    %get3A_20 = arith.constant 0 : index
    %get3A_21 = vector.load %arg4[%get3A_19, %get3A_20] : memref<64x64xf32, #tpu.memory_space<vmem>>, vector<64x64xf32>
    %dot_general3A = arith.constant dense<0.000000e+00> : vector<10000x64xf32>
    %dot_general3A_22 = tpu.matmul %max3A_18, %get3A_21, %dot_general3A {dimension_numbers = #tpu.dot_dimension_numbers<[1], [0], [0], [1], [0, 0, 1, 1], [], []>, transpose_lhs_hint = false} : vector<10000x64xf32>, vector<64x64xf32>, vector<10000x64xf32> -> vector<10000x64xf32>
    %mul3A_23 = vector.broadcast %rsqrt3A : vector<10000x1xf32> to vector<10000x64xf32>
    %mul3A_24 = arith.mulf %dot_general3A_22, %mul3A_23 : vector<10000x64xf32>
    %swap3A = arith.constant 0 : index
    %swap3A_25 = arith.constant 0 : index
    %swap3A_26 = vector.load %arg5[%swap3A, %swap3A_25] : memref<10000x64xf32, #tpu.memory_space<vmem>>, vector<10000x64xf32>
    tpu.vector_store %arg5[%swap3A, %swap3A_25], %mul3A_24 {strides = array<i32>} : memref<10000x64xf32, #tpu.memory_space<vmem>>, vector<10000x64xf32>,
    return
  }
}

module attributes {stable_mosaic.version = 14 : i64} {
  func.func @_tcc_body(%arg0: memref<10000x64xf32, #tpu.memory_space<vmem>>, %arg1: memref<10000x64xf32, #tpu.memory_space<vmem>>, %arg2: memref<10000x1xf32, #tpu.memory_space<vmem>>, %arg3: memref<1x64xf32, #tpu.memory_space<vmem>>, %arg4: memref<1x10000xi32, #tpu.memory_space<vmem>>, %arg5: memref<128x64xf32, #tpu.memory_space<vmem>>, %arg6: memref<1x64xf32, #tpu.memory_space<vmem>>, %arg7: memref<64x1xf32, #tpu.memory_space<vmem>>, %arg8: memref<1x1xf32, #tpu.memory_space<vmem>>, %arg9: memref<64x1xf32, #tpu.memory_space<vmem>>) attributes {dimension_semantics = [], scalar_prefetch = 0 : i64, scratch_operands = 0 : i64, tpu.core_type = #tpu.core_type<tc>} {
    %get3A = arith.constant 0 : index
    %get3A_0 = arith.constant 0 : index
    %get3A_1 = vector.load %arg2[%get3A, %get3A_0] : memref<10000x1xf32, #tpu.memory_space<vmem>>, vector<10000x1xf32>
    %add3A = arith.constant 1.000000e+00 : f32
    %add3A_2 = vector.broadcast %add3A : f32 to vector<10000x1xf32>
    %add3A_3 = arith.addf %get3A_1, %add3A_2 : vector<10000x1xf32>
    %rsqrt3A = math.rsqrt %add3A_3 : vector<10000x1xf32>
    %get3A_4 = arith.constant 0 : index
    %get3A_5 = arith.constant 0 : index
    %get3A_6 = vector.load %arg0[%get3A_4, %get3A_5] : memref<10000x64xf32, #tpu.memory_space<vmem>>, vector<10000x64xf32>
    %get3A_7 = arith.constant 0 : index
    %get3A_8 = arith.constant 0 : index
    %get3A_9 = vector.load %arg1[%get3A_7, %get3A_8] : memref<10000x64xf32, #tpu.memory_space<vmem>>, vector<10000x64xf32>
    %add3A_10 = arith.addf %get3A_6, %get3A_9 : vector<10000x64xf32>
    %mul3A = vector.broadcast %rsqrt3A : vector<10000x1xf32> to vector<10000x64xf32>
    %mul3A_11 = arith.mulf %add3A_10, %mul3A : vector<10000x64xf32>
    %get3A_12 = arith.constant 0 : index
    %get3A_13 = arith.constant 0 : index
    %get3A_14 = vector.load %arg3[%get3A_12, %get3A_13] : memref<1x64xf32, #tpu.memory_space<vmem>>, vector<1x64xf32>
    %add3A_15 = vector.broadcast %get3A_14 : vector<1x64xf32> to vector<10000x64xf32>
    %add3A_16 = arith.addf %mul3A_11, %add3A_15 : vector<10000x64xf32>
    %max3A = arith.constant 0.000000e+00 : f32
    %max3A_17 = vector.broadcast %max3A : f32 to vector<10000x64xf32>
    %max3A_18 = arith.maximumf %add3A_16, %max3A_17 : vector<10000x64xf32>
    %iota3A = tpu.iota {dimensions = array<i32: 0>} : vector<64x10000xi32>
    %get3A_19 = arith.constant 0 : index
    %get3A_20 = arith.constant 0 : index
    %get3A_21 = vector.load %arg4[%get3A_19, %get3A_20] : memref<1x10000xi32, #tpu.memory_space<vmem>>, vector<1x10000xi32>
    %eq3A = vector.broadcast %get3A_21 : vector<1x10000xi32> to vector<64x10000xi32>
    %eq3A_22 = arith.cmpi eq, %iota3A, %eq3A : vector<64x10000xi32>
    %convert_element_type3A = arith.extui %eq3A_22 : vector<64x10000xi1> to vector<64x10000xi32>
    %convert_element_type3A_23 = arith.sitofp %convert_element_type3A : vector<64x10000xi32> to vector<64x10000xf32>
    %dot_general3A = arith.constant dense<0.000000e+00> : vector<64x64xf32>
    %dot_general3A_24 = tpu.matmul %convert_element_type3A_23, %max3A_18, %dot_general3A {dimension_numbers = #tpu.dot_dimension_numbers<[1], [0], [0], [1], [0, 0, 1, 1], [], []>, transpose_lhs_hint = false} : vector<64x10000xf32>, vector<10000x64xf32>, vector<64x64xf32> -> vector<64x64xf32>
    %reduce_sum3A = arith.constant dense<0.000000e+00> : vector<64xf32>
    %reduce_sum3A_25 = vector.multi_reduction <add>, %convert_element_type3A_23, %reduce_sum3A [1] : vector<64x10000xf32> to vector<64xf32>
    %broadcast_in_dim3A = vector.shape_cast %reduce_sum3A_25 : vector<64xf32> to vector<64x1xf32>
    %max3A_26 = arith.constant 1.000000e+00 : f32
    %max3A_27 = vector.broadcast %max3A_26 : f32 to vector<64x1xf32>
    %max3A_28 = arith.maximumf %broadcast_in_dim3A, %max3A_27 : vector<64x1xf32>
    %div3A = vector.broadcast %max3A_28 : vector<64x1xf32> to vector<64x64xf32>
    %div3A_29 = arith.divf %dot_general3A_24, %div3A : vector<64x64xf32>
    %concatenate3A = tpu.concatenate %dot_general3A_24, %div3A_29 in 1 : vector<64x64xf32>, vector<64x64xf32> -> vector<64x128xf32>
    %get3A_30 = arith.constant 0 : index
    %get3A_31 = arith.constant 0 : index
    %get3A_32 = vector.load %arg5[%get3A_30, %get3A_31] : memref<128x64xf32, #tpu.memory_space<vmem>>, vector<128x64xf32>
    %dot_general3A_33 = arith.constant dense<0.000000e+00> : vector<64x64xf32>
    %dot_general3A_34 = tpu.matmul %concatenate3A, %get3A_32, %dot_general3A_33 {dimension_numbers = #tpu.dot_dimension_numbers<[1], [0], [0], [1], [0, 0, 1, 1], [], []>, transpose_lhs_hint = false} : vector<64x128xf32>, vector<128x64xf32>, vector<64x64xf32> -> vector<64x64xf32>
    %get3A_35 = arith.constant 0 : index
    %get3A_36 = arith.constant 0 : index
    %get3A_37 = vector.load %arg6[%get3A_35, %get3A_36] : memref<1x64xf32, #tpu.memory_space<vmem>>, vector<1x64xf32>
    %add3A_38 = vector.broadcast %get3A_37 : vector<1x64xf32> to vector<64x64xf32>
    %add3A_39 = arith.addf %dot_general3A_34, %add3A_38 : vector<64x64xf32>
    %max3A_40 = arith.constant 0.000000e+00 : f32
    %max3A_41 = vector.broadcast %max3A_40 : f32 to vector<64x64xf32>
    %max3A_42 = arith.maximumf %add3A_39, %max3A_41 : vector<64x64xf32>
    %get3A_43 = arith.constant 0 : index
    %get3A_44 = arith.constant 0 : index
    %get3A_45 = vector.load %arg7[%get3A_43, %get3A_44] : memref<64x1xf32, #tpu.memory_space<vmem>>, vector<64x1xf32>
    %dot_general3A_46 = arith.constant dense<0.000000e+00> : vector<64x1xf32>
    %dot_general3A_47 = tpu.matmul %max3A_42, %get3A_45, %dot_general3A_46 {dimension_numbers = #tpu.dot_dimension_numbers<[1], [0], [0], [1], [0, 0, 1, 1], [], []>, transpose_lhs_hint = false} : vector<64x64xf32>, vector<64x1xf32>, vector<64x1xf32> -> vector<64x1xf32>
    %get3A_48 = arith.constant 0 : index
    %get3A_49 = arith.constant 0 : index
    %get3A_50 = vector.load %arg8[%get3A_48, %get3A_49] : memref<1x1xf32, #tpu.memory_space<vmem>>, vector<1x1xf32>
    %add3A_51 = vector.broadcast %get3A_50 : vector<1x1xf32> to vector<64x1xf32>
    %add3A_52 = arith.addf %dot_general3A_47, %add3A_51 : vector<64x1xf32>
    %swap3A = arith.constant 0 : index
    %swap3A_53 = arith.constant 0 : index
    %swap3A_54 = vector.load %arg9[%swap3A, %swap3A_53] : memref<64x1xf32, #tpu.memory_space<vmem>>, vector<64x1xf32>
    tpu.vector_store %arg9[%swap3A, %swap3A_53], %add3A_52 {strides = array<i32>} : memref<64x1xf32, #tpu.memory_space<vmem>>, vector<64x1xf32>,
    return
  }
}

</mosaic_0001>

<sc_bundles>
// kernel: kernel.11.cloned.1.call-start
scs
__scs_entry_jumppad:
0x0: {  	(pc) =	sbr.rel $0x88, $3  }
0x1: {  	(tag) =	ssettag $0x0;
	lr =	simm.s32 $0x1  }
0x2: {  	[smem:$0x3F92] =	sst lr;
	_ =	strace $0xD0000000  }
0x3: {  	_ = 	snop  }
0x4: {  	_ = 	snop  }
0x5: {  	_ = 	snop  }
0x6: {  	_ = 	snop  }
0x7: {  	_ = 	snop  }
__scs_overlays_trampoline_lowered:
0x8: {  	[smem:$0x3FA1] =	sst s0  }
0x9: {  	[smem:$0x3FA2] =	sst s1  }
0xa: {  	[smem:$0x3FA3] =	sst s2  }
0xb: {  	[smem:$0x3FA4] =	sst s3  }
0xc: {  	[smem:$0x3FA5] =	sst s4  }
0xd: {  	[smem:$0x3FA6] =	sst s5  }
0xe: {  	[smem:$0x3FA7] =	sst s6  }
0xf: {  	[smem:$0x3FA8] =	sst s7  }
0x10: {  	[smem:$0x3FA9] =	sst s8  }
0x11: {  	[smem:$0x3FAA] =	sst s9;
	s0 =	simm.s32 @!p0 $0x0  }
0x12: {  	s1 =	sld [smem:$0x3F90];
	s0 =	simm.s32 @p0 $0x1  }
0x13: {  	[smem:$0x3FAB] =	sst s0;
	s0 =	simm.s32 @!p1 $0x0  }
0x14: {  	s2 =	sld [smem:$0x3F8F];
	s0 =	simm.s32 @p1 $0x1  }
0x15: {  	[smem:$0x3FAC] =	sst s0;
	s0 =	simm.s32 @!p2 $0x0  }
0x16: {  	s3 =	sld [smem:$0x3FDB];
	s0 =	simm.s32 @p2 $0x1  }
0x17: {  	s4 =	simm.s32 $0x1BF5;
	[smem:$0x3FAE] =	sst s0  }
0x18: {  	s0 =	sld [smem:$0x3F91];
	_ =	swait.ge [sflag:s4], $0x0  }
0x19: {  	s7 =	sld [smem:$0x3F92]  }
0x1a: {  	s8 =	sadd.s32 $0xFFFFE003, lr  }
0x1b: {  	s9 =	sadd.s32 $0xFFFFFEF7, lr;
	s5 =	simm.s32 $0xFFFFFFFF;
	p2 =	slt.u32 s8, $0xFFFFF086  }
0x1c: {  	p1 =	slt.u32 s9, $0xF7A;
	s5 =	simm.s32 @!p2 $0x0  }
0x1d: {  	s5 =	simm.s32 @p1 $0x1;
	p0 =	seq.s32 s7, s2  }
0x1e: {  	s7 =	smul.u32 @!p0 $0xF7A, s2;
	p2 =	seq.s32 @!p0 s5, $0x0  }
0x1f: {  	s9 =	smul.u32 $0xF7A, s1;
	s8 =	simm.s32 @!p0 $0x1BF5;
	p2 =	por !p2, p0  }
0x20: {  	[sflag:s8] =	ssyncset.s32 @!p0 $0xFFFFF086;
	s6 =	sadd.s32 @!p0 s3, s7;
	s7 =	simm.s32 @!p0 $0x108  }
0x21: {  	s3 =	sadd.s32 s3, s9;
	s6 =	sadd.s32 @!p0 $0x88, s6;
	s7 =	simm.s32 @p2 $0x1082  }
0x22: {  	[simem:s7], [sflag:s8] =	dma.local @!p0 [hbm:s6], $0xF7A  }
0x23: {  	s9 =	sor.u32 $0xD0000000, s2;
	s6 =	simm.s32 $0x108;
	_ =	swait.ge @!p0 [sflag:s8], $0x0  }
0x24: {  	s3 =	sadd.s32 $0x88, s3;
	s6 =	simm.s32 @!p1 $0x1082;
	[sflag:s4] =	ssyncset.s32 $0xFFFFF086  }
0x25: {  	[simem:s6], [sflag:s4] =	dma.local [hbm:s3], $0xF7A  }
0x26: {  	[smem:$0x3F92] =	sst s1;
	(tag) =	ssettag s2;
	_ =	strace s9  }
0x27: {  	s1 =	sld [smem:$0x3FA2]  }
0x28: {  	s2 =	sld [smem:$0x3FA3]  }
0x29: {  	s4 =	sld [smem:$0x3FA5]  }
0x2a: {  	p0 =	seq.s32 s5, $0x0;
	s5 =	sld [smem:$0x3FA6]  }
0x2b: {  	s6 =	sld [smem:$0x3FA7]  }
0x2c: {  	s7 =	sld [smem:$0x3FA8]  }
0x2d: {  	s3 =	simm.s32 $0x108;
	s8 =	sld [smem:$0x3FA9]  }
0x2e: {  	s3 =	simm.s32 @!p0 $0x1082;
	s9 =	sld [smem:$0x3FAA]  }
0x2f: {  	lr =	sadd.s32 s0, s3;
	s0 =	sld [smem:$0x3FA1]  }
0x30: {  	s3 =	sld [smem:$0x3FA4]  }
0x31: {  	[smem:$0x3FAD] =	sst s10  }
0x32: {  	s10 =	sld [smem:$0x3FAB];
	_ =	sdelay $0x3  }
0x33: {  	p0 =	seq.s32 s10, $0x1;
	s10 =	sld [smem:$0x3FAD];
	_ =	sdelay $0x3  }
0x34: {  	[smem:$0x3FAD] =	sst s10  }
0x35: {  	s10 =	sld [smem:$0x3FAC];
	_ =	sdelay $0x3  }
0x36: {  	p1 =	seq.s32 s10, $0x1;
	s10 =	sld [smem:$0x3FAD];
	_ =	sdelay $0x3  }
0x37: {  	[smem:$0x3FAD] =	sst s10  }
0x38: {  	s10 =	sld [smem:$0x3FAE]  }
0x39: {  	_ = 	snop;
	(pc) =	sbr.ind lr, $3  }
0x3a: {  	_ = 	snop  }
0x3b: {  	_ = 	snop  }
0x3c: {  	p2 =	seq.s32 s10, $0x1;
	s10 =	sld [smem:$0x3FAD]  }
0x3d: {  	_ =	shalt  }
0x3e: {  	_ =	shalt  }
0x3f: {  	_ =	shalt  }
0x40: {  	_ =	shalt  }
0x41: {  	_ =	shalt  }
0x42: {  	_ =	shalt  }
0x43: {  	_ =	shalt  }
0x44: {  	_ =	shalt  }
0x45: {  	_ =	shalt  }
0x46: {  	_ =	shalt  }
0x47: {  	_ =	shalt  }
0x48: {  	_ =	shalt  }
0x49: {  	_ =	shalt  }
0x4a: {  	_ =	shalt  }
0x4b: {  	_ =	shalt  }
0x4c: {  	_ =	shalt  }
0x4d: {  	_ =	shalt  }
0x4e: {  	_ =	shalt  }
0x4f: {  	_ =	shalt  }
0x50: {  	_ =	shalt  }
0x51: {  	_ =	shalt  }
0x52: {  	_ =	shalt  }
0x53: {  	_ =	shalt  }
0x54: {  	_ =	shalt  }
0x55: {  	_ =	shalt  }
0x56: {  	_ =	shalt  }
0x57: {  	_ =	shalt  }
0x58: {  	_ =	shalt  }
0x59: {  	_ =	shalt  }
0x5a: {  	_ =	shalt  }
0x5b: {  	_ =	shalt  }
0x5c: {  	_ =	shalt  }
0x5d: {  	_ =	shalt  }
0x5e: {  	_ =	shalt  }
0x5f: {  	_ =	shalt  }
0x60: {  	_ =	shalt  }
0x61: {  	_ =	shalt  }
0x62: {  	_ =	shalt  }
0x63: {  	_ =	shalt  }
0x64: {  	_ =	shalt  }
0x65: {  	_ =	shalt  }
0x66: {  	_ =	shalt  }
0x67: {  	_ =	shalt  }
0x68: {  	_ =	shalt  }
0x69: {  	_ =	shalt  }
0x6a: {  	_ =	shalt  }
0x6b: {  	_ =	shalt  }
0x6c: {  	_ =	shalt  }
0x6d: {  	_ =	shalt  }
0x6e: {  	_ =	shalt  }
0x6f: {  	_ =	shalt  }
0x70: {  	_ =	shalt  }
0x71: {  	_ =	shalt  }
0x72: {  	_ =	shalt  }
0x73: {  	_ =	shalt  }
0x74: {  	_ =	shalt  }
0x75: {  	_ =	shalt  }
0x76: {  	_ =	shalt  }
0x77: {  	_ =	shalt  }
0x78: {  	_ =	shalt  }
0x79: {  	_ =	shalt  }
0x7a: {  	_ =	shalt  }
0x7b: {  	_ =	shalt  }
0x7c: {  	_ =	shalt  }
0x7d: {  	_ =	shalt  }
0x7e: {  	_ =	shalt  }
0x7f: {  	_ =	shalt  }
0x80: {  	_ =	shalt  }
0x81: {  	_ =	shalt  }
0x82: {  	_ =	shalt  }
0x83: {  	_ =	shalt  }
0x84: {  	_ =	shalt  }
0x85: {  	_ =	shalt  }
0x86: {  	_ =	shalt  }
0x87: {  	_ =	shalt  }
.Lfunc_end0:
.L_simem_size_0:
called_computation_lowered:
.L_overlay_start_0:
0x88: {  	s0 =	sld [smem:$0x3FD9]  }
0x89: {  	s1 =	sld [smem:$0x3FFE];
	_ =	sdelay $0x3  }
0x8a: {  	s0 =	sadd.s32 s1, s0  }
0x8b: {  	[smem:$0x3FB9] =	sst s0  }
0x8c: {  	_ = 	snop  }
0x8d: {  	(tm) =	ssettm $0x1  }
0x8e: {  	s15 =	sld [smem:$0x3FFB];
	_ =	sdelay $0x3  }
0x8f: {  	_ =	strace s15  }
0x90: {  	s0 =	sld [smem:$0x3FFC];
	_ =	sdelay $0x3  }
0x91: {  	_ =	strace s0  }
0x92: {  	s0 =	sld [smem:$0x3FFD];
	_ =	sdelay $0x3  }
0x93: {  	_ =	strace s0  }
0x94: {  	_ =	strace $0x8FFFFFFF  }
0x95: {  	s16 =	sld [smem:$0x3FDB];
	_ =	sdelay $0x1  }
0x96: {  	s17 =	simm.s32 $_scs_section_size  }
0x97: {  	s2 =	simm.s32 $_size__tile_overlayer_lowered;
	s3 =	simm.s32 $_tile_overlayer_lowered  }
0x98: {  	s20 =	simm.s32 $0x1BFF;
	s19 =	sshll.u32 s3, $0x1;
	s0 =	sadd.s32 s17, s16  }
0x99: {  	s4 =	simm.s32 $0x0;
	s18 =	sshll.u32 s2, $0x1;
	s2 =	sadd.s32 s19, s0  }
0x9a: {  	[timem:s4], [sflag:s20] =	dma.local [hbm:s2], s18  }
0x9b: {  	_ =	swait.ge [sflag:s20], s18  }
0x9c: {  	s1 =	ssub.s32 $0x0, s18;
	[sflag:s20] =	ssyncset.done $0x0  }
0x9d: {  	[sflag:s20] =	ssyncadd.s32 s1;
	_ =	sdelay $0x1  }
0x9e: {  	s21 =	simm.s32 $0x1B8B  }
0x9f: {  	_ =	swait.ge [sflag:s21], $0x1  }
0xa0: {  	[sflag:s21] =	ssyncset.done $0x0  }
0xa1: {  	s23 =	simm.s32 $0x1B8E;
	s22 =	sld [smem:$0x3FFE];
	[sflag:s21] =	ssyncadd.s32 $0xFFFFFFFF  }
0xa2: {  	s24 =	simm.s32 $execute0_lowered;
	[smem:$0x3FD2] =	sst s23  }
0xa3: {  	s2 =	sshll.u32 s24, $0x1;
	_ =	strace $0x80000046;
	[dreg:$0x1] =	wrdreg $0xFFFFFFFF  }
0xa4: {  	s25 =	simm.s32 $_size_execute0_lowered;
	s0 =	sadd.s32 s0, s2;
	[dreg:$0x0] =	wrdreg $0x0  }
0xa5: {  	s2 =	sshll.u32 s25, $0x1;
	[dreg:$0x2] =	wrdreg s0  }
0xa6: {  	[dreg:$0x3] =	wrdreg s2  }
0xa7: {  	[dreg:$0x4] =	wrdreg $0xC0  }
0xa8: {  	_ =	task [dreg:s4], $0x5FFFF  }
0xa9: {  	[dreg:$0x1] =	wrdreg $0xFFFFFFFF  }
0xaa: {  	[dreg:$0x0] =	wrdreg $0x60  }
0xab: {  	[dreg:$0x2] =	wrdreg s22  }
0xac: {  	[dreg:$0x3] =	wrdreg $0x53200  }
0xad: {  	[dreg:$0x4] =	wrdreg $0x9  }
0xae: {  	_ =	task.clear_ibuf [dreg:s4], $0x5FFFF;
	_ =	strace $0x90000046  }
0xaf: {  	s26 =	simm.s32 $0x9;
	_ =	strace $0x80000048  }
0xb0: {  	_ =	swait.ge [sflag:s26], $0x1  }
0xb1: {  	[sflag:s26] =	ssyncadd.s32 $0xFFFFFFFF  }
0xb2: {  	_ =	strace $0x90000048  }
0xb3: {  	_ =	sfence  }
0xb4: {  	s28 =	sld [smem:$0x0];
	_ =	sdelay $0x1  }
0xb5: {  	s29 =	srdreg.scid  }
0xb6: {  	s30 =	sshll.u32 s29, $0xD;
	s31 =	sshrl.u32 s29, $0x2  }
0xb7: {  	s1 =	sand.u32 $0x1, s29;
	s2 =	sand.u32 $0x4000, s30;
	s0 =	sadd.s32 s31, s28  }
0xb8: {  	s1 =	sor.u32 s2, s1;
	s0 =	sshll.u32 s0, $0x11  }
0xb9: {  	s0 =	sor.u32 s0, s1  }
0xba: {  	s0 =	sadd.s32 $0x8F2B, s0  }
0xbb: {  	[sflag:s0] =	ssyncadd.remote.s32 $0x1  }
0xbc: {  	_ =	sfence.sel $0xFFFF  }
0xbd: {  	[dreg:$0x0] =	wrdreg $0xFFFFFFFF;
	(pc) =	sbr.abs _section_cstart, $3  }
0xbe: {  	[dreg:$0x1] =	wrdreg $0xFFFFFFFF  }
0xbf: {  	_ =	task.clear_ibuf [dreg:s4], $0x2FFFF;
	_ =	strace $0x9FFFFFFF  }
0xc0: {  	(tm) =	ssettm $0x7FFFFFFF  }
0xc1: {  	_ =	shalt  }
tec
execute0_lowered:
.L_overlay_start_1:
0x0: {  	(tag) =	ssettag $0x1  }
0x1: {  	s7 =	rddreg [dreg:$0x0]  }
0x2: {  	s6 =	rddreg [dreg:$0x1]  }
0x3: {  	s0 =	rddreg [dreg:$0x2];
	s10 =	simm.s32 $0x0  }
0x4: {  	s1 =	stileid.u32;
	[smem:$0x7FF] =	sst s10  }
0x5: {  	s4 =	sadd.s32 $0x16400, s7;
	p0 =	seq.s32 s1, $0xF;
	s2 =	sadd.s32 $0x25800, s6  }
0x6: {  	s22 =	smul.u32 $0x2800, s1;
	_ =	strace $0x80000047;
	s3 =	sadd.s32 @p0 $0x4B00, s4  }
0x7: {  	s2 =	sshrl.u32 @p0 s2, $0x3;
	s5 =	simm.s32 @p0 $0x1FC2;
	s8 =	simm.s32 @p0 $0x2  }
0x8: {  	[spmem:s2], [sflag:s5] =	dma.local @p0 [hbm:s3], $0x320  }
0x9: {  	_ =	swait.ge @p0 [sflag:s8], $0x320  }
0xa: {  	s3 =	sshrl.u32 s22, $0x3;
	s5 =	sadd.s32 s22, s6;
	[sflag:s8] =	ssyncset.done @p0 $0x0  }
0xb: {  	s9 =	sadd.s32 @!p0 s4, s3;
	[sflag:s8] =	ssyncadd.s32 @p0 $0xFFFFFCE0;
	s8 =	sshll.u32 @!p0 s1, $0x6  }
0xc: {  	s5 =	sshrl.u32 @!p0 s5, $0x3;
	s4 =	sor.u32 @!p0 $0x1C02, s8;
	s8 =	simm.s32 @!p0 $0x2  }
0xd: {  	[spmem:s5], [sflag:s4] =	dma.local @!p0 [hbm:s9], $0x500  }
0xe: {  	_ =	swait.ge @!p0 [sflag:s8], $0x500  }
0xf: {  	s11 =	simm.s32 $0x2;
	s23 =	sadd.s32 $0x1B400, s7;
	[sflag:s8] =	ssyncset.done @!p0 $0x0  }
0x10: {  	s24 =	smul.u32 $0x9C4, s1;
	[sflag:s8] =	ssyncadd.s32 @!p0 $0xFFFFFB00;
	s8 =	simm.s32 $0x4E20  }
0x11: {  	[tilespmem:s8], [sflag:$0x2] =	stream.linear.gather [hbm4b:s23+s10], $0x500, $0x38;
	[tilespmem:$0x7A30] =	vst v63  }
0x12: {  	_ =	swait.ge [sflag:s11], $0x500  }
0x13: {  	s9 =	sadd.s32 s24, s7;
	[sflag:s11] =	ssyncset.done $0x0  }
0x14: {  	s9 =	sadd.s32 $0xC600, s9;
	[sflag:s11] =	ssyncadd.s32 $0xFFFFFB00  }
0x15: {  	[tilespmem:s10], [sflag:$0x2] =	stream.linear.gather [hbm4b:s9+s10], $0x4E20, $0x38;
	[tilespmem:$0x7A30] =	vst v63  }
0x16: {  	_ =	swait.ge [sflag:s11], $0x4E20  }
0x17: {  	[sflag:s11] =	ssyncset.done $0x0  }
0x18: {  	[sflag:s11] =	ssyncadd.s32 $0xFFFFB1E0  }
0x19: {  	s9 =	simm.s32 $0x50;
	[bflag:$0x0] =	sbarrier.arrive $0xFFFF  }
0x1a: {  	[spmem:s6] =	stream.indirect.scatter.add.f32 [tilespmem:s8], [sflag:$0x1], $0x10, s10, s9, $0xb8;
	[tilespmem:$0x7A30] =	vst v63  }
0x1b: {  	_ = 	snop  }
0x1c: {  	[spmem:s6] =	stream.indirect.scatter.add.f32 [tilespmem:s8], [sflag:$0x1], $0x10, s9, s9, $0xb8;
	[tilespmem:$0x7A30] =	vst v63  }
0x1d: {  	s25 =	simm.s32 $0xA0  }
0x1e: {  	[spmem:s6] =	stream.indirect.scatter.add.f32 [tilespmem:s8], [sflag:$0x1], $0x10, s25, s9, $0xb8;
	[tilespmem:$0x7A30] =	vst v63  }
0x1f: {  	s26 =	simm.s32 $0xF0  }
0x20: {  	[spmem:s6] =	stream.indirect.scatter.add.f32 [tilespmem:s8], [sflag:$0x1], $0x10, s26, s9, $0xb8;
	[tilespmem:$0x7A30] =	vst v63  }
0x21: {  	s28 =	simm.s32 $0x140  }
0x22: {  	[spmem:s6] =	stream.indirect.scatter.add.f32 [tilespmem:s8], [sflag:$0x1], $0x10, s28, s9, $0xb8;
	[tilespmem:$0x7A30] =	vst v63  }
0x23: {  	s29 =	simm.s32 $0x190  }
0x24: {  	[spmem:s6] =	stream.indirect.scatter.add.f32 [tilespmem:s8], [sflag:$0x1], $0x10, s29, s9, $0xb8;
	[tilespmem:$0x7A30] =	vst v63  }
0x25: {  	s30 =	simm.s32 $0x1E0  }
0x26: {  	[spmem:s6] =	stream.indirect.scatter.add.f32 [tilespmem:s8], [sflag:$0x1], $0x10, s30, s9, $0xb8;
	[tilespmem:$0x7A30] =	vst v63  }
0x27: {  	s31 =	simm.s32 $0x230;
	s10 =	simm.s32 $0x1  }
0x28: {  	[spmem:s6] =	stream.indirect.scatter.add.f32 [tilespmem:s8], [sflag:$0x1], $0x10, s31, s9, $0xb8;
	[tilespmem:$0x7A30] =	vst v63  }
0x29: {  	_ =	swait.ge [sflag:s10], $0x500  }
0x2a: {  	s12 =	simm.s32 $0x280;
	[sflag:s10] =	ssyncset.done $0x0  }
0x2b: {  	s7 =	sadd.s32 $0x1B600, s7;
	s11 =	simm.s32 $0xB40;
	[sflag:s10] =	ssyncadd.s32 $0xFFFFFB00  }
.LBB2_1:
0x2c: {  	[spmem:s6] =	stream.indirect.scatter.add.f32 [tilespmem:s8], [sflag:$0x1], $0x10, s12, s9, $0xb8;
	[tilespmem:$0x7A30] =	vst v63  }
0x2d: {  	s12 =	smov.u32 s11;
	p1 =	sne.s32 s11, $0x13740  }
.Ltmp0:
0x2e: {  	s11 =	sadd.s32 $0x140, s11;
	(pc) =	sbr.rel @p1 .LBB2_1-.Ltmp0, $4  }
0x2f: {  	_ = 	snop  }
0x30: {  	_ =	swait.ge [sflag:s10], $0x500  }
0x31: {  	[sflag:s10] =	ssyncset.done $0x0  }
0x32: {  	s12 =	sshra.s32 s12, $0x2;
	[sflag:s10] =	ssyncadd.s32 $0xFFFFFB00  }
0x33: {  	[spmem:s6] =	stream.indirect.scatter.add.f32 [tilespmem:s8], [sflag:$0x1], $0x10, s12, s9, $0xb8;
	[tilespmem:$0x7A30] =	vst v63  }
0x34: {  	s31 =	simm.s32 $0x1  }
0x35: {  	_ =	swait.ge [sflag:s31], $0x500  }
0x36: {  	[sflag:s31] =	ssyncset.done $0x0  }
0x37: {  	[sflag:s31] =	ssyncadd.s32 $0xFFFFFB00  }
0x38: {  	_ =	swait.ge [sflag:s31], $0x500  }
0x39: {  	[sflag:s31] =	ssyncset.done $0x0  }
0x3a: {  	[sflag:s31] =	ssyncadd.s32 $0xFFFFFB00  }
0x3b: {  	_ =	swait.ge [sflag:s31], $0x500  }
0x3c: {  	[sflag:s31] =	ssyncset.done $0x0  }
0x3d: {  	[sflag:s31] =	ssyncadd.s32 $0xFFFFFB00  }
0x3e: {  	_ =	swait.ge [sflag:s31], $0x500  }
0x3f: {  	[sflag:s31] =	ssyncset.done $0x0  }
0x40: {  	[sflag:s31] =	ssyncadd.s32 $0xFFFFFB00  }
0x41: {  	_ =	swait.ge [sflag:s31], $0x500  }
0x42: {  	[sflag:s31] =	ssyncset.done $0x0  }
0x43: {  	[sflag:s31] =	ssyncadd.s32 $0xFFFFFB00  }
0x44: {  	_ =	swait.ge [sflag:s31], $0x500  }
0x45: {  	[sflag:s31] =	ssyncset.done $0x0  }
0x46: {  	[sflag:s31] =	ssyncadd.s32 $0xFFFFFB00  }
0x47: {  	_ =	swait.ge [sflag:s31], $0x500  }
0x48: {  	[sflag:s31] =	ssyncset.done $0x0  }
0x49: {  	[sflag:s31] =	ssyncadd.s32 $0xFFFFFB00  }
0x4a: {  	_ =	swait.ge [sflag:s31], $0x500  }
0x4b: {  	[sflag:s31] =	ssyncset.done $0x0  }
0x4c: {  	[sflag:s31] =	ssyncadd.s32 $0xFFFFFB00  }
0x4d: {  	s6 =	sadd.s32 @p0 $0x4B00, s7;
	s8 =	simm.s32 @p0 $0x1FC2;
	[bflag:$0x0] =	sbarrier.arrive $0xFFFF  }
0x4e: {  	[hbm:s6], [sflag:s8] =	dma.local @p0 [spmem:s2], $0x320  }
0x4f: {  	s2 =	simm.s32 @p0 $0x2  }
0x50: {  	_ =	swait.ge @p0 [sflag:s2], $0x320  }
0x51: {  	[sflag:s2] =	ssyncset.done @p0 $0x0  }
0x52: {  	[sflag:s2] =	ssyncadd.s32 @p0 $0xFFFFFCE0;
	s2 =	sadd.s32 @!p0 s3, s7  }
0x53: {  	[hbm:s2], [sflag:s4] =	dma.local @!p0 [spmem:s5], $0x500  }
0x54: {  	s2 =	simm.s32 @!p0 $0x2  }
0x55: {  	_ =	swait.ge @!p0 [sflag:s2], $0x500  }
0x56: {  	[sflag:s2] =	ssyncset.done @!p0 $0x0  }
0x57: {  	[sflag:s2] =	ssyncadd.s32 @!p0 $0xFFFFFB00  }
0x58: {  	_ =	sfence.sel $0x180000  }
0x59: {  	[bflag:$0x0] =	sbarrier.arrive $0xFFFF  }
0x5a: {  	p0 =	sne.s32 s1, $0x0;
	_ =	strace $0x90000047  }
0x5b: {  	s0 =	sadd.s32 @!p0 $0x100000, s0;
	[bflag:$0x2] =	sbarrier.arrive $0xFFFF  }
0x5c: {  	[sflag:s0] =	ssyncadd.tile.s32 @!p0 $0x1;
	_ =	shalt  }
.Lfunc_end2:
_tile_overlayer_lowered:
.L_overlay_start_2:
0x5d: {  	(tag) =	ssettag $0x2  }
0x5e: {  	s0 =	rddreg [dreg:$0x0];
	s2 =	stileid.u32  }
0x5f: {  	s1 =	rddreg [dreg:$0x1];
	p0 =	sne.s32 s2, $0x0  }
0x60: {  	s3 =	rddreg [dreg:$0x2];
	[bflag:$0x3] =	sbarrier.arrive $0xFFFF;
	s2 =	simm.s32 @!p0 $0x1C02  }
0x61: {  	[timem:s3], [sflag:s2] =	dma.local @!p0 [hbm:s0], s1  }
0x62: {  	s0 =	simm.s32 @!p0 $0x2  }
0x63: {  	_ =	swait.ge @!p0 [sflag:s0], s1  }
0x64: {  	s1 =	ssub.s32 @!p0 $0x0, s1;
	[sflag:s0] =	ssyncset.done @!p0 $0x0  }
0x65: {  	[sflag:s0] =	ssyncadd.s32 @!p0 s1  }
0x66: {  	[bflag:$0x3] =	sbarrier.arrive $0xFFFF  }
0x67: {  	_ =	shalt  }

// kernel: kernel.14.cloned.1.call-start
scs
__scs_entry_jumppad:
0x0: {  	(pc) =	sbr.rel $0x88, $3  }
0x1: {  	(tag) =	ssettag $0x0;
	lr =	simm.s32 $0x1  }
0x2: {  	[smem:$0x3F92] =	sst lr;
	_ =	strace $0xD0000000  }
0x3: {  	_ = 	snop  }
0x4: {  	_ = 	snop  }
0x5: {  	_ = 	snop  }
0x6: {  	_ = 	snop  }
0x7: {  	_ = 	snop  }
__scs_overlays_trampoline_lowered:
0x8: {  	[smem:$0x3FA1] =	sst s0  }
0x9: {  	[smem:$0x3FA2] =	sst s1  }
0xa: {  	[smem:$0x3FA3] =	sst s2  }
0xb: {  	[smem:$0x3FA4] =	sst s3  }
0xc: {  	[smem:$0x3FA5] =	sst s4  }
0xd: {  	[smem:$0x3FA6] =	sst s5  }
0xe: {  	[smem:$0x3FA7] =	sst s6  }
0xf: {  	[smem:$0x3FA8] =	sst s7  }
0x10: {  	[smem:$0x3FA9] =	sst s8  }
0x11: {  	[smem:$0x3FAA] =	sst s9;
	s0 =	simm.s32 @!p0 $0x0  }
0x12: {  	s1 =	sld [smem:$0x3F90];
	s0 =	simm.s32 @p0 $0x1  }
0x13: {  	[smem:$0x3FAB] =	sst s0;
	s0 =	simm.s32 @!p1 $0x0  }
0x14: {  	s2 =	sld [smem:$0x3F8F];
	s0 =	simm.s32 @p1 $0x1  }
0x15: {  	[smem:$0x3FAC] =	sst s0;
	s0 =	simm.s32 @!p2 $0x0  }
0x16: {  	s3 =	sld [smem:$0x3FDB];
	s0 =	simm.s32 @p2 $0x1  }
0x17: {  	s4 =	simm.s32 $0x1BF5;
	[smem:$0x3FAE] =	sst s0  }
0x18: {  	s0 =	sld [smem:$0x3F91];
	_ =	swait.ge [sflag:s4], $0x0  }
0x19: {  	s7 =	sld [smem:$0x3F92]  }
0x1a: {  	s8 =	sadd.s32 $0xFFFFE003, lr  }
0x1b: {  	s9 =	sadd.s32 $0xFFFFFEF7, lr;
	s5 =	simm.s32 $0xFFFFFFFF;
	p2 =	slt.u32 s8, $0xFFFFF086  }
0x1c: {  	p1 =	slt.u32 s9, $0xF7A;
	s5 =	simm.s32 @!p2 $0x0  }
0x1d: {  	s5 =	simm.s32 @p1 $0x1;
	p0 =	seq.s32 s7, s2  }
0x1e: {  	s7 =	smul.u32 @!p0 $0xF7A, s2;
	p2 =	seq.s32 @!p0 s5, $0x0  }
0x1f: {  	s9 =	smul.u32 $0xF7A, s1;
	s8 =	simm.s32 @!p0 $0x1BF5;
	p2 =	por !p2, p0  }
0x20: {  	[sflag:s8] =	ssyncset.s32 @!p0 $0xFFFFF086;
	s6 =	sadd.s32 @!p0 s3, s7;
	s7 =	simm.s32 @!p0 $0x108  }
0x21: {  	s3 =	sadd.s32 s3, s9;
	s6 =	sadd.s32 @!p0 $0x88, s6;
	s7 =	simm.s32 @p2 $0x1082  }
0x22: {  	[simem:s7], [sflag:s8] =	dma.local @!p0 [hbm:s6], $0xF7A  }
0x23: {  	s9 =	sor.u32 $0xD0000000, s2;
	s6 =	simm.s32 $0x108;
	_ =	swait.ge @!p0 [sflag:s8], $0x0  }
0x24: {  	s3 =	sadd.s32 $0x88, s3;
	s6 =	simm.s32 @!p1 $0x1082;
	[sflag:s4] =	ssyncset.s32 $0xFFFFF086  }
0x25: {  	[simem:s6], [sflag:s4] =	dma.local [hbm:s3], $0xF7A  }
0x26: {  	[smem:$0x3F92] =	sst s1;
	(tag) =	ssettag s2;
	_ =	strace s9  }
0x27: {  	s1 =	sld [smem:$0x3FA2]  }
0x28: {  	s2 =	sld [smem:$0x3FA3]  }
0x29: {  	s4 =	sld [smem:$0x3FA5]  }
0x2a: {  	p0 =	seq.s32 s5, $0x0;
	s5 =	sld [smem:$0x3FA6]  }
0x2b: {  	s6 =	sld [smem:$0x3FA7]  }
0x2c: {  	s7 =	sld [smem:$0x3FA8]  }
0x2d: {  	s3 =	simm.s32 $0x108;
	s8 =	sld [smem:$0x3FA9]  }
0x2e: {  	s3 =	simm.s32 @!p0 $0x1082;
	s9 =	sld [smem:$0x3FAA]  }
0x2f: {  	lr =	sadd.s32 s0, s3;
	s0 =	sld [smem:$0x3FA1]  }
0x30: {  	s3 =	sld [smem:$0x3FA4]  }
0x31: {  	[smem:$0x3FAD] =	sst s10  }
0x32: {  	s10 =	sld [smem:$0x3FAB];
	_ =	sdelay $0x3  }
0x33: {  	p0 =	seq.s32 s10, $0x1;
	s10 =	sld [smem:$0x3FAD];
	_ =	sdelay $0x3  }
0x34: {  	[smem:$0x3FAD] =	sst s10  }
0x35: {  	s10 =	sld [smem:$0x3FAC];
	_ =	sdelay $0x3  }
0x36: {  	p1 =	seq.s32 s10, $0x1;
	s10 =	sld [smem:$0x3FAD];
	_ =	sdelay $0x3  }
0x37: {  	[smem:$0x3FAD] =	sst s10  }
0x38: {  	s10 =	sld [smem:$0x3FAE]  }
0x39: {  	_ = 	snop;
	(pc) =	sbr.ind lr, $3  }
0x3a: {  	_ = 	snop  }
0x3b: {  	_ = 	snop  }
0x3c: {  	p2 =	seq.s32 s10, $0x1;
	s10 =	sld [smem:$0x3FAD]  }
0x3d: {  	_ =	shalt  }
0x3e: {  	_ =	shalt  }
0x3f: {  	_ =	shalt  }
0x40: {  	_ =	shalt  }
0x41: {  	_ =	shalt  }
0x42: {  	_ =	shalt  }
0x43: {  	_ =	shalt  }
0x44: {  	_ =	shalt  }
0x45: {  	_ =	shalt  }
0x46: {  	_ =	shalt  }
0x47: {  	_ =	shalt  }
0x48: {  	_ =	shalt  }
0x49: {  	_ =	shalt  }
0x4a: {  	_ =	shalt  }
0x4b: {  	_ =	shalt  }
0x4c: {  	_ =	shalt  }
0x4d: {  	_ =	shalt  }
0x4e: {  	_ =	shalt  }
0x4f: {  	_ =	shalt  }
0x50: {  	_ =	shalt  }
0x51: {  	_ =	shalt  }
0x52: {  	_ =	shalt  }
0x53: {  	_ =	shalt  }
0x54: {  	_ =	shalt  }
0x55: {  	_ =	shalt  }
0x56: {  	_ =	shalt  }
0x57: {  	_ =	shalt  }
0x58: {  	_ =	shalt  }
0x59: {  	_ =	shalt  }
0x5a: {  	_ =	shalt  }
0x5b: {  	_ =	shalt  }
0x5c: {  	_ =	shalt  }
0x5d: {  	_ =	shalt  }
0x5e: {  	_ =	shalt  }
0x5f: {  	_ =	shalt  }
0x60: {  	_ =	shalt  }
0x61: {  	_ =	shalt  }
0x62: {  	_ =	shalt  }
0x63: {  	_ =	shalt  }
0x64: {  	_ =	shalt  }
0x65: {  	_ =	shalt  }
0x66: {  	_ =	shalt  }
0x67: {  	_ =	shalt  }
0x68: {  	_ =	shalt  }
0x69: {  	_ =	shalt  }
0x6a: {  	_ =	shalt  }
0x6b: {  	_ =	shalt  }
0x6c: {  	_ =	shalt  }
0x6d: {  	_ =	shalt  }
0x6e: {  	_ =	shalt  }
0x6f: {  	_ =	shalt  }
0x70: {  	_ =	shalt  }
0x71: {  	_ =	shalt  }
0x72: {  	_ =	shalt  }
0x73: {  	_ =	shalt  }
0x74: {  	_ =	shalt  }
0x75: {  	_ =	shalt  }
0x76: {  	_ =	shalt  }
0x77: {  	_ =	shalt  }
0x78: {  	_ =	shalt  }
0x79: {  	_ =	shalt  }
0x7a: {  	_ =	shalt  }
0x7b: {  	_ =	shalt  }
0x7c: {  	_ =	shalt  }
0x7d: {  	_ =	shalt  }
0x7e: {  	_ =	shalt  }
0x7f: {  	_ =	shalt  }
0x80: {  	_ =	shalt  }
0x81: {  	_ =	shalt  }
0x82: {  	_ =	shalt  }
0x83: {  	_ =	shalt  }
0x84: {  	_ =	shalt  }
0x85: {  	_ =	shalt  }
0x86: {  	_ =	shalt  }
0x87: {  	_ =	shalt  }
.Lfunc_end0:
.L_simem_size_0:
called_computation.1_lowered:
.L_overlay_start_0:
0x88: {  	s0 =	sld [smem:$0x3FD9]  }
0x89: {  	s1 =	sld [smem:$0x3FFE];
	_ =	sdelay $0x3  }
0x8a: {  	s0 =	sadd.s32 s1, s0  }
0x8b: {  	[smem:$0x3FB9] =	sst s0  }
0x8c: {  	_ = 	snop  }
0x8d: {  	(tm) =	ssettm $0x1  }
0x8e: {  	s15 =	sld [smem:$0x3FFB];
	_ =	sdelay $0x3  }
0x8f: {  	_ =	strace s15  }
0x90: {  	s0 =	sld [smem:$0x3FFC];
	_ =	sdelay $0x3  }
0x91: {  	_ =	strace s0  }
0x92: {  	s0 =	sld [smem:$0x3FFD];
	_ =	sdelay $0x3  }
0x93: {  	_ =	strace s0  }
0x94: {  	_ =	strace $0x8FFFFFFF  }
0x95: {  	s16 =	sld [smem:$0x3FDB];
	_ =	sdelay $0x1  }
0x96: {  	s17 =	simm.s32 $_scs_section_size  }
0x97: {  	s2 =	simm.s32 $_size__tile_overlayer_lowered;
	s3 =	simm.s32 $_tile_overlayer_lowered  }
0x98: {  	s20 =	simm.s32 $0x1BFF;
	s19 =	sshll.u32 s3, $0x1;
	s0 =	sadd.s32 s17, s16  }
0x99: {  	s4 =	simm.s32 $0x0;
	s18 =	sshll.u32 s2, $0x1;
	s2 =	sadd.s32 s19, s0  }
0x9a: {  	[timem:s4], [sflag:s20] =	dma.local [hbm:s2], s18  }
0x9b: {  	_ =	swait.ge [sflag:s20], s18  }
0x9c: {  	s1 =	ssub.s32 $0x0, s18;
	[sflag:s20] =	ssyncset.done $0x0  }
0x9d: {  	[sflag:s20] =	ssyncadd.s32 s1;
	_ =	sdelay $0x1  }
0x9e: {  	s21 =	simm.s32 $0x1B8B  }
0x9f: {  	_ =	swait.ge [sflag:s21], $0x1  }
0xa0: {  	[sflag:s21] =	ssyncset.done $0x0  }
0xa1: {  	s23 =	simm.s32 $0x1B8E;
	s22 =	sld [smem:$0x3FFE];
	[sflag:s21] =	ssyncadd.s32 $0xFFFFFFFF  }
0xa2: {  	s24 =	simm.s32 $execute0_lowered;
	[smem:$0x3FD2] =	sst s23  }
0xa3: {  	s2 =	sshll.u32 s24, $0x1;
	_ =	strace $0x80000049;
	[dreg:$0x1] =	wrdreg $0xFFFFFFFF  }
0xa4: {  	s25 =	simm.s32 $_size_execute0_lowered;
	s0 =	sadd.s32 s0, s2;
	[dreg:$0x0] =	wrdreg $0x0  }
0xa5: {  	s2 =	sshll.u32 s25, $0x1;
	[dreg:$0x2] =	wrdreg s0  }
0xa6: {  	[dreg:$0x3] =	wrdreg s2  }
0xa7: {  	[dreg:$0x4] =	wrdreg $0xC0  }
0xa8: {  	_ =	task [dreg:s4], $0x5FFFF  }
0xa9: {  	[dreg:$0x1] =	wrdreg $0xFFFFFFFF  }
0xaa: {  	[dreg:$0x0] =	wrdreg $0x60  }
0xab: {  	[dreg:$0x2] =	wrdreg s22  }
0xac: {  	[dreg:$0x3] =	wrdreg $0x100400  }
0xad: {  	[dreg:$0x4] =	wrdreg $0x9  }
0xae: {  	_ =	task.clear_ibuf [dreg:s4], $0x5FFFF;
	_ =	strace $0x90000049  }
0xaf: {  	s26 =	simm.s32 $0x9;
	_ =	strace $0x8000004B  }
0xb0: {  	_ =	swait.ge [sflag:s26], $0x1  }
0xb1: {  	[sflag:s26] =	ssyncadd.s32 $0xFFFFFFFF  }
0xb2: {  	_ =	strace $0x9000004B  }
0xb3: {  	_ =	sfence  }
0xb4: {  	s28 =	sld [smem:$0x0];
	_ =	sdelay $0x1  }
0xb5: {  	s29 =	srdreg.scid  }
0xb6: {  	s30 =	sshll.u32 s29, $0xD;
	s31 =	sshrl.u32 s29, $0x2  }
0xb7: {  	s1 =	sand.u32 $0x1, s29;
	s2 =	sand.u32 $0x4000, s30;
	s0 =	sadd.s32 s31, s28  }
0xb8: {  	s1 =	sor.u32 s2, s1;
	s0 =	sshll.u32 s0, $0x11  }
0xb9: {  	s0 =	sor.u32 s0, s1  }
0xba: {  	s0 =	sadd.s32 $0x8F2B, s0  }
0xbb: {  	[sflag:s0] =	ssyncadd.remote.s32 $0x1  }
0xbc: {  	_ =	sfence.sel $0xFFFF  }
0xbd: {  	[dreg:$0x0] =	wrdreg $0xFFFFFFFF;
	(pc) =	sbr.abs _section_cstart, $3  }
0xbe: {  	[dreg:$0x1] =	wrdreg $0xFFFFFFFF  }
0xbf: {  	_ =	task.clear_ibuf [dreg:s4], $0x2FFFF;
	_ =	strace $0x9FFFFFFF  }
0xc0: {  	(tm) =	ssettm $0x7FFFFFFF  }
0xc1: {  	_ =	shalt  }
tec
execute0_lowered:
.L_overlay_start_1:
0x0: {  	(tag) =	ssettag $0x1  }
0x1: {  	s11 =	rddreg [dreg:$0x0]  }
0x2: {  	s6 =	rddreg [dreg:$0x1]  }
0x3: {  	s0 =	rddreg [dreg:$0x2];
	s10 =	simm.s32 $0x0  }
0x4: {  	s1 =	stileid.u32;
	[smem:$0x7FF] =	sst s10  }
0x5: {  	s4 =	sadd.s32 $0x29E00, s11;
	p0 =	seq.s32 s1, $0xF;
	s2 =	sadd.s32 $0x96000, s6  }
0x6: {  	s28 =	smul.u32 $0xA000, s1;
	_ =	strace $0x8000004A;
	s3 =	sadd.s32 @p0 $0x12C00, s4  }
0x7: {  	s2 =	sshrl.u32 @p0 s2, $0x3;
	s5 =	simm.s32 @p0 $0x1FCB;
	s7 =	simm.s32 @p0 $0xB  }
0x8: {  	[spmem:s2], [sflag:s5] =	dma.local @p0 [hbm:s3], $0xC80  }
0x9: {  	_ =	swait.ge @p0 [sflag:s7], $0xC80  }
0xa: {  	s3 =	sshrl.u32 s28, $0x3;
	[sflag:s7] =	ssyncset.done @p0 $0x0  }
0xb: {  	s5 =	sadd.s32 s28, s6;
	[sflag:s7] =	ssyncadd.s32 @p0 $0xFFFFF380;
	s7 =	sshll.u32 @!p0 s1, $0x6  }
0xc: {  	s8 =	sadd.s32 @!p0 s4, s3;
	s5 =	sshrl.u32 @!p0 s5, $0x3;
	s4 =	sor.u32 @!p0 $0x1C0B, s7  }
0xd: {  	[spmem:s5], [sflag:s4] =	dma.local @!p0 [hbm:s8], $0x1400  }
0xe: {  	s29 =	smul.u32 $0x9C4, s1;
	s8 =	simm.s32 @!p0 $0xB  }
0xf: {  	_ =	swait.ge @!p0 [sflag:s8], $0x1400  }
0x10: {  	s7 =	sadd.s32 s29, s11;
	[sflag:s8] =	ssyncset.done @!p0 $0x0  }
0x11: {  	s30 =	simm.s32 $0xB;
	s9 =	sadd.s32 $0x2800, s7;
	[sflag:s8] =	ssyncadd.s32 @!p0 $0xFFFFEC00  }
0x12: {  	[tilespmem:s10], [sflag:$0xB] =	stream.linear.gather [hbm4b:s9+s10], $0x4E20, $0x38;
	[tilespmem:$0x19C80] =	vst v63  }
0x13: {  	_ =	swait.ge [sflag:s30], $0x4E20  }
0x14: {  	[sflag:s30] =	ssyncset.done $0x0  }
0x15: {  	s31 =	simm.s32 $0x4E20;
	s7 =	sadd.s32 $0xC600, s7;
	[sflag:s30] =	ssyncadd.s32 $0xFFFFB1E0  }
0x16: {  	[tilespmem:s31], [sflag:$0xB] =	stream.linear.gather [hbm4b:s7+s10], $0x4E20, $0x38;
	[tilespmem:$0x19C80] =	vst v63  }
0x17: {  	_ =	swait.ge [sflag:s30], $0x4E20  }
0x18: {  	[sflag:s30] =	ssyncset.done $0x0  }
0x19: {  	s8 =	simm.s32 $0x50;
	[sflag:s30] =	ssyncadd.s32 $0xFFFFB1E0  }
0x1a: {  	s9 =	simm.s32 $0x9C40;
	s7 =	sadd.s32 $0x16400, s11;
	[bflag:$0x0] =	sbarrier.arrive $0xFFFF  }
0x1b: {  	[tilespmem:s9], [sflag:$0x1] =	stream.indirect.gather [hbm4b:s7+s8], $0x40, s10, s8, $0xb8;
	[tilespmem:$0x19C80] =	vst v63  }
0x1c: {  	s10 =	simm.s32 $0xB040  }
0x1d: {  	[tilespmem:s10], [sflag:$0x2] =	stream.indirect.gather [hbm4b:s7+s8], $0x40, s8, s8, $0xb8;
	[tilespmem:$0x19C80] =	vst v63  }
0x1e: {  	s13 =	simm.s32 $0xA0;
	s12 =	simm.s32 $0xC440  }
0x1f: {  	[tilespmem:s12], [sflag:$0x3] =	stream.indirect.gather [hbm4b:s7+s8], $0x40, s13, s8, $0xb8;
	[tilespmem:$0x19C80] =	vst v63  }
0x20: {  	s14 =	simm.s32 $0xF0;
	s13 =	simm.s32 $0xD840  }
0x21: {  	[tilespmem:s13], [sflag:$0x4] =	stream.indirect.gather [hbm4b:s7+s8], $0x40, s14, s8, $0xb8;
	[tilespmem:$0x19C80] =	vst v63  }
0x22: {  	s15 =	simm.s32 $0x140;
	s14 =	simm.s32 $0xEC40  }
0x23: {  	[tilespmem:s14], [sflag:$0x5] =	stream.indirect.gather [hbm4b:s7+s8], $0x40, s15, s8, $0xb8;
	[tilespmem:$0x19C80] =	vst v63  }
0x24: {  	s15 =	simm.s32 $0x1  }
0x25: {  	_ =	swait.ge [sflag:s15], $0x1400  }
0x26: {  	[sflag:s15] =	ssyncset.done $0x0  }
0x27: {  	s16 =	simm.s32 $0x2;
	s17 =	simm.s32 $0x4E20;
	[sflag:s15] =	ssyncadd.s32 $0xFFFFEC00  }
0x28: {  	[spmem:s6] =	stream.indirect.scatter.add.f32 [tilespmem:s9], [sflag:$0x6], $0x40, s17, s8, $0xb8;
	[tilespmem:$0x19C80] =	vst v63  }
0x29: {  	_ =	swait.ge [sflag:s16], $0x1400  }
0x2a: {  	[sflag:s16] =	ssyncset.done $0x0  }
0x2b: {  	s18 =	simm.s32 $0x4E70;
	s17 =	simm.s32 $0x3;
	[sflag:s16] =	ssyncadd.s32 $0xFFFFEC00  }
0x2c: {  	[spmem:s6] =	stream.indirect.scatter.add.f32 [tilespmem:s10], [sflag:$0x7], $0x40, s18, s8, $0xb8;
	[tilespmem:$0x19C80] =	vst v63  }
0x2d: {  	_ =	swait.ge [sflag:s17], $0x1400  }
0x2e: {  	[sflag:s17] =	ssyncset.done $0x0  }
0x2f: {  	s19 =	simm.s32 $0x4EC0;
	s18 =	simm.s32 $0x4;
	[sflag:s17] =	ssyncadd.s32 $0xFFFFEC00  }
0x30: {  	[spmem:s6] =	stream.indirect.scatter.add.f32 [tilespmem:s12], [sflag:$0x8], $0x40, s19, s8, $0xb8;
	[tilespmem:$0x19C80] =	vst v63  }
0x31: {  	_ =	swait.ge [sflag:s18], $0x1400  }
0x32: {  	[sflag:s18] =	ssyncset.done $0x0  }
0x33: {  	s20 =	simm.s32 $0x4F10;
	s19 =	simm.s32 $0x5;
	[sflag:s18] =	ssyncadd.s32 $0xFFFFEC00  }
0x34: {  	[spmem:s6] =	stream.indirect.scatter.add.f32 [tilespmem:s13], [sflag:$0x9], $0x40, s20, s8, $0xb8;
	[tilespmem:$0x19C80] =	vst v63  }
0x35: {  	_ =	swait.ge [sflag:s19], $0x1400  }
0x36: {  	[sflag:s19] =	ssyncset.done $0x0  }
0x37: {  	s21 =	simm.s32 $0x4F60;
	s20 =	simm.s32 $0x6;
	[sflag:s19] =	ssyncadd.s32 $0xFFFFEC00  }
0x38: {  	[spmem:s6] =	stream.indirect.scatter.add.f32 [tilespmem:s14], [sflag:$0xA], $0x40, s21, s8, $0xb8;
	[tilespmem:$0x19C80] =	vst v63  }
0x39: {  	_ =	swait.ge [sflag:s20], $0x1400  }
0x3a: {  	[sflag:s20] =	ssyncset.done $0x0  }
0x3b: {  	s22 =	simm.s32 $0x190;
	s21 =	simm.s32 $0x7;
	[sflag:s20] =	ssyncadd.s32 $0xFFFFEC00  }
0x3c: {  	[tilespmem:s9], [sflag:$0x1] =	stream.indirect.gather [hbm4b:s7+s8], $0x40, s22, s8, $0xb8;
	[tilespmem:$0x19C80] =	vst v63  }
0x3d: {  	_ =	swait.ge [sflag:s21], $0x1400  }
0x3e: {  	[sflag:s21] =	ssyncset.done $0x0  }
0x3f: {  	s23 =	simm.s32 $0x1E0;
	s22 =	simm.s32 $0x8;
	[sflag:s21] =	ssyncadd.s32 $0xFFFFEC00  }
0x40: {  	[tilespmem:s10], [sflag:$0x2] =	stream.indirect.gather [hbm4b:s7+s8], $0x40, s23, s8, $0xb8;
	[tilespmem:$0x19C80] =	vst v63  }
0x41: {  	_ =	swait.ge [sflag:s22], $0x1400  }
0x42: {  	[sflag:s22] =	ssyncset.done $0x0  }
0x43: {  	s24 =	simm.s32 $0x230;
	s23 =	simm.s32 $0x9;
	[sflag:s22] =	ssyncadd.s32 $0xFFFFEC00  }
0x44: {  	[tilespmem:s12], [sflag:$0x3] =	stream.indirect.gather [hbm4b:s7+s8], $0x40, s24, s8, $0xb8;
	[tilespmem:$0x19C80] =	vst v63  }
0x45: {  	_ =	swait.ge [sflag:s23], $0x1400  }
0x46: {  	[sflag:s23] =	ssyncset.done $0x0  }
0x47: {  	s25 =	simm.s32 $0x280;
	s24 =	simm.s32 $0xA;
	[sflag:s23] =	ssyncadd.s32 $0xFFFFEC00  }
0x48: {  	[tilespmem:s13], [sflag:$0x4] =	stream.indirect.gather [hbm4b:s7+s8], $0x40, s25, s8, $0xb8;
	[tilespmem:$0x19C80] =	vst v63  }
0x49: {  	_ =	swait.ge [sflag:s24], $0x1400  }
0x4a: {  	s26 =	simm.s32 $0x2D0;
	[sflag:s24] =	ssyncset.done $0x0  }
0x4b: {  	s11 =	sadd.s32 $0x3D800, s11;
	s25 =	simm.s32 $0x640;
	[sflag:s24] =	ssyncadd.s32 $0xFFFFEC00  }
.LBB2_1:
0x4c: {  	[tilespmem:s14], [sflag:$0x5] =	stream.indirect.gather [hbm4b:s7+s8], $0x40, s26, s8, $0xb8;
	[tilespmem:$0x19C80] =	vst v63  }
0x4d: {  	s26 =	smov.u32 s25  }
0x4e: {  	p1 =	sne.s32 s25, $0x12C00;
	s25 =	sadd.s32 $0x640, s25;
	_ =	swait.ge [sflag:s15], $0x1400  }
0x4f: {  	s26 =	sshra.s32 s26, $0x2;
	[sflag:s15] =	ssyncset.done $0x0  }
0x50: {  	s28 =	sadd.s32 $0x4E20, s26;
	[sflag:s15] =	ssyncadd.s32 $0xFFFFEC00  }
0x51: {  	[spmem:s6] =	stream.indirect.scatter.add.f32 [tilespmem:s9], [sflag:$0x6], $0x40, s28, s8, $0xb8;
	[tilespmem:$0x19C80] =	vst v63  }
0x52: {  	_ =	swait.ge [sflag:s16], $0x1400  }
0x53: {  	[sflag:s16] =	ssyncset.done $0x0  }
0x54: {  	s28 =	sadd.s32 $0x4E70, s26;
	[sflag:s16] =	ssyncadd.s32 $0xFFFFEC00  }
0x55: {  	[spmem:s6] =	stream.indirect.scatter.add.f32 [tilespmem:s10], [sflag:$0x7], $0x40, s28, s8, $0xb8;
	[tilespmem:$0x19C80] =	vst v63  }
0x56: {  	_ =	swait.ge [sflag:s17], $0x1400  }
0x57: {  	[sflag:s17] =	ssyncset.done $0x0  }
0x58: {  	s28 =	sadd.s32 $0x4EC0, s26;
	[sflag:s17] =	ssyncadd.s32 $0xFFFFEC00  }
0x59: {  	[spmem:s6] =	stream.indirect.scatter.add.f32 [tilespmem:s12], [sflag:$0x8], $0x40, s28, s8, $0xb8;
	[tilespmem:$0x19C80] =	vst v63  }
0x5a: {  	_ =	swait.ge [sflag:s18], $0x1400  }
0x5b: {  	[sflag:s18] =	ssyncset.done $0x0  }
0x5c: {  	s28 =	sadd.s32 $0x4F10, s26;
	[sflag:s18] =	ssyncadd.s32 $0xFFFFEC00  }
0x5d: {  	[spmem:s6] =	stream.indirect.scatter.add.f32 [tilespmem:s13], [sflag:$0x9], $0x40, s28, s8, $0xb8;
	[tilespmem:$0x19C80] =	vst v63  }
0x5e: {  	_ =	swait.ge [sflag:s19], $0x1400  }
0x5f: {  	[sflag:s19] =	ssyncset.done $0x0  }
0x60: {  	s28 =	sadd.s32 $0x4F60, s26;
	[sflag:s19] =	ssyncadd.s32 $0xFFFFEC00  }
0x61: {  	[spmem:s6] =	stream.indirect.scatter.add.f32 [tilespmem:s14], [sflag:$0xA], $0x40, s28, s8, $0xb8;
	[tilespmem:$0x19C80] =	vst v63  }
0x62: {  	_ =	swait.ge [sflag:s20], $0x1400  }
0x63: {  	[sflag:s20] =	ssyncset.done $0x0  }
0x64: {  	s28 =	sadd.s32 $0x190, s26;
	[sflag:s20] =	ssyncadd.s32 $0xFFFFEC00  }
0x65: {  	[tilespmem:s9], [sflag:$0x1] =	stream.indirect.gather [hbm4b:s7+s8], $0x40, s28, s8, $0xb8;
	[tilespmem:$0x19C80] =	vst v63  }
0x66: {  	_ =	swait.ge [sflag:s21], $0x1400  }
0x67: {  	[sflag:s21] =	ssyncset.done $0x0  }
0x68: {  	s28 =	sadd.s32 $0x1E0, s26;
	[sflag:s21] =	ssyncadd.s32 $0xFFFFEC00  }
0x69: {  	[tilespmem:s10], [sflag:$0x2] =	stream.indirect.gather [hbm4b:s7+s8], $0x40, s28, s8, $0xb8;
	[tilespmem:$0x19C80] =	vst v63  }
0x6a: {  	_ =	swait.ge [sflag:s22], $0x1400  }
0x6b: {  	[sflag:s22] =	ssyncset.done $0x0  }
0x6c: {  	s28 =	sadd.s32 $0x230, s26;
	[sflag:s22] =	ssyncadd.s32 $0xFFFFEC00  }
0x6d: {  	[tilespmem:s12], [sflag:$0x3] =	stream.indirect.gather [hbm4b:s7+s8], $0x40, s28, s8, $0xb8;
	[tilespmem:$0x19C80] =	vst v63  }
0x6e: {  	_ =	swait.ge [sflag:s23], $0x1400  }
0x6f: {  	[sflag:s23] =	ssyncset.done $0x0  }
.Ltmp0:
0x70: {  	s28 =	sadd.s32 $0x280, s26;
	[sflag:s23] =	ssyncadd.s32 $0xFFFFEC00;
	(pc) =	sbr.rel @p1 .LBB2_1-.Ltmp0, $4  }
0x71: {  	[tilespmem:s13], [sflag:$0x4] =	stream.indirect.gather [hbm4b:s7+s8], $0x40, s28, s8, $0xb8;
	[tilespmem:$0x19C80] =	vst v63  }
0x72: {  	_ =	swait.ge [sflag:s24], $0x1400  }
0x73: {  	[sflag:s24] =	ssyncset.done $0x0  }
0x74: {  	s26 =	sadd.s32 $0x2D0, s26;
	[sflag:s24] =	ssyncadd.s32 $0xFFFFEC00  }
0x75: {  	[tilespmem:s14], [sflag:$0x5] =	stream.indirect.gather [hbm4b:s7+s8], $0x40, s26, s8, $0xb8;
	[tilespmem:$0x19C80] =	vst v63  }
0x76: {  	s10 =	simm.s32 $0x1  }
0x77: {  	_ =	swait.ge [sflag:s10], $0x1400  }
0x78: {  	s12 =	simm.s32 $0x50;
	s13 =	simm.s32 $0x9AB0;
	[sflag:s10] =	ssyncset.done $0x0  }
0x79: {  	s9 =	simm.s32 $0x9C40;
	s14 =	simm.s32 $0x2;
	[sflag:s10] =	ssyncadd.s32 $0xFFFFEC00  }
0x7a: {  	[spmem:s6] =	stream.indirect.scatter.add.f32 [tilespmem:s9], [sflag:$0x6], $0x40, s13, s12, $0xb8;
	[tilespmem:$0x19C80] =	vst v63  }
0x7b: {  	_ =	swait.ge [sflag:s14], $0x1400  }
0x7c: {  	s15 =	simm.s32 $0x9B00;
	[sflag:s14] =	ssyncset.done $0x0  }
0x7d: {  	s16 =	simm.s32 $0xB040;
	s17 =	simm.s32 $0x3;
	[sflag:s14] =	ssyncadd.s32 $0xFFFFEC00  }
0x7e: {  	[spmem:s6] =	stream.indirect.scatter.add.f32 [tilespmem:s16], [sflag:$0x7], $0x40, s15, s12, $0xb8;
	[tilespmem:$0x19C80] =	vst v63  }
0x7f: {  	_ =	swait.ge [sflag:s17], $0x1400  }
0x80: {  	s18 =	simm.s32 $0x9B50;
	[sflag:s17] =	ssyncset.done $0x0  }
0x81: {  	s19 =	simm.s32 $0xC440;
	s20 =	simm.s32 $0x4;
	[sflag:s17] =	ssyncadd.s32 $0xFFFFEC00  }
0x82: {  	[spmem:s6] =	stream.indirect.scatter.add.f32 [tilespmem:s19], [sflag:$0x8], $0x40, s18, s12, $0xb8;
	[tilespmem:$0x19C80] =	vst v63  }
0x83: {  	_ =	swait.ge [sflag:s20], $0x1400  }
0x84: {  	s21 =	simm.s32 $0x9BA0;
	[sflag:s20] =	ssyncset.done $0x0  }
0x85: {  	s22 =	simm.s32 $0xD840;
	s23 =	simm.s32 $0x5;
	[sflag:s20] =	ssyncadd.s32 $0xFFFFEC00  }
0x86: {  	[spmem:s6] =	stream.indirect.scatter.add.f32 [tilespmem:s22], [sflag:$0x9], $0x40, s21, s12, $0xb8;
	[tilespmem:$0x19C80] =	vst v63  }
0x87: {  	_ =	swait.ge [sflag:s23], $0x1400  }
0x88: {  	s24 =	simm.s32 $0x9BF0;
	[sflag:s23] =	ssyncset.done $0x0  }
0x89: {  	s25 =	simm.s32 $0xEC40;
	s26 =	simm.s32 $0x6;
	[sflag:s23] =	ssyncadd.s32 $0xFFFFEC00  }
0x8a: {  	[spmem:s6] =	stream.indirect.scatter.add.f32 [tilespmem:s25], [sflag:$0xA], $0x40, s24, s12, $0xb8;
	[tilespmem:$0x19C80] =	vst v63  }
0x8b: {  	_ =	swait.ge [sflag:s26], $0x1400  }
0x8c: {  	[sflag:s26] =	ssyncset.done $0x0  }
0x8d: {  	s28 =	simm.s32 $0x7;
	[sflag:s26] =	ssyncadd.s32 $0xFFFFEC00  }
0x8e: {  	_ =	swait.ge [sflag:s28], $0x1400  }
0x8f: {  	[sflag:s28] =	ssyncset.done $0x0  }
0x90: {  	s29 =	simm.s32 $0x8;
	[sflag:s28] =	ssyncadd.s32 $0xFFFFEC00  }
0x91: {  	_ =	swait.ge [sflag:s29], $0x1400  }
0x92: {  	[sflag:s29] =	ssyncset.done $0x0  }
0x93: {  	s30 =	simm.s32 $0x9;
	[sflag:s29] =	ssyncadd.s32 $0xFFFFEC00  }
0x94: {  	_ =	swait.ge [sflag:s30], $0x1400  }
0x95: {  	[sflag:s30] =	ssyncset.done $0x0  }
0x96: {  	s31 =	simm.s32 $0xA;
	[sflag:s30] =	ssyncadd.s32 $0xFFFFEC00  }
0x97: {  	_ =	swait.ge [sflag:s31], $0x1400  }
0x98: {  	[sflag:s31] =	ssyncset.done $0x0  }
0x99: {  	[sflag:s31] =	ssyncadd.s32 $0xFFFFEC00  }
0x9a: {  	s7 =	simm.s32 @p0 $0x1FCB;
	s6 =	sadd.s32 @p0 $0x12C00, s11;
	[bflag:$0x0] =	sbarrier.arrive $0xFFFF  }
0x9b: {  	[hbm:s6], [sflag:s7] =	dma.local @p0 [spmem:s2], $0xC80  }
0x9c: {  	s2 =	simm.s32 @p0 $0xB  }
0x9d: {  	_ =	swait.ge @p0 [sflag:s2], $0xC80  }
0x9e: {  	[sflag:s2] =	ssyncset.done @p0 $0x0  }
0x9f: {  	[sflag:s2] =	ssyncadd.s32 @p0 $0xFFFFF380;
	s2 =	sadd.s32 @!p0 s3, s11  }
0xa0: {  	[hbm:s2], [sflag:s4] =	dma.local @!p0 [spmem:s5], $0x1400  }
0xa1: {  	s2 =	simm.s32 @!p0 $0xB  }
0xa2: {  	_ =	swait.ge @!p0 [sflag:s2], $0x1400  }
0xa3: {  	[sflag:s2] =	ssyncset.done @!p0 $0x0  }
0xa4: {  	[sflag:s2] =	ssyncadd.s32 @!p0 $0xFFFFEC00  }
0xa5: {  	_ =	sfence.sel $0x180000  }
0xa6: {  	[bflag:$0x0] =	sbarrier.arrive $0xFFFF  }
0xa7: {  	p0 =	sne.s32 s1, $0x0;
	_ =	strace $0x9000004A  }
0xa8: {  	s0 =	sadd.s32 @!p0 $0x100000, s0;
	[bflag:$0x2] =	sbarrier.arrive $0xFFFF  }
0xa9: {  	[sflag:s0] =	ssyncadd.tile.s32 @!p0 $0x1;
	_ =	shalt  }
.Lfunc_end2:
_tile_overlayer_lowered:
.L_overlay_start_2:
0xaa: {  	(tag) =	ssettag $0x2  }
0xab: {  	s0 =	rddreg [dreg:$0x0];
	s2 =	stileid.u32  }
0xac: {  	s1 =	rddreg [dreg:$0x1];
	p0 =	sne.s32 s2, $0x0  }
0xad: {  	s3 =	rddreg [dreg:$0x2];
	[bflag:$0x3] =	sbarrier.arrive $0xFFFF;
	s2 =	simm.s32 @!p0 $0x1C0B  }
0xae: {  	[timem:s3], [sflag:s2] =	dma.local @!p0 [hbm:s0], s1  }
0xaf: {  	s0 =	simm.s32 @!p0 $0xB  }
0xb0: {  	_ =	swait.ge @!p0 [sflag:s0], s1  }
0xb1: {  	s1 =	ssub.s32 @!p0 $0x0, s1;
	[sflag:s0] =	ssyncset.done @!p0 $0x0  }
0xb2: {  	[sflag:s0] =	ssyncadd.s32 @!p0 s1  }
0xb3: {  	[bflag:$0x3] =	sbarrier.arrive $0xFFFF  }
0xb4: {  	_ =	shalt  }

// kernel: kernel.17.cloned.1.call-start
scs
__scs_entry_jumppad:
0x0: {  	(pc) =	sbr.rel $0x88, $3  }
0x1: {  	(tag) =	ssettag $0x0;
	lr =	simm.s32 $0x1  }
0x2: {  	[smem:$0x3F92] =	sst lr;
	_ =	strace $0xD0000000  }
0x3: {  	_ = 	snop  }
0x4: {  	_ = 	snop  }
0x5: {  	_ = 	snop  }
0x6: {  	_ = 	snop  }
0x7: {  	_ = 	snop  }
__scs_overlays_trampoline_lowered:
0x8: {  	[smem:$0x3FA1] =	sst s0  }
0x9: {  	[smem:$0x3FA2] =	sst s1  }
0xa: {  	[smem:$0x3FA3] =	sst s2  }
0xb: {  	[smem:$0x3FA4] =	sst s3  }
0xc: {  	[smem:$0x3FA5] =	sst s4  }
0xd: {  	[smem:$0x3FA6] =	sst s5  }
0xe: {  	[smem:$0x3FA7] =	sst s6  }
0xf: {  	[smem:$0x3FA8] =	sst s7  }
0x10: {  	[smem:$0x3FA9] =	sst s8  }
0x11: {  	[smem:$0x3FAA] =	sst s9;
	s0 =	simm.s32 @!p0 $0x0  }
0x12: {  	s1 =	sld [smem:$0x3F90];
	s0 =	simm.s32 @p0 $0x1  }
0x13: {  	[smem:$0x3FAB] =	sst s0;
	s0 =	simm.s32 @!p1 $0x0  }
0x14: {  	s2 =	sld [smem:$0x3F8F];
	s0 =	simm.s32 @p1 $0x1  }
0x15: {  	[smem:$0x3FAC] =	sst s0;
	s0 =	simm.s32 @!p2 $0x0  }
0x16: {  	s3 =	sld [smem:$0x3FDB];
	s0 =	simm.s32 @p2 $0x1  }
0x17: {  	s4 =	simm.s32 $0x1BF5;
	[smem:$0x3FAE] =	sst s0  }
0x18: {  	s0 =	sld [smem:$0x3F91];
	_ =	swait.ge [sflag:s4], $0x0  }
0x19: {  	s7 =	sld [smem:$0x3F92]  }
0x1a: {  	s8 =	sadd.s32 $0xFFFFE003, lr  }
0x1b: {  	s9 =	sadd.s32 $0xFFFFFEF7, lr;
	s5 =	simm.s32 $0xFFFFFFFF;
	p2 =	slt.u32 s8, $0xFFFFF086  }
0x1c: {  	p1 =	slt.u32 s9, $0xF7A;
	s5 =	simm.s32 @!p2 $0x0  }
0x1d: {  	s5 =	simm.s32 @p1 $0x1;
	p0 =	seq.s32 s7, s2  }
0x1e: {  	s7 =	smul.u32 @!p0 $0xF7A, s2;
	p2 =	seq.s32 @!p0 s5, $0x0  }
0x1f: {  	s9 =	smul.u32 $0xF7A, s1;
	s8 =	simm.s32 @!p0 $0x1BF5;
	p2 =	por !p2, p0  }
0x20: {  	[sflag:s8] =	ssyncset.s32 @!p0 $0xFFFFF086;
	s6 =	sadd.s32 @!p0 s3, s7;
	s7 =	simm.s32 @!p0 $0x108  }
0x21: {  	s3 =	sadd.s32 s3, s9;
	s6 =	sadd.s32 @!p0 $0x88, s6;
	s7 =	simm.s32 @p2 $0x1082  }
0x22: {  	[simem:s7], [sflag:s8] =	dma.local @!p0 [hbm:s6], $0xF7A  }
0x23: {  	s9 =	sor.u32 $0xD0000000, s2;
	s6 =	simm.s32 $0x108;
	_ =	swait.ge @!p0 [sflag:s8], $0x0  }
0x24: {  	s3 =	sadd.s32 $0x88, s3;
	s6 =	simm.s32 @!p1 $0x1082;
	[sflag:s4] =	ssyncset.s32 $0xFFFFF086  }
0x25: {  	[simem:s6], [sflag:s4] =	dma.local [hbm:s3], $0xF7A  }
0x26: {  	[smem:$0x3F92] =	sst s1;
	(tag) =	ssettag s2;
	_ =	strace s9  }
0x27: {  	s1 =	sld [smem:$0x3FA2]  }
0x28: {  	s2 =	sld [smem:$0x3FA3]  }
0x29: {  	s4 =	sld [smem:$0x3FA5]  }
0x2a: {  	p0 =	seq.s32 s5, $0x0;
	s5 =	sld [smem:$0x3FA6]  }
0x2b: {  	s6 =	sld [smem:$0x3FA7]  }
0x2c: {  	s7 =	sld [smem:$0x3FA8]  }
0x2d: {  	s3 =	simm.s32 $0x108;
	s8 =	sld [smem:$0x3FA9]  }
0x2e: {  	s3 =	simm.s32 @!p0 $0x1082;
	s9 =	sld [smem:$0x3FAA]  }
0x2f: {  	lr =	sadd.s32 s0, s3;
	s0 =	sld [smem:$0x3FA1]  }
0x30: {  	s3 =	sld [smem:$0x3FA4]  }
0x31: {  	[smem:$0x3FAD] =	sst s10  }
0x32: {  	s10 =	sld [smem:$0x3FAB];
	_ =	sdelay $0x3  }
0x33: {  	p0 =	seq.s32 s10, $0x1;
	s10 =	sld [smem:$0x3FAD];
	_ =	sdelay $0x3  }
0x34: {  	[smem:$0x3FAD] =	sst s10  }
0x35: {  	s10 =	sld [smem:$0x3FAC];
	_ =	sdelay $0x3  }
0x36: {  	p1 =	seq.s32 s10, $0x1;
	s10 =	sld [smem:$0x3FAD];
	_ =	sdelay $0x3  }
0x37: {  	[smem:$0x3FAD] =	sst s10  }
0x38: {  	s10 =	sld [smem:$0x3FAE]  }
0x39: {  	_ = 	snop;
	(pc) =	sbr.ind lr, $3  }
0x3a: {  	_ = 	snop  }
0x3b: {  	_ = 	snop  }
0x3c: {  	p2 =	seq.s32 s10, $0x1;
	s10 =	sld [smem:$0x3FAD]  }
0x3d: {  	_ =	shalt  }
0x3e: {  	_ =	shalt  }
0x3f: {  	_ =	shalt  }
0x40: {  	_ =	shalt  }
0x41: {  	_ =	shalt  }
0x42: {  	_ =	shalt  }
0x43: {  	_ =	shalt  }
0x44: {  	_ =	shalt  }
0x45: {  	_ =	shalt  }
0x46: {  	_ =	shalt  }
0x47: {  	_ =	shalt  }
0x48: {  	_ =	shalt  }
0x49: {  	_ =	shalt  }
0x4a: {  	_ =	shalt  }
0x4b: {  	_ =	shalt  }
0x4c: {  	_ =	shalt  }
0x4d: {  	_ =	shalt  }
0x4e: {  	_ =	shalt  }
0x4f: {  	_ =	shalt  }
0x50: {  	_ =	shalt  }
0x51: {  	_ =	shalt  }
0x52: {  	_ =	shalt  }
0x53: {  	_ =	shalt  }
0x54: {  	_ =	shalt  }
0x55: {  	_ =	shalt  }
0x56: {  	_ =	shalt  }
0x57: {  	_ =	shalt  }
0x58: {  	_ =	shalt  }
0x59: {  	_ =	shalt  }
0x5a: {  	_ =	shalt  }
0x5b: {  	_ =	shalt  }
0x5c: {  	_ =	shalt  }
0x5d: {  	_ =	shalt  }
0x5e: {  	_ =	shalt  }
0x5f: {  	_ =	shalt  }
0x60: {  	_ =	shalt  }
0x61: {  	_ =	shalt  }
0x62: {  	_ =	shalt  }
0x63: {  	_ =	shalt  }
0x64: {  	_ =	shalt  }
0x65: {  	_ =	shalt  }
0x66: {  	_ =	shalt  }
0x67: {  	_ =	shalt  }
0x68: {  	_ =	shalt  }
0x69: {  	_ =	shalt  }
0x6a: {  	_ =	shalt  }
0x6b: {  	_ =	shalt  }
0x6c: {  	_ =	shalt  }
0x6d: {  	_ =	shalt  }
0x6e: {  	_ =	shalt  }
0x6f: {  	_ =	shalt  }
0x70: {  	_ =	shalt  }
0x71: {  	_ =	shalt  }
0x72: {  	_ =	shalt  }
0x73: {  	_ =	shalt  }
0x74: {  	_ =	shalt  }
0x75: {  	_ =	shalt  }
0x76: {  	_ =	shalt  }
0x77: {  	_ =	shalt  }
0x78: {  	_ =	shalt  }
0x79: {  	_ =	shalt  }
0x7a: {  	_ =	shalt  }
0x7b: {  	_ =	shalt  }
0x7c: {  	_ =	shalt  }
0x7d: {  	_ =	shalt  }
0x7e: {  	_ =	shalt  }
0x7f: {  	_ =	shalt  }
0x80: {  	_ =	shalt  }
0x81: {  	_ =	shalt  }
0x82: {  	_ =	shalt  }
0x83: {  	_ =	shalt  }
0x84: {  	_ =	shalt  }
0x85: {  	_ =	shalt  }
0x86: {  	_ =	shalt  }
0x87: {  	_ =	shalt  }
.Lfunc_end0:
.L_simem_size_0:
called_computation.2_lowered:
.L_overlay_start_0:
0x88: {  	s0 =	sld [smem:$0x3FD9]  }
0x89: {  	s1 =	sld [smem:$0x3FFE];
	_ =	sdelay $0x3  }
0x8a: {  	s0 =	sadd.s32 s1, s0  }
0x8b: {  	[smem:$0x3FB9] =	sst s0  }
0x8c: {  	_ = 	snop  }
0x8d: {  	(tm) =	ssettm $0x1  }
0x8e: {  	s15 =	sld [smem:$0x3FFB];
	_ =	sdelay $0x3  }
0x8f: {  	_ =	strace s15  }
0x90: {  	s0 =	sld [smem:$0x3FFC];
	_ =	sdelay $0x3  }
0x91: {  	_ =	strace s0  }
0x92: {  	s0 =	sld [smem:$0x3FFD];
	_ =	sdelay $0x3  }
0x93: {  	_ =	strace s0  }
0x94: {  	_ =	strace $0x8FFFFFFF  }
0x95: {  	s16 =	sld [smem:$0x3FDB];
	_ =	sdelay $0x1  }
0x96: {  	s17 =	simm.s32 $_scs_section_size  }
0x97: {  	s2 =	simm.s32 $_size__tile_overlayer_lowered;
	s3 =	simm.s32 $_tile_overlayer_lowered  }
0x98: {  	s20 =	simm.s32 $0x1BFF;
	s19 =	sshll.u32 s3, $0x1;
	s0 =	sadd.s32 s17, s16  }
0x99: {  	s4 =	simm.s32 $0x0;
	s18 =	sshll.u32 s2, $0x1;
	s2 =	sadd.s32 s19, s0  }
0x9a: {  	[timem:s4], [sflag:s20] =	dma.local [hbm:s2], s18  }
0x9b: {  	_ =	swait.ge [sflag:s20], s18  }
0x9c: {  	s1 =	ssub.s32 $0x0, s18;
	[sflag:s20] =	ssyncset.done $0x0  }
0x9d: {  	[sflag:s20] =	ssyncadd.s32 s1;
	_ =	sdelay $0x1  }
0x9e: {  	s21 =	simm.s32 $0x1B8B  }
0x9f: {  	_ =	swait.ge [sflag:s21], $0x1  }
0xa0: {  	[sflag:s21] =	ssyncset.done $0x0  }
0xa1: {  	s23 =	simm.s32 $0x1B8E;
	s22 =	sld [smem:$0x3FFE];
	[sflag:s21] =	ssyncadd.s32 $0xFFFFFFFF  }
0xa2: {  	s24 =	simm.s32 $execute0_lowered;
	[smem:$0x3FD2] =	sst s23  }
0xa3: {  	s2 =	sshll.u32 s24, $0x1;
	_ =	strace $0x8000004C;
	[dreg:$0x1] =	wrdreg $0xFFFFFFFF  }
0xa4: {  	s25 =	simm.s32 $_size_execute0_lowered;
	s0 =	sadd.s32 s0, s2;
	[dreg:$0x0] =	wrdreg $0x0  }
0xa5: {  	s2 =	sshll.u32 s25, $0x1;
	[dreg:$0x2] =	wrdreg s0  }
0xa6: {  	[dreg:$0x3] =	wrdreg s2  }
0xa7: {  	[dreg:$0x4] =	wrdreg $0xC0  }
0xa8: {  	_ =	task [dreg:s4], $0x5FFFF  }
0xa9: {  	[dreg:$0x1] =	wrdreg $0xFFFFFFFF  }
0xaa: {  	[dreg:$0x0] =	wrdreg $0x60  }
0xab: {  	[dreg:$0x2] =	wrdreg s22  }
0xac: {  	[dreg:$0x3] =	wrdreg $0x100400  }
0xad: {  	[dreg:$0x4] =	wrdreg $0x9  }
0xae: {  	_ =	task.clear_ibuf [dreg:s4], $0x5FFFF;
	_ =	strace $0x9000004C  }
0xaf: {  	s26 =	simm.s32 $0x9;
	_ =	strace $0x8000004E  }
0xb0: {  	_ =	swait.ge [sflag:s26], $0x1  }
0xb1: {  	[sflag:s26] =	ssyncadd.s32 $0xFFFFFFFF  }
0xb2: {  	_ =	strace $0x9000004E  }
0xb3: {  	_ =	sfence  }
0xb4: {  	s28 =	sld [smem:$0x0];
	_ =	sdelay $0x1  }
0xb5: {  	s29 =	srdreg.scid  }
0xb6: {  	s30 =	sshll.u32 s29, $0xD;
	s31 =	sshrl.u32 s29, $0x2  }
0xb7: {  	s1 =	sand.u32 $0x1, s29;
	s2 =	sand.u32 $0x4000, s30;
	s0 =	sadd.s32 s31, s28  }
0xb8: {  	s1 =	sor.u32 s2, s1;
	s0 =	sshll.u32 s0, $0x11  }
0xb9: {  	s0 =	sor.u32 s0, s1  }
0xba: {  	s0 =	sadd.s32 $0x8F2B, s0  }
0xbb: {  	[sflag:s0] =	ssyncadd.remote.s32 $0x1  }
0xbc: {  	_ =	sfence.sel $0xFFFF  }
0xbd: {  	[dreg:$0x0] =	wrdreg $0xFFFFFFFF;
	(pc) =	sbr.abs _section_cstart, $3  }
0xbe: {  	[dreg:$0x1] =	wrdreg $0xFFFFFFFF  }
0xbf: {  	_ =	task.clear_ibuf [dreg:s4], $0x2FFFF;
	_ =	strace $0x9FFFFFFF  }
0xc0: {  	(tm) =	ssettm $0x7FFFFFFF  }
0xc1: {  	_ =	shalt  }
tec
execute0_lowered:
.L_overlay_start_1:
0x0: {  	(tag) =	ssettag $0x1  }
0x1: {  	s11 =	rddreg [dreg:$0x0]  }
0x2: {  	s6 =	rddreg [dreg:$0x1]  }
0x3: {  	s0 =	rddreg [dreg:$0x2];
	s10 =	simm.s32 $0x0  }
0x4: {  	s1 =	stileid.u32;
	[smem:$0x7FF] =	sst s10  }
0x5: {  	s4 =	sadd.s32 $0x29E00, s11;
	p0 =	seq.s32 s1, $0xF;
	s2 =	sadd.s32 $0x96000, s6  }
0x6: {  	s28 =	smul.u32 $0xA000, s1;
	_ =	strace $0x8000004D;
	s3 =	sadd.s32 @p0 $0x12C00, s4  }
0x7: {  	s2 =	sshrl.u32 @p0 s2, $0x3;
	s5 =	simm.s32 @p0 $0x1FCB;
	s7 =	simm.s32 @p0 $0xB  }
0x8: {  	[spmem:s2], [sflag:s5] =	dma.local @p0 [hbm:s3], $0xC80  }
0x9: {  	_ =	swait.ge @p0 [sflag:s7], $0xC80  }
0xa: {  	s3 =	sshrl.u32 s28, $0x3;
	[sflag:s7] =	ssyncset.done @p0 $0x0  }
0xb: {  	s5 =	sadd.s32 s28, s6;
	[sflag:s7] =	ssyncadd.s32 @p0 $0xFFFFF380;
	s7 =	sshll.u32 @!p0 s1, $0x6  }
0xc: {  	s8 =	sadd.s32 @!p0 s4, s3;
	s5 =	sshrl.u32 @!p0 s5, $0x3;
	s4 =	sor.u32 @!p0 $0x1C0B, s7  }
0xd: {  	[spmem:s5], [sflag:s4] =	dma.local @!p0 [hbm:s8], $0x1400  }
0xe: {  	s29 =	smul.u32 $0x9C4, s1;
	s8 =	simm.s32 @!p0 $0xB  }
0xf: {  	_ =	swait.ge @!p0 [sflag:s8], $0x1400  }
0x10: {  	s7 =	sadd.s32 s29, s11;
	[sflag:s8] =	ssyncset.done @!p0 $0x0  }
0x11: {  	s30 =	simm.s32 $0xB;
	s9 =	sadd.s32 $0x2800, s7;
	[sflag:s8] =	ssyncadd.s32 @!p0 $0xFFFFEC00  }
0x12: {  	[tilespmem:s10], [sflag:$0xB] =	stream.linear.gather [hbm4b:s9+s10], $0x4E20, $0x38;
	[tilespmem:$0x19C80] =	vst v63  }
0x13: {  	_ =	swait.ge [sflag:s30], $0x4E20  }
0x14: {  	[sflag:s30] =	ssyncset.done $0x0  }
0x15: {  	s31 =	simm.s32 $0x4E20;
	s7 =	sadd.s32 $0xC600, s7;
	[sflag:s30] =	ssyncadd.s32 $0xFFFFB1E0  }
0x16: {  	[tilespmem:s31], [sflag:$0xB] =	stream.linear.gather [hbm4b:s7+s10], $0x4E20, $0x38;
	[tilespmem:$0x19C80] =	vst v63  }
0x17: {  	_ =	swait.ge [sflag:s30], $0x4E20  }
0x18: {  	[sflag:s30] =	ssyncset.done $0x0  }
0x19: {  	s8 =	simm.s32 $0x50;
	[sflag:s30] =	ssyncadd.s32 $0xFFFFB1E0  }
0x1a: {  	s9 =	simm.s32 $0x9C40;
	s7 =	sadd.s32 $0x16400, s11;
	[bflag:$0x0] =	sbarrier.arrive $0xFFFF  }
0x1b: {  	[tilespmem:s9], [sflag:$0x1] =	stream.indirect.gather [hbm4b:s7+s8], $0x40, s10, s8, $0xb8;
	[tilespmem:$0x19C80] =	vst v63  }
0x1c: {  	s10 =	simm.s32 $0xB040  }
0x1d: {  	[tilespmem:s10], [sflag:$0x2] =	stream.indirect.gather [hbm4b:s7+s8], $0x40, s8, s8, $0xb8;
	[tilespmem:$0x19C80] =	vst v63  }
0x1e: {  	s13 =	simm.s32 $0xA0;
	s12 =	simm.s32 $0xC440  }
0x1f: {  	[tilespmem:s12], [sflag:$0x3] =	stream.indirect.gather [hbm4b:s7+s8], $0x40, s13, s8, $0xb8;
	[tilespmem:$0x19C80] =	vst v63  }
0x20: {  	s14 =	simm.s32 $0xF0;
	s13 =	simm.s32 $0xD840  }
0x21: {  	[tilespmem:s13], [sflag:$0x4] =	stream.indirect.gather [hbm4b:s7+s8], $0x40, s14, s8, $0xb8;
	[tilespmem:$0x19C80] =	vst v63  }
0x22: {  	s15 =	simm.s32 $0x140;
	s14 =	simm.s32 $0xEC40  }
0x23: {  	[tilespmem:s14], [sflag:$0x5] =	stream.indirect.gather [hbm4b:s7+s8], $0x40, s15, s8, $0xb8;
	[tilespmem:$0x19C80] =	vst v63  }
0x24: {  	s15 =	simm.s32 $0x1  }
0x25: {  	_ =	swait.ge [sflag:s15], $0x1400  }
0x26: {  	[sflag:s15] =	ssyncset.done $0x0  }
0x27: {  	s16 =	simm.s32 $0x2;
	s17 =	simm.s32 $0x4E20;
	[sflag:s15] =	ssyncadd.s32 $0xFFFFEC00  }
0x28: {  	[spmem:s6] =	stream.indirect.scatter.add.f32 [tilespmem:s9], [sflag:$0x6], $0x40, s17, s8, $0xb8;
	[tilespmem:$0x19C80] =	vst v63  }
0x29: {  	_ =	swait.ge [sflag:s16], $0x1400  }
0x2a: {  	[sflag:s16] =	ssyncset.done $0x0  }
0x2b: {  	s18 =	simm.s32 $0x4E70;
	s17 =	simm.s32 $0x3;
	[sflag:s16] =	ssyncadd.s32 $0xFFFFEC00  }
0x2c: {  	[spmem:s6] =	stream.indirect.scatter.add.f32 [tilespmem:s10], [sflag:$0x7], $0x40, s18, s8, $0xb8;
	[tilespmem:$0x19C80] =	vst v63  }
0x2d: {  	_ =	swait.ge [sflag:s17], $0x1400  }
0x2e: {  	[sflag:s17] =	ssyncset.done $0x0  }
0x2f: {  	s19 =	simm.s32 $0x4EC0;
	s18 =	simm.s32 $0x4;
	[sflag:s17] =	ssyncadd.s32 $0xFFFFEC00  }
0x30: {  	[spmem:s6] =	stream.indirect.scatter.add.f32 [tilespmem:s12], [sflag:$0x8], $0x40, s19, s8, $0xb8;
	[tilespmem:$0x19C80] =	vst v63  }
0x31: {  	_ =	swait.ge [sflag:s18], $0x1400  }
0x32: {  	[sflag:s18] =	ssyncset.done $0x0  }
0x33: {  	s20 =	simm.s32 $0x4F10;
	s19 =	simm.s32 $0x5;
	[sflag:s18] =	ssyncadd.s32 $0xFFFFEC00  }
0x34: {  	[spmem:s6] =	stream.indirect.scatter.add.f32 [tilespmem:s13], [sflag:$0x9], $0x40, s20, s8, $0xb8;
	[tilespmem:$0x19C80] =	vst v63  }
0x35: {  	_ =	swait.ge [sflag:s19], $0x1400  }
0x36: {  	[sflag:s19] =	ssyncset.done $0x0  }
0x37: {  	s21 =	simm.s32 $0x4F60;
	s20 =	simm.s32 $0x6;
	[sflag:s19] =	ssyncadd.s32 $0xFFFFEC00  }
0x38: {  	[spmem:s6] =	stream.indirect.scatter.add.f32 [tilespmem:s14], [sflag:$0xA], $0x40, s21, s8, $0xb8;
	[tilespmem:$0x19C80] =	vst v63  }
0x39: {  	_ =	swait.ge [sflag:s20], $0x1400  }
0x3a: {  	[sflag:s20] =	ssyncset.done $0x0  }
0x3b: {  	s22 =	simm.s32 $0x190;
	s21 =	simm.s32 $0x7;
	[sflag:s20] =	ssyncadd.s32 $0xFFFFEC00  }
0x3c: {  	[tilespmem:s9], [sflag:$0x1] =	stream.indirect.gather [hbm4b:s7+s8], $0x40, s22, s8, $0xb8;
	[tilespmem:$0x19C80] =	vst v63  }
0x3d: {  	_ =	swait.ge [sflag:s21], $0x1400  }
0x3e: {  	[sflag:s21] =	ssyncset.done $0x0  }
0x3f: {  	s23 =	simm.s32 $0x1E0;
	s22 =	simm.s32 $0x8;
	[sflag:s21] =	ssyncadd.s32 $0xFFFFEC00  }
0x40: {  	[tilespmem:s10], [sflag:$0x2] =	stream.indirect.gather [hbm4b:s7+s8], $0x40, s23, s8, $0xb8;
	[tilespmem:$0x19C80] =	vst v63  }
0x41: {  	_ =	swait.ge [sflag:s22], $0x1400  }
0x42: {  	[sflag:s22] =	ssyncset.done $0x0  }
0x43: {  	s24 =	simm.s32 $0x230;
	s23 =	simm.s32 $0x9;
	[sflag:s22] =	ssyncadd.s32 $0xFFFFEC00  }
0x44: {  	[tilespmem:s12], [sflag:$0x3] =	stream.indirect.gather [hbm4b:s7+s8], $0x40, s24, s8, $0xb8;
	[tilespmem:$0x19C80] =	vst v63  }
0x45: {  	_ =	swait.ge [sflag:s23], $0x1400  }
0x46: {  	[sflag:s23] =	ssyncset.done $0x0  }
0x47: {  	s25 =	simm.s32 $0x280;
	s24 =	simm.s32 $0xA;
	[sflag:s23] =	ssyncadd.s32 $0xFFFFEC00  }
0x48: {  	[tilespmem:s13], [sflag:$0x4] =	stream.indirect.gather [hbm4b:s7+s8], $0x40, s25, s8, $0xb8;
	[tilespmem:$0x19C80] =	vst v63  }
0x49: {  	_ =	swait.ge [sflag:s24], $0x1400  }
0x4a: {  	s26 =	simm.s32 $0x2D0;
	[sflag:s24] =	ssyncset.done $0x0  }
0x4b: {  	s11 =	sadd.s32 $0x3D800, s11;
	s25 =	simm.s32 $0x640;
	[sflag:s24] =	ssyncadd.s32 $0xFFFFEC00  }
.LBB2_1:
0x4c: {  	[tilespmem:s14], [sflag:$0x5] =	stream.indirect.gather [hbm4b:s7+s8], $0x40, s26, s8, $0xb8;
	[tilespmem:$0x19C80] =	vst v63  }
0x4d: {  	s26 =	smov.u32 s25  }
0x4e: {  	p1 =	sne.s32 s25, $0x12C00;
	s25 =	sadd.s32 $0x640, s25;
	_ =	swait.ge [sflag:s15], $0x1400  }
0x4f: {  	s26 =	sshra.s32 s26, $0x2;
	[sflag:s15] =	ssyncset.done $0x0  }
0x50: {  	s28 =	sadd.s32 $0x4E20, s26;
	[sflag:s15] =	ssyncadd.s32 $0xFFFFEC00  }
0x51: {  	[spmem:s6] =	stream.indirect.scatter.add.f32 [tilespmem:s9], [sflag:$0x6], $0x40, s28, s8, $0xb8;
	[tilespmem:$0x19C80] =	vst v63  }
0x52: {  	_ =	swait.ge [sflag:s16], $0x1400  }
0x53: {  	[sflag:s16] =	ssyncset.done $0x0  }
0x54: {  	s28 =	sadd.s32 $0x4E70, s26;
	[sflag:s16] =	ssyncadd.s32 $0xFFFFEC00  }
0x55: {  	[spmem:s6] =	stream.indirect.scatter.add.f32 [tilespmem:s10], [sflag:$0x7], $0x40, s28, s8, $0xb8;
	[tilespmem:$0x19C80] =	vst v63  }
0x56: {  	_ =	swait.ge [sflag:s17], $0x1400  }
0x57: {  	[sflag:s17] =	ssyncset.done $0x0  }
0x58: {  	s28 =	sadd.s32 $0x4EC0, s26;
	[sflag:s17] =	ssyncadd.s32 $0xFFFFEC00  }
0x59: {  	[spmem:s6] =	stream.indirect.scatter.add.f32 [tilespmem:s12], [sflag:$0x8], $0x40, s28, s8, $0xb8;
	[tilespmem:$0x19C80] =	vst v63  }
0x5a: {  	_ =	swait.ge [sflag:s18], $0x1400  }
0x5b: {  	[sflag:s18] =	ssyncset.done $0x0  }
0x5c: {  	s28 =	sadd.s32 $0x4F10, s26;
	[sflag:s18] =	ssyncadd.s32 $0xFFFFEC00  }
0x5d: {  	[spmem:s6] =	stream.indirect.scatter.add.f32 [tilespmem:s13], [sflag:$0x9], $0x40, s28, s8, $0xb8;
	[tilespmem:$0x19C80] =	vst v63  }
0x5e: {  	_ =	swait.ge [sflag:s19], $0x1400  }
0x5f: {  	[sflag:s19] =	ssyncset.done $0x0  }
0x60: {  	s28 =	sadd.s32 $0x4F60, s26;
	[sflag:s19] =	ssyncadd.s32 $0xFFFFEC00  }
0x61: {  	[spmem:s6] =	stream.indirect.scatter.add.f32 [tilespmem:s14], [sflag:$0xA], $0x40, s28, s8, $0xb8;
	[tilespmem:$0x19C80] =	vst v63  }
0x62: {  	_ =	swait.ge [sflag:s20], $0x1400  }
0x63: {  	[sflag:s20] =	ssyncset.done $0x0  }
0x64: {  	s28 =	sadd.s32 $0x190, s26;
	[sflag:s20] =	ssyncadd.s32 $0xFFFFEC00  }
0x65: {  	[tilespmem:s9], [sflag:$0x1] =	stream.indirect.gather [hbm4b:s7+s8], $0x40, s28, s8, $0xb8;
	[tilespmem:$0x19C80] =	vst v63  }
0x66: {  	_ =	swait.ge [sflag:s21], $0x1400  }
0x67: {  	[sflag:s21] =	ssyncset.done $0x0  }
0x68: {  	s28 =	sadd.s32 $0x1E0, s26;
	[sflag:s21] =	ssyncadd.s32 $0xFFFFEC00  }
0x69: {  	[tilespmem:s10], [sflag:$0x2] =	stream.indirect.gather [hbm4b:s7+s8], $0x40, s28, s8, $0xb8;
	[tilespmem:$0x19C80] =	vst v63  }
0x6a: {  	_ =	swait.ge [sflag:s22], $0x1400  }
0x6b: {  	[sflag:s22] =	ssyncset.done $0x0  }
0x6c: {  	s28 =	sadd.s32 $0x230, s26;
	[sflag:s22] =	ssyncadd.s32 $0xFFFFEC00  }
0x6d: {  	[tilespmem:s12], [sflag:$0x3] =	stream.indirect.gather [hbm4b:s7+s8], $0x40, s28, s8, $0xb8;
	[tilespmem:$0x19C80] =	vst v63  }
0x6e: {  	_ =	swait.ge [sflag:s23], $0x1400  }
0x6f: {  	[sflag:s23] =	ssyncset.done $0x0  }
.Ltmp0:
0x70: {  	s28 =	sadd.s32 $0x280, s26;
	[sflag:s23] =	ssyncadd.s32 $0xFFFFEC00;
	(pc) =	sbr.rel @p1 .LBB2_1-.Ltmp0, $4  }
0x71: {  	[tilespmem:s13], [sflag:$0x4] =	stream.indirect.gather [hbm4b:s7+s8], $0x40, s28, s8, $0xb8;
	[tilespmem:$0x19C80] =	vst v63  }
0x72: {  	_ =	swait.ge [sflag:s24], $0x1400  }
0x73: {  	[sflag:s24] =	ssyncset.done $0x0  }
0x74: {  	s26 =	sadd.s32 $0x2D0, s26;
	[sflag:s24] =	ssyncadd.s32 $0xFFFFEC00  }
0x75: {  	[tilespmem:s14], [sflag:$0x5] =	stream.indirect.gather [hbm4b:s7+s8], $0x40, s26, s8, $0xb8;
	[tilespmem:$0x19C80] =	vst v63  }
0x76: {  	s10 =	simm.s32 $0x1  }
0x77: {  	_ =	swait.ge [sflag:s10], $0x1400  }
0x78: {  	s12 =	simm.s32 $0x50;
	s13 =	simm.s32 $0x9AB0;
	[sflag:s10] =	ssyncset.done $0x0  }
0x79: {  	s9 =	simm.s32 $0x9C40;
	s14 =	simm.s32 $0x2;
	[sflag:s10] =	ssyncadd.s32 $0xFFFFEC00  }
0x7a: {  	[spmem:s6] =	stream.indirect.scatter.add.f32 [tilespmem:s9], [sflag:$0x6], $0x40, s13, s12, $0xb8;
	[tilespmem:$0x19C80] =	vst v63  }
0x7b: {  	_ =	swait.ge [sflag:s14], $0x1400  }
0x7c: {  	s15 =	simm.s32 $0x9B00;
	[sflag:s14] =	ssyncset.done $0x0  }
0x7d: {  	s16 =	simm.s32 $0xB040;
	s17 =	simm.s32 $0x3;
	[sflag:s14] =	ssyncadd.s32 $0xFFFFEC00  }
0x7e: {  	[spmem:s6] =	stream.indirect.scatter.add.f32 [tilespmem:s16], [sflag:$0x7], $0x40, s15, s12, $0xb8;
	[tilespmem:$0x19C80] =	vst v63  }
0x7f: {  	_ =	swait.ge [sflag:s17], $0x1400  }
0x80: {  	s18 =	simm.s32 $0x9B50;
	[sflag:s17] =	ssyncset.done $0x0  }
0x81: {  	s19 =	simm.s32 $0xC440;
	s20 =	simm.s32 $0x4;
	[sflag:s17] =	ssyncadd.s32 $0xFFFFEC00  }
0x82: {  	[spmem:s6] =	stream.indirect.scatter.add.f32 [tilespmem:s19], [sflag:$0x8], $0x40, s18, s12, $0xb8;
	[tilespmem:$0x19C80] =	vst v63  }
0x83: {  	_ =	swait.ge [sflag:s20], $0x1400  }
0x84: {  	s21 =	simm.s32 $0x9BA0;
	[sflag:s20] =	ssyncset.done $0x0  }
0x85: {  	s22 =	simm.s32 $0xD840;
	s23 =	simm.s32 $0x5;
	[sflag:s20] =	ssyncadd.s32 $0xFFFFEC00  }
0x86: {  	[spmem:s6] =	stream.indirect.scatter.add.f32 [tilespmem:s22], [sflag:$0x9], $0x40, s21, s12, $0xb8;
	[tilespmem:$0x19C80] =	vst v63  }
0x87: {  	_ =	swait.ge [sflag:s23], $0x1400  }
0x88: {  	s24 =	simm.s32 $0x9BF0;
	[sflag:s23] =	ssyncset.done $0x0  }
0x89: {  	s25 =	simm.s32 $0xEC40;
	s26 =	simm.s32 $0x6;
	[sflag:s23] =	ssyncadd.s32 $0xFFFFEC00  }
0x8a: {  	[spmem:s6] =	stream.indirect.scatter.add.f32 [tilespmem:s25], [sflag:$0xA], $0x40, s24, s12, $0xb8;
	[tilespmem:$0x19C80] =	vst v63  }
0x8b: {  	_ =	swait.ge [sflag:s26], $0x1400  }
0x8c: {  	[sflag:s26] =	ssyncset.done $0x0  }
0x8d: {  	s28 =	simm.s32 $0x7;
	[sflag:s26] =	ssyncadd.s32 $0xFFFFEC00  }
0x8e: {  	_ =	swait.ge [sflag:s28], $0x1400  }
0x8f: {  	[sflag:s28] =	ssyncset.done $0x0  }
0x90: {  	s29 =	simm.s32 $0x8;
	[sflag:s28] =	ssyncadd.s32 $0xFFFFEC00  }
0x91: {  	_ =	swait.ge [sflag:s29], $0x1400  }
0x92: {  	[sflag:s29] =	ssyncset.done $0x0  }
0x93: {  	s30 =	simm.s32 $0x9;
	[sflag:s29] =	ssyncadd.s32 $0xFFFFEC00  }
0x94: {  	_ =	swait.ge [sflag:s30], $0x1400  }
0x95: {  	[sflag:s30] =	ssyncset.done $0x0  }
0x96: {  	s31 =	simm.s32 $0xA;
	[sflag:s30] =	ssyncadd.s32 $0xFFFFEC00  }
0x97: {  	_ =	swait.ge [sflag:s31], $0x1400  }
0x98: {  	[sflag:s31] =	ssyncset.done $0x0  }
0x99: {  	[sflag:s31] =	ssyncadd.s32 $0xFFFFEC00  }
0x9a: {  	s7 =	simm.s32 @p0 $0x1FCB;
	s6 =	sadd.s32 @p0 $0x12C00, s11;
	[bflag:$0x0] =	sbarrier.arrive $0xFFFF  }
0x9b: {  	[hbm:s6], [sflag:s7] =	dma.local @p0 [spmem:s2], $0xC80  }
0x9c: {  	s2 =	simm.s32 @p0 $0xB  }
0x9d: {  	_ =	swait.ge @p0 [sflag:s2], $0xC80  }
0x9e: {  	[sflag:s2] =	ssyncset.done @p0 $0x0  }
0x9f: {  	[sflag:s2] =	ssyncadd.s32 @p0 $0xFFFFF380;
	s2 =	sadd.s32 @!p0 s3, s11  }
0xa0: {  	[hbm:s2], [sflag:s4] =	dma.local @!p0 [spmem:s5], $0x1400  }
0xa1: {  	s2 =	simm.s32 @!p0 $0xB  }
0xa2: {  	_ =	swait.ge @!p0 [sflag:s2], $0x1400  }
0xa3: {  	[sflag:s2] =	ssyncset.done @!p0 $0x0  }
0xa4: {  	[sflag:s2] =	ssyncadd.s32 @!p0 $0xFFFFEC00  }
0xa5: {  	_ =	sfence.sel $0x180000  }
0xa6: {  	[bflag:$0x0] =	sbarrier.arrive $0xFFFF  }
0xa7: {  	p0 =	sne.s32 s1, $0x0;
	_ =	strace $0x9000004D  }
0xa8: {  	s0 =	sadd.s32 @!p0 $0x100000, s0;
	[bflag:$0x2] =	sbarrier.arrive $0xFFFF  }
0xa9: {  	[sflag:s0] =	ssyncadd.tile.s32 @!p0 $0x1;
	_ =	shalt  }
.Lfunc_end2:
_tile_overlayer_lowered:
.L_overlay_start_2:
0xaa: {  	(tag) =	ssettag $0x2  }
0xab: {  	s0 =	rddreg [dreg:$0x0];
	s2 =	stileid.u32  }
0xac: {  	s1 =	rddreg [dreg:$0x1];
	p0 =	sne.s32 s2, $0x0  }
0xad: {  	s3 =	rddreg [dreg:$0x2];
	[bflag:$0x3] =	sbarrier.arrive $0xFFFF;
	s2 =	simm.s32 @!p0 $0x1C0B  }
0xae: {  	[timem:s3], [sflag:s2] =	dma.local @!p0 [hbm:s0], s1  }
0xaf: {  	s0 =	simm.s32 @!p0 $0xB  }
0xb0: {  	_ =	swait.ge @!p0 [sflag:s0], s1  }
0xb1: {  	s1 =	ssub.s32 @!p0 $0x0, s1;
	[sflag:s0] =	ssyncset.done @!p0 $0x0  }
0xb2: {  	[sflag:s0] =	ssyncadd.s32 @!p0 s1  }
0xb3: {  	[bflag:$0x3] =	sbarrier.arrive $0xFFFF  }
0xb4: {  	_ =	shalt  }

// kernel: kernel.20.cloned.1.call-start
scs
__scs_entry_jumppad:
0x0: {  	(pc) =	sbr.rel $0x88, $3  }
0x1: {  	(tag) =	ssettag $0x0;
	lr =	simm.s32 $0x1  }
0x2: {  	[smem:$0x3F92] =	sst lr;
	_ =	strace $0xD0000000  }
0x3: {  	_ = 	snop  }
0x4: {  	_ = 	snop  }
0x5: {  	_ = 	snop  }
0x6: {  	_ = 	snop  }
0x7: {  	_ = 	snop  }
__scs_overlays_trampoline_lowered:
0x8: {  	[smem:$0x3FA1] =	sst s0  }
0x9: {  	[smem:$0x3FA2] =	sst s1  }
0xa: {  	[smem:$0x3FA3] =	sst s2  }
0xb: {  	[smem:$0x3FA4] =	sst s3  }
0xc: {  	[smem:$0x3FA5] =	sst s4  }
0xd: {  	[smem:$0x3FA6] =	sst s5  }
0xe: {  	[smem:$0x3FA7] =	sst s6  }
0xf: {  	[smem:$0x3FA8] =	sst s7  }
0x10: {  	[smem:$0x3FA9] =	sst s8  }
0x11: {  	[smem:$0x3FAA] =	sst s9;
	s0 =	simm.s32 @!p0 $0x0  }
0x12: {  	s1 =	sld [smem:$0x3F90];
	s0 =	simm.s32 @p0 $0x1  }
0x13: {  	[smem:$0x3FAB] =	sst s0;
	s0 =	simm.s32 @!p1 $0x0  }
0x14: {  	s2 =	sld [smem:$0x3F8F];
	s0 =	simm.s32 @p1 $0x1  }
0x15: {  	[smem:$0x3FAC] =	sst s0;
	s0 =	simm.s32 @!p2 $0x0  }
0x16: {  	s3 =	sld [smem:$0x3FDB];
	s0 =	simm.s32 @p2 $0x1  }
0x17: {  	s4 =	simm.s32 $0x1BF5;
	[smem:$0x3FAE] =	sst s0  }
0x18: {  	s0 =	sld [smem:$0x3F91];
	_ =	swait.ge [sflag:s4], $0x0  }
0x19: {  	s7 =	sld [smem:$0x3F92]  }
0x1a: {  	s8 =	sadd.s32 $0xFFFFE003, lr  }
0x1b: {  	s9 =	sadd.s32 $0xFFFFFEF7, lr;
	s5 =	simm.s32 $0xFFFFFFFF;
	p2 =	slt.u32 s8, $0xFFFFF086  }
0x1c: {  	p1 =	slt.u32 s9, $0xF7A;
	s5 =	simm.s32 @!p2 $0x0  }
0x1d: {  	s5 =	simm.s32 @p1 $0x1;
	p0 =	seq.s32 s7, s2  }
0x1e: {  	s7 =	smul.u32 @!p0 $0xF7A, s2;
	p2 =	seq.s32 @!p0 s5, $0x0  }
0x1f: {  	s9 =	smul.u32 $0xF7A, s1;
	s8 =	simm.s32 @!p0 $0x1BF5;
	p2 =	por !p2, p0  }
0x20: {  	[sflag:s8] =	ssyncset.s32 @!p0 $0xFFFFF086;
	s6 =	sadd.s32 @!p0 s3, s7;
	s7 =	simm.s32 @!p0 $0x108  }
0x21: {  	s3 =	sadd.s32 s3, s9;
	s6 =	sadd.s32 @!p0 $0x88, s6;
	s7 =	simm.s32 @p2 $0x1082  }
0x22: {  	[simem:s7], [sflag:s8] =	dma.local @!p0 [hbm:s6], $0xF7A  }
0x23: {  	s9 =	sor.u32 $0xD0000000, s2;
	s6 =	simm.s32 $0x108;
	_ =	swait.ge @!p0 [sflag:s8], $0x0  }
0x24: {  	s3 =	sadd.s32 $0x88, s3;
	s6 =	simm.s32 @!p1 $0x1082;
	[sflag:s4] =	ssyncset.s32 $0xFFFFF086  }
0x25: {  	[simem:s6], [sflag:s4] =	dma.local [hbm:s3], $0xF7A  }
0x26: {  	[smem:$0x3F92] =	sst s1;
	(tag) =	ssettag s2;
	_ =	strace s9  }
0x27: {  	s1 =	sld [smem:$0x3FA2]  }
0x28: {  	s2 =	sld [smem:$0x3FA3]  }
0x29: {  	s4 =	sld [smem:$0x3FA5]  }
0x2a: {  	p0 =	seq.s32 s5, $0x0;
	s5 =	sld [smem:$0x3FA6]  }
0x2b: {  	s6 =	sld [smem:$0x3FA7]  }
0x2c: {  	s7 =	sld [smem:$0x3FA8]  }
0x2d: {  	s3 =	simm.s32 $0x108;
	s8 =	sld [smem:$0x3FA9]  }
0x2e: {  	s3 =	simm.s32 @!p0 $0x1082;
	s9 =	sld [smem:$0x3FAA]  }
0x2f: {  	lr =	sadd.s32 s0, s3;
	s0 =	sld [smem:$0x3FA1]  }
0x30: {  	s3 =	sld [smem:$0x3FA4]  }
0x31: {  	[smem:$0x3FAD] =	sst s10  }
0x32: {  	s10 =	sld [smem:$0x3FAB];
	_ =	sdelay $0x3  }
0x33: {  	p0 =	seq.s32 s10, $0x1;
	s10 =	sld [smem:$0x3FAD];
	_ =	sdelay $0x3  }
0x34: {  	[smem:$0x3FAD] =	sst s10  }
0x35: {  	s10 =	sld [smem:$0x3FAC];
	_ =	sdelay $0x3  }
0x36: {  	p1 =	seq.s32 s10, $0x1;
	s10 =	sld [smem:$0x3FAD];
	_ =	sdelay $0x3  }
0x37: {  	[smem:$0x3FAD] =	sst s10  }
0x38: {  	s10 =	sld [smem:$0x3FAE]  }
0x39: {  	_ = 	snop;
	(pc) =	sbr.ind lr, $3  }
0x3a: {  	_ = 	snop  }
0x3b: {  	_ = 	snop  }
0x3c: {  	p2 =	seq.s32 s10, $0x1;
	s10 =	sld [smem:$0x3FAD]  }
0x3d: {  	_ =	shalt  }
0x3e: {  	_ =	shalt  }
0x3f: {  	_ =	shalt  }
0x40: {  	_ =	shalt  }
0x41: {  	_ =	shalt  }
0x42: {  	_ =	shalt  }
0x43: {  	_ =	shalt  }
0x44: {  	_ =	shalt  }
0x45: {  	_ =	shalt  }
0x46: {  	_ =	shalt  }
0x47: {  	_ =	shalt  }
0x48: {  	_ =	shalt  }
0x49: {  	_ =	shalt  }
0x4a: {  	_ =	shalt  }
0x4b: {  	_ =	shalt  }
0x4c: {  	_ =	shalt  }
0x4d: {  	_ =	shalt  }
0x4e: {  	_ =	shalt  }
0x4f: {  	_ =	shalt  }
0x50: {  	_ =	shalt  }
0x51: {  	_ =	shalt  }
0x52: {  	_ =	shalt  }
0x53: {  	_ =	shalt  }
0x54: {  	_ =	shalt  }
0x55: {  	_ =	shalt  }
0x56: {  	_ =	shalt  }
0x57: {  	_ =	shalt  }
0x58: {  	_ =	shalt  }
0x59: {  	_ =	shalt  }
0x5a: {  	_ =	shalt  }
0x5b: {  	_ =	shalt  }
0x5c: {  	_ =	shalt  }
0x5d: {  	_ =	shalt  }
0x5e: {  	_ =	shalt  }
0x5f: {  	_ =	shalt  }
0x60: {  	_ =	shalt  }
0x61: {  	_ =	shalt  }
0x62: {  	_ =	shalt  }
0x63: {  	_ =	shalt  }
0x64: {  	_ =	shalt  }
0x65: {  	_ =	shalt  }
0x66: {  	_ =	shalt  }
0x67: {  	_ =	shalt  }
0x68: {  	_ =	shalt  }
0x69: {  	_ =	shalt  }
0x6a: {  	_ =	shalt  }
0x6b: {  	_ =	shalt  }
0x6c: {  	_ =	shalt  }
0x6d: {  	_ =	shalt  }
0x6e: {  	_ =	shalt  }
0x6f: {  	_ =	shalt  }
0x70: {  	_ =	shalt  }
0x71: {  	_ =	shalt  }
0x72: {  	_ =	shalt  }
0x73: {  	_ =	shalt  }
0x74: {  	_ =	shalt  }
0x75: {  	_ =	shalt  }
0x76: {  	_ =	shalt  }
0x77: {  	_ =	shalt  }
0x78: {  	_ =	shalt  }
0x79: {  	_ =	shalt  }
0x7a: {  	_ =	shalt  }
0x7b: {  	_ =	shalt  }
0x7c: {  	_ =	shalt  }
0x7d: {  	_ =	shalt  }
0x7e: {  	_ =	shalt  }
0x7f: {  	_ =	shalt  }
0x80: {  	_ =	shalt  }
0x81: {  	_ =	shalt  }
0x82: {  	_ =	shalt  }
0x83: {  	_ =	shalt  }
0x84: {  	_ =	shalt  }
0x85: {  	_ =	shalt  }
0x86: {  	_ =	shalt  }
0x87: {  	_ =	shalt  }
.Lfunc_end0:
.L_simem_size_0:
called_computation.3_lowered:
.L_overlay_start_0:
0x88: {  	s0 =	sld [smem:$0x3FD9]  }
0x89: {  	s1 =	sld [smem:$0x3FFE];
	_ =	sdelay $0x3  }
0x8a: {  	s0 =	sadd.s32 s1, s0  }
0x8b: {  	[smem:$0x3FB9] =	sst s0  }
0x8c: {  	_ = 	snop  }
0x8d: {  	(tm) =	ssettm $0x1  }
0x8e: {  	s15 =	sld [smem:$0x3FFB];
	_ =	sdelay $0x3  }
0x8f: {  	_ =	strace s15  }
0x90: {  	s0 =	sld [smem:$0x3FFC];
	_ =	sdelay $0x3  }
0x91: {  	_ =	strace s0  }
0x92: {  	s0 =	sld [smem:$0x3FFD];
	_ =	sdelay $0x3  }
0x93: {  	_ =	strace s0  }
0x94: {  	_ =	strace $0x8FFFFFFF  }
0x95: {  	s16 =	sld [smem:$0x3FDB];
	_ =	sdelay $0x1  }
0x96: {  	s17 =	simm.s32 $_scs_section_size  }
0x97: {  	s2 =	simm.s32 $_size__tile_overlayer_lowered;
	s3 =	simm.s32 $_tile_overlayer_lowered  }
0x98: {  	s20 =	simm.s32 $0x1BFF;
	s19 =	sshll.u32 s3, $0x1;
	s0 =	sadd.s32 s17, s16  }
0x99: {  	s4 =	simm.s32 $0x0;
	s18 =	sshll.u32 s2, $0x1;
	s2 =	sadd.s32 s19, s0  }
0x9a: {  	[timem:s4], [sflag:s20] =	dma.local [hbm:s2], s18  }
0x9b: {  	_ =	swait.ge [sflag:s20], s18  }
0x9c: {  	s1 =	ssub.s32 $0x0, s18;
	[sflag:s20] =	ssyncset.done $0x0  }
0x9d: {  	[sflag:s20] =	ssyncadd.s32 s1;
	_ =	sdelay $0x1  }
0x9e: {  	s21 =	simm.s32 $0x1B8B  }
0x9f: {  	_ =	swait.ge [sflag:s21], $0x1  }
0xa0: {  	[sflag:s21] =	ssyncset.done $0x0  }
0xa1: {  	s23 =	simm.s32 $0x1B8E;
	s22 =	sld [smem:$0x3FFE];
	[sflag:s21] =	ssyncadd.s32 $0xFFFFFFFF  }
0xa2: {  	s24 =	simm.s32 $execute0_lowered;
	[smem:$0x3FD2] =	sst s23  }
0xa3: {  	s2 =	sshll.u32 s24, $0x1;
	_ =	strace $0x8000004F;
	[dreg:$0x1] =	wrdreg $0xFFFFFFFF  }
0xa4: {  	s25 =	simm.s32 $_size_execute0_lowered;
	s0 =	sadd.s32 s0, s2;
	[dreg:$0x0] =	wrdreg $0x0  }
0xa5: {  	s2 =	sshll.u32 s25, $0x1;
	[dreg:$0x2] =	wrdreg s0  }
0xa6: {  	[dreg:$0x3] =	wrdreg s2  }
0xa7: {  	[dreg:$0x4] =	wrdreg $0xC0  }
0xa8: {  	_ =	task [dreg:s4], $0x5FFFF  }
0xa9: {  	[dreg:$0x1] =	wrdreg $0xFFFFFFFF  }
0xaa: {  	[dreg:$0x0] =	wrdreg $0x60  }
0xab: {  	[dreg:$0x2] =	wrdreg s22  }
0xac: {  	[dreg:$0x3] =	wrdreg $0x100400  }
0xad: {  	[dreg:$0x4] =	wrdreg $0x9  }
0xae: {  	_ =	task.clear_ibuf [dreg:s4], $0x5FFFF;
	_ =	strace $0x9000004F  }
0xaf: {  	s26 =	simm.s32 $0x9;
	_ =	strace $0x80000051  }
0xb0: {  	_ =	swait.ge [sflag:s26], $0x1  }
0xb1: {  	[sflag:s26] =	ssyncadd.s32 $0xFFFFFFFF  }
0xb2: {  	_ =	strace $0x90000051  }
0xb3: {  	_ =	sfence  }
0xb4: {  	s28 =	sld [smem:$0x0];
	_ =	sdelay $0x1  }
0xb5: {  	s29 =	srdreg.scid  }
0xb6: {  	s30 =	sshll.u32 s29, $0xD;
	s31 =	sshrl.u32 s29, $0x2  }
0xb7: {  	s1 =	sand.u32 $0x1, s29;
	s2 =	sand.u32 $0x4000, s30;
	s0 =	sadd.s32 s31, s28  }
0xb8: {  	s1 =	sor.u32 s2, s1;
	s0 =	sshll.u32 s0, $0x11  }
0xb9: {  	s0 =	sor.u32 s0, s1  }
0xba: {  	s0 =	sadd.s32 $0x8F2B, s0  }
0xbb: {  	[sflag:s0] =	ssyncadd.remote.s32 $0x1  }
0xbc: {  	_ =	sfence.sel $0xFFFF  }
0xbd: {  	[dreg:$0x0] =	wrdreg $0xFFFFFFFF;
	(pc) =	sbr.abs _section_cstart, $3  }
0xbe: {  	[dreg:$0x1] =	wrdreg $0xFFFFFFFF  }
0xbf: {  	_ =	task.clear_ibuf [dreg:s4], $0x2FFFF;
	_ =	strace $0x9FFFFFFF  }
0xc0: {  	(tm) =	ssettm $0x7FFFFFFF  }
0xc1: {  	_ =	shalt  }
tec
execute0_lowered:
.L_overlay_start_1:
0x0: {  	(tag) =	ssettag $0x1  }
0x1: {  	s11 =	rddreg [dreg:$0x0]  }
0x2: {  	s6 =	rddreg [dreg:$0x1]  }
0x3: {  	s0 =	rddreg [dreg:$0x2];
	s10 =	simm.s32 $0x0  }
0x4: {  	s1 =	stileid.u32;
	[smem:$0x7FF] =	sst s10  }
0x5: {  	s4 =	sadd.s32 $0x29E00, s11;
	p0 =	seq.s32 s1, $0xF;
	s2 =	sadd.s32 $0x96000, s6  }
0x6: {  	s28 =	smul.u32 $0xA000, s1;
	_ =	strace $0x80000050;
	s3 =	sadd.s32 @p0 $0x12C00, s4  }
0x7: {  	s2 =	sshrl.u32 @p0 s2, $0x3;
	s5 =	simm.s32 @p0 $0x1FCB;
	s7 =	simm.s32 @p0 $0xB  }
0x8: {  	[spmem:s2], [sflag:s5] =	dma.local @p0 [hbm:s3], $0xC80  }
0x9: {  	_ =	swait.ge @p0 [sflag:s7], $0xC80  }
0xa: {  	s3 =	sshrl.u32 s28, $0x3;
	[sflag:s7] =	ssyncset.done @p0 $0x0  }
0xb: {  	s5 =	sadd.s32 s28, s6;
	[sflag:s7] =	ssyncadd.s32 @p0 $0xFFFFF380;
	s7 =	sshll.u32 @!p0 s1, $0x6  }
0xc: {  	s8 =	sadd.s32 @!p0 s4, s3;
	s5 =	sshrl.u32 @!p0 s5, $0x3;
	s4 =	sor.u32 @!p0 $0x1C0B, s7  }
0xd: {  	[spmem:s5], [sflag:s4] =	dma.local @!p0 [hbm:s8], $0x1400  }
0xe: {  	s29 =	smul.u32 $0x9C4, s1;
	s8 =	simm.s32 @!p0 $0xB  }
0xf: {  	_ =	swait.ge @!p0 [sflag:s8], $0x1400  }
0x10: {  	s7 =	sadd.s32 s29, s11;
	[sflag:s8] =	ssyncset.done @!p0 $0x0  }
0x11: {  	s30 =	simm.s32 $0xB;
	s9 =	sadd.s32 $0x2800, s7;
	[sflag:s8] =	ssyncadd.s32 @!p0 $0xFFFFEC00  }
0x12: {  	[tilespmem:s10], [sflag:$0xB] =	stream.linear.gather [hbm4b:s9+s10], $0x4E20, $0x38;
	[tilespmem:$0x19C80] =	vst v63  }
0x13: {  	_ =	swait.ge [sflag:s30], $0x4E20  }
0x14: {  	[sflag:s30] =	ssyncset.done $0x0  }
0x15: {  	s31 =	simm.s32 $0x4E20;
	s7 =	sadd.s32 $0xC600, s7;
	[sflag:s30] =	ssyncadd.s32 $0xFFFFB1E0  }
0x16: {  	[tilespmem:s31], [sflag:$0xB] =	stream.linear.gather [hbm4b:s7+s10], $0x4E20, $0x38;
	[tilespmem:$0x19C80] =	vst v63  }
0x17: {  	_ =	swait.ge [sflag:s30], $0x4E20  }
0x18: {  	[sflag:s30] =	ssyncset.done $0x0  }
0x19: {  	s8 =	simm.s32 $0x50;
	[sflag:s30] =	ssyncadd.s32 $0xFFFFB1E0  }
0x1a: {  	s9 =	simm.s32 $0x9C40;
	s7 =	sadd.s32 $0x16400, s11;
	[bflag:$0x0] =	sbarrier.arrive $0xFFFF  }
0x1b: {  	[tilespmem:s9], [sflag:$0x1] =	stream.indirect.gather [hbm4b:s7+s8], $0x40, s10, s8, $0xb8;
	[tilespmem:$0x19C80] =	vst v63  }
0x1c: {  	s10 =	simm.s32 $0xB040  }
0x1d: {  	[tilespmem:s10], [sflag:$0x2] =	stream.indirect.gather [hbm4b:s7+s8], $0x40, s8, s8, $0xb8;
	[tilespmem:$0x19C80] =	vst v63  }
0x1e: {  	s13 =	simm.s32 $0xA0;
	s12 =	simm.s32 $0xC440  }
0x1f: {  	[tilespmem:s12], [sflag:$0x3] =	stream.indirect.gather [hbm4b:s7+s8], $0x40, s13, s8, $0xb8;
	[tilespmem:$0x19C80] =	vst v63  }
0x20: {  	s14 =	simm.s32 $0xF0;
	s13 =	simm.s32 $0xD840  }
0x21: {  	[tilespmem:s13], [sflag:$0x4] =	stream.indirect.gather [hbm4b:s7+s8], $0x40, s14, s8, $0xb8;
	[tilespmem:$0x19C80] =	vst v63  }
0x22: {  	s15 =	simm.s32 $0x140;
	s14 =	simm.s32 $0xEC40  }
0x23: {  	[tilespmem:s14], [sflag:$0x5] =	stream.indirect.gather [hbm4b:s7+s8], $0x40, s15, s8, $0xb8;
	[tilespmem:$0x19C80] =	vst v63  }
0x24: {  	s15 =	simm.s32 $0x1  }
0x25: {  	_ =	swait.ge [sflag:s15], $0x1400  }
0x26: {  	[sflag:s15] =	ssyncset.done $0x0  }
0x27: {  	s16 =	simm.s32 $0x2;
	s17 =	simm.s32 $0x4E20;
	[sflag:s15] =	ssyncadd.s32 $0xFFFFEC00  }
0x28: {  	[spmem:s6] =	stream.indirect.scatter.add.f32 [tilespmem:s9], [sflag:$0x6], $0x40, s17, s8, $0xb8;
	[tilespmem:$0x19C80] =	vst v63  }
0x29: {  	_ =	swait.ge [sflag:s16], $0x1400  }
0x2a: {  	[sflag:s16] =	ssyncset.done $0x0  }
0x2b: {  	s18 =	simm.s32 $0x4E70;
	s17 =	simm.s32 $0x3;
	[sflag:s16] =	ssyncadd.s32 $0xFFFFEC00  }
0x2c: {  	[spmem:s6] =	stream.indirect.scatter.add.f32 [tilespmem:s10], [sflag:$0x7], $0x40, s18, s8, $0xb8;
	[tilespmem:$0x19C80] =	vst v63  }
0x2d: {  	_ =	swait.ge [sflag:s17], $0x1400  }
0x2e: {  	[sflag:s17] =	ssyncset.done $0x0  }
0x2f: {  	s19 =	simm.s32 $0x4EC0;
	s18 =	simm.s32 $0x4;
	[sflag:s17] =	ssyncadd.s32 $0xFFFFEC00  }
0x30: {  	[spmem:s6] =	stream.indirect.scatter.add.f32 [tilespmem:s12], [sflag:$0x8], $0x40, s19, s8, $0xb8;
	[tilespmem:$0x19C80] =	vst v63  }
0x31: {  	_ =	swait.ge [sflag:s18], $0x1400  }
0x32: {  	[sflag:s18] =	ssyncset.done $0x0  }
0x33: {  	s20 =	simm.s32 $0x4F10;
	s19 =	simm.s32 $0x5;
	[sflag:s18] =	ssyncadd.s32 $0xFFFFEC00  }
0x34: {  	[spmem:s6] =	stream.indirect.scatter.add.f32 [tilespmem:s13], [sflag:$0x9], $0x40, s20, s8, $0xb8;
	[tilespmem:$0x19C80] =	vst v63  }
0x35: {  	_ =	swait.ge [sflag:s19], $0x1400  }
0x36: {  	[sflag:s19] =	ssyncset.done $0x0  }
0x37: {  	s21 =	simm.s32 $0x4F60;
	s20 =	simm.s32 $0x6;
	[sflag:s19] =	ssyncadd.s32 $0xFFFFEC00  }
0x38: {  	[spmem:s6] =	stream.indirect.scatter.add.f32 [tilespmem:s14], [sflag:$0xA], $0x40, s21, s8, $0xb8;
	[tilespmem:$0x19C80] =	vst v63  }
0x39: {  	_ =	swait.ge [sflag:s20], $0x1400  }
0x3a: {  	[sflag:s20] =	ssyncset.done $0x0  }
0x3b: {  	s22 =	simm.s32 $0x190;
	s21 =	simm.s32 $0x7;
	[sflag:s20] =	ssyncadd.s32 $0xFFFFEC00  }
0x3c: {  	[tilespmem:s9], [sflag:$0x1] =	stream.indirect.gather [hbm4b:s7+s8], $0x40, s22, s8, $0xb8;
	[tilespmem:$0x19C80] =	vst v63  }
0x3d: {  	_ =	swait.ge [sflag:s21], $0x1400  }
0x3e: {  	[sflag:s21] =	ssyncset.done $0x0  }
0x3f: {  	s23 =	simm.s32 $0x1E0;
	s22 =	simm.s32 $0x8;
	[sflag:s21] =	ssyncadd.s32 $0xFFFFEC00  }
0x40: {  	[tilespmem:s10], [sflag:$0x2] =	stream.indirect.gather [hbm4b:s7+s8], $0x40, s23, s8, $0xb8;
	[tilespmem:$0x19C80] =	vst v63  }
0x41: {  	_ =	swait.ge [sflag:s22], $0x1400  }
0x42: {  	[sflag:s22] =	ssyncset.done $0x0  }
0x43: {  	s24 =	simm.s32 $0x230;
	s23 =	simm.s32 $0x9;
	[sflag:s22] =	ssyncadd.s32 $0xFFFFEC00  }
0x44: {  	[tilespmem:s12], [sflag:$0x3] =	stream.indirect.gather [hbm4b:s7+s8], $0x40, s24, s8, $0xb8;
	[tilespmem:$0x19C80] =	vst v63  }
0x45: {  	_ =	swait.ge [sflag:s23], $0x1400  }
0x46: {  	[sflag:s23] =	ssyncset.done $0x0  }
0x47: {  	s25 =	simm.s32 $0x280;
	s24 =	simm.s32 $0xA;
	[sflag:s23] =	ssyncadd.s32 $0xFFFFEC00  }
0x48: {  	[tilespmem:s13], [sflag:$0x4] =	stream.indirect.gather [hbm4b:s7+s8], $0x40, s25, s8, $0xb8;
	[tilespmem:$0x19C80] =	vst v63  }
0x49: {  	_ =	swait.ge [sflag:s24], $0x1400  }
0x4a: {  	s26 =	simm.s32 $0x2D0;
	[sflag:s24] =	ssyncset.done $0x0  }
0x4b: {  	s11 =	sadd.s32 $0x3D800, s11;
	s25 =	simm.s32 $0x640;
	[sflag:s24] =	ssyncadd.s32 $0xFFFFEC00  }
.LBB2_1:
0x4c: {  	[tilespmem:s14], [sflag:$0x5] =	stream.indirect.gather [hbm4b:s7+s8], $0x40, s26, s8, $0xb8;
	[tilespmem:$0x19C80] =	vst v63  }
0x4d: {  	s26 =	smov.u32 s25  }
0x4e: {  	p1 =	sne.s32 s25, $0x12C00;
	s25 =	sadd.s32 $0x640, s25;
	_ =	swait.ge [sflag:s15], $0x1400  }
0x4f: {  	s26 =	sshra.s32 s26, $0x2;
	[sflag:s15] =	ssyncset.done $0x0  }
0x50: {  	s28 =	sadd.s32 $0x4E20, s26;
	[sflag:s15] =	ssyncadd.s32 $0xFFFFEC00  }
0x51: {  	[spmem:s6] =	stream.indirect.scatter.add.f32 [tilespmem:s9], [sflag:$0x6], $0x40, s28, s8, $0xb8;
	[tilespmem:$0x19C80] =	vst v63  }
0x52: {  	_ =	swait.ge [sflag:s16], $0x1400  }
0x53: {  	[sflag:s16] =	ssyncset.done $0x0  }
0x54: {  	s28 =	sadd.s32 $0x4E70, s26;
	[sflag:s16] =	ssyncadd.s32 $0xFFFFEC00  }
0x55: {  	[spmem:s6] =	stream.indirect.scatter.add.f32 [tilespmem:s10], [sflag:$0x7], $0x40, s28, s8, $0xb8;
	[tilespmem:$0x19C80] =	vst v63  }
0x56: {  	_ =	swait.ge [sflag:s17], $0x1400  }
0x57: {  	[sflag:s17] =	ssyncset.done $0x0  }
0x58: {  	s28 =	sadd.s32 $0x4EC0, s26;
	[sflag:s17] =	ssyncadd.s32 $0xFFFFEC00  }
0x59: {  	[spmem:s6] =	stream.indirect.scatter.add.f32 [tilespmem:s12], [sflag:$0x8], $0x40, s28, s8, $0xb8;
	[tilespmem:$0x19C80] =	vst v63  }
0x5a: {  	_ =	swait.ge [sflag:s18], $0x1400  }
0x5b: {  	[sflag:s18] =	ssyncset.done $0x0  }
0x5c: {  	s28 =	sadd.s32 $0x4F10, s26;
	[sflag:s18] =	ssyncadd.s32 $0xFFFFEC00  }
0x5d: {  	[spmem:s6] =	stream.indirect.scatter.add.f32 [tilespmem:s13], [sflag:$0x9], $0x40, s28, s8, $0xb8;
	[tilespmem:$0x19C80] =	vst v63  }
0x5e: {  	_ =	swait.ge [sflag:s19], $0x1400  }
0x5f: {  	[sflag:s19] =	ssyncset.done $0x0  }
0x60: {  	s28 =	sadd.s32 $0x4F60, s26;
	[sflag:s19] =	ssyncadd.s32 $0xFFFFEC00  }
0x61: {  	[spmem:s6] =	stream.indirect.scatter.add.f32 [tilespmem:s14], [sflag:$0xA], $0x40, s28, s8, $0xb8;
	[tilespmem:$0x19C80] =	vst v63  }
0x62: {  	_ =	swait.ge [sflag:s20], $0x1400  }
0x63: {  	[sflag:s20] =	ssyncset.done $0x0  }
0x64: {  	s28 =	sadd.s32 $0x190, s26;
	[sflag:s20] =	ssyncadd.s32 $0xFFFFEC00  }
0x65: {  	[tilespmem:s9], [sflag:$0x1] =	stream.indirect.gather [hbm4b:s7+s8], $0x40, s28, s8, $0xb8;
	[tilespmem:$0x19C80] =	vst v63  }
0x66: {  	_ =	swait.ge [sflag:s21], $0x1400  }
0x67: {  	[sflag:s21] =	ssyncset.done $0x0  }
0x68: {  	s28 =	sadd.s32 $0x1E0, s26;
	[sflag:s21] =	ssyncadd.s32 $0xFFFFEC00  }
0x69: {  	[tilespmem:s10], [sflag:$0x2] =	stream.indirect.gather [hbm4b:s7+s8], $0x40, s28, s8, $0xb8;
	[tilespmem:$0x19C80] =	vst v63  }
0x6a: {  	_ =	swait.ge [sflag:s22], $0x1400  }
0x6b: {  	[sflag:s22] =	ssyncset.done $0x0  }
0x6c: {  	s28 =	sadd.s32 $0x230, s26;
	[sflag:s22] =	ssyncadd.s32 $0xFFFFEC00  }
0x6d: {  	[tilespmem:s12], [sflag:$0x3] =	stream.indirect.gather [hbm4b:s7+s8], $0x40, s28, s8, $0xb8;
	[tilespmem:$0x19C80] =	vst v63  }
0x6e: {  	_ =	swait.ge [sflag:s23], $0x1400  }
0x6f: {  	[sflag:s23] =	ssyncset.done $0x0  }
.Ltmp0:
0x70: {  	s28 =	sadd.s32 $0x280, s26;
	[sflag:s23] =	ssyncadd.s32 $0xFFFFEC00;
	(pc) =	sbr.rel @p1 .LBB2_1-.Ltmp0, $4  }
0x71: {  	[tilespmem:s13], [sflag:$0x4] =	stream.indirect.gather [hbm4b:s7+s8], $0x40, s28, s8, $0xb8;
	[tilespmem:$0x19C80] =	vst v63  }
0x72: {  	_ =	swait.ge [sflag:s24], $0x1400  }
0x73: {  	[sflag:s24] =	ssyncset.done $0x0  }
0x74: {  	s26 =	sadd.s32 $0x2D0, s26;
	[sflag:s24] =	ssyncadd.s32 $0xFFFFEC00  }
0x75: {  	[tilespmem:s14], [sflag:$0x5] =	stream.indirect.gather [hbm4b:s7+s8], $0x40, s26, s8, $0xb8;
	[tilespmem:$0x19C80] =	vst v63  }
0x76: {  	s10 =	simm.s32 $0x1  }
0x77: {  	_ =	swait.ge [sflag:s10], $0x1400  }
0x78: {  	s12 =	simm.s32 $0x50;
	s13 =	simm.s32 $0x9AB0;
	[sflag:s10] =	ssyncset.done $0x0  }
0x79: {  	s9 =	simm.s32 $0x9C40;
	s14 =	simm.s32 $0x2;
	[sflag:s10] =	ssyncadd.s32 $0xFFFFEC00  }
0x7a: {  	[spmem:s6] =	stream.indirect.scatter.add.f32 [tilespmem:s9], [sflag:$0x6], $0x40, s13, s12, $0xb8;
	[tilespmem:$0x19C80] =	vst v63  }
0x7b: {  	_ =	swait.ge [sflag:s14], $0x1400  }
0x7c: {  	s15 =	simm.s32 $0x9B00;
	[sflag:s14] =	ssyncset.done $0x0  }
0x7d: {  	s16 =	simm.s32 $0xB040;
	s17 =	simm.s32 $0x3;
	[sflag:s14] =	ssyncadd.s32 $0xFFFFEC00  }
0x7e: {  	[spmem:s6] =	stream.indirect.scatter.add.f32 [tilespmem:s16], [sflag:$0x7], $0x40, s15, s12, $0xb8;
	[tilespmem:$0x19C80] =	vst v63  }
0x7f: {  	_ =	swait.ge [sflag:s17], $0x1400  }
0x80: {  	s18 =	simm.s32 $0x9B50;
	[sflag:s17] =	ssyncset.done $0x0  }
0x81: {  	s19 =	simm.s32 $0xC440;
	s20 =	simm.s32 $0x4;
	[sflag:s17] =	ssyncadd.s32 $0xFFFFEC00  }
0x82: {  	[spmem:s6] =	stream.indirect.scatter.add.f32 [tilespmem:s19], [sflag:$0x8], $0x40, s18, s12, $0xb8;
	[tilespmem:$0x19C80] =	vst v63  }
0x83: {  	_ =	swait.ge [sflag:s20], $0x1400  }
0x84: {  	s21 =	simm.s32 $0x9BA0;
	[sflag:s20] =	ssyncset.done $0x0  }
0x85: {  	s22 =	simm.s32 $0xD840;
	s23 =	simm.s32 $0x5;
	[sflag:s20] =	ssyncadd.s32 $0xFFFFEC00  }
0x86: {  	[spmem:s6] =	stream.indirect.scatter.add.f32 [tilespmem:s22], [sflag:$0x9], $0x40, s21, s12, $0xb8;
	[tilespmem:$0x19C80] =	vst v63  }
0x87: {  	_ =	swait.ge [sflag:s23], $0x1400  }
0x88: {  	s24 =	simm.s32 $0x9BF0;
	[sflag:s23] =	ssyncset.done $0x0  }
0x89: {  	s25 =	simm.s32 $0xEC40;
	s26 =	simm.s32 $0x6;
	[sflag:s23] =	ssyncadd.s32 $0xFFFFEC00  }
0x8a: {  	[spmem:s6] =	stream.indirect.scatter.add.f32 [tilespmem:s25], [sflag:$0xA], $0x40, s24, s12, $0xb8;
	[tilespmem:$0x19C80] =	vst v63  }
0x8b: {  	_ =	swait.ge [sflag:s26], $0x1400  }
0x8c: {  	[sflag:s26] =	ssyncset.done $0x0  }
0x8d: {  	s28 =	simm.s32 $0x7;
	[sflag:s26] =	ssyncadd.s32 $0xFFFFEC00  }
0x8e: {  	_ =	swait.ge [sflag:s28], $0x1400  }
0x8f: {  	[sflag:s28] =	ssyncset.done $0x0  }
0x90: {  	s29 =	simm.s32 $0x8;
	[sflag:s28] =	ssyncadd.s32 $0xFFFFEC00  }
0x91: {  	_ =	swait.ge [sflag:s29], $0x1400  }
0x92: {  	[sflag:s29] =	ssyncset.done $0x0  }
0x93: {  	s30 =	simm.s32 $0x9;
	[sflag:s29] =	ssyncadd.s32 $0xFFFFEC00  }
0x94: {  	_ =	swait.ge [sflag:s30], $0x1400  }
0x95: {  	[sflag:s30] =	ssyncset.done $0x0  }
0x96: {  	s31 =	simm.s32 $0xA;
	[sflag:s30] =	ssyncadd.s32 $0xFFFFEC00  }
0x97: {  	_ =	swait.ge [sflag:s31], $0x1400  }
0x98: {  	[sflag:s31] =	ssyncset.done $0x0  }
0x99: {  	[sflag:s31] =	ssyncadd.s32 $0xFFFFEC00  }
0x9a: {  	s7 =	simm.s32 @p0 $0x1FCB;
	s6 =	sadd.s32 @p0 $0x12C00, s11;
	[bflag:$0x0] =	sbarrier.arrive $0xFFFF  }
0x9b: {  	[hbm:s6], [sflag:s7] =	dma.local @p0 [spmem:s2], $0xC80  }
0x9c: {  	s2 =	simm.s32 @p0 $0xB  }
0x9d: {  	_ =	swait.ge @p0 [sflag:s2], $0xC80  }
0x9e: {  	[sflag:s2] =	ssyncset.done @p0 $0x0  }
0x9f: {  	[sflag:s2] =	ssyncadd.s32 @p0 $0xFFFFF380;
	s2 =	sadd.s32 @!p0 s3, s11  }
0xa0: {  	[hbm:s2], [sflag:s4] =	dma.local @!p0 [spmem:s5], $0x1400  }
0xa1: {  	s2 =	simm.s32 @!p0 $0xB  }
0xa2: {  	_ =	swait.ge @!p0 [sflag:s2], $0x1400  }
0xa3: {  	[sflag:s2] =	ssyncset.done @!p0 $0x0  }
0xa4: {  	[sflag:s2] =	ssyncadd.s32 @!p0 $0xFFFFEC00  }
0xa5: {  	_ =	sfence.sel $0x180000  }
0xa6: {  	[bflag:$0x0] =	sbarrier.arrive $0xFFFF  }
0xa7: {  	p0 =	sne.s32 s1, $0x0;
	_ =	strace $0x90000050  }
0xa8: {  	s0 =	sadd.s32 @!p0 $0x100000, s0;
	[bflag:$0x2] =	sbarrier.arrive $0xFFFF  }
0xa9: {  	[sflag:s0] =	ssyncadd.tile.s32 @!p0 $0x1;
	_ =	shalt  }
.Lfunc_end2:
_tile_overlayer_lowered:
.L_overlay_start_2:
0xaa: {  	(tag) =	ssettag $0x2  }
0xab: {  	s0 =	rddreg [dreg:$0x0];
	s2 =	stileid.u32  }
0xac: {  	s1 =	rddreg [dreg:$0x1];
	p0 =	sne.s32 s2, $0x0  }
0xad: {  	s3 =	rddreg [dreg:$0x2];
	[bflag:$0x3] =	sbarrier.arrive $0xFFFF;
	s2 =	simm.s32 @!p0 $0x1C0B  }
0xae: {  	[timem:s3], [sflag:s2] =	dma.local @!p0 [hbm:s0], s1  }
0xaf: {  	s0 =	simm.s32 @!p0 $0xB  }
0xb0: {  	_ =	swait.ge @!p0 [sflag:s0], s1  }
0xb1: {  	s1 =	ssub.s32 @!p0 $0x0, s1;
	[sflag:s0] =	ssyncset.done @!p0 $0x0  }
0xb2: {  	[sflag:s0] =	ssyncadd.s32 @!p0 s1  }
0xb3: {  	[bflag:$0x3] =	sbarrier.arrive $0xFFFF  }
0xb4: {  	_ =	shalt  }

</sc_bundles>
